<compile_context>
chip_gen: v7x
topology: tpu7x:2x2x1
jax: 0.10.2.dev20260603
libtpu: 0.0.44.dev20260713+nightly
codegen_flags: <defaults>
</compile_context>

<pallas_src>
import functools

import jax
import jax.numpy as jnp
from jax import lax
from jax.experimental import pallas as pl
from jax.experimental.pallas import tpu as pltpu
from jax.experimental.pallas import tpu_sc as plsc

N, E, D, H, T = 10000, 320000, 128, 128, 4


_BLK = 1000


def _enc_body(x_ref, win_ref, bin_ref, wcat_ref, bcat_ref, h_ref, at_ref, bt_ref):
    h = jnp.maximum(
        jnp.dot(x_ref[...], win_ref[...], preferred_element_type=jnp.float32)
        + bin_ref[...],
        0.0,
    )
    L = jnp.dot(h, wcat_ref[...], preferred_element_type=jnp.float32) + bcat_ref[...]
    La = L[:, 0:4]
    Lb = L[:, 4:8]
    A = jnp.exp(La - jnp.max(La, axis=1, keepdims=True))
    B = jnp.exp(Lb - jnp.max(Lb, axis=1, keepdims=True))
    h_ref[...] = h
    z12 = jnp.zeros((A.shape[0], 12), jnp.float32)
    at_ref[...] = jnp.concatenate([A, z12], axis=1)
    bt_ref[...] = jnp.concatenate([B, z12], axis=1)


def _encode(x, W_in, b_in, W_cat, b_cat):
    return pl.pallas_call(
        _enc_body,
        grid=(N // _BLK,),
        in_specs=[
            pl.BlockSpec((_BLK, D), lambda i: (i, 0)),
            pl.BlockSpec((D, H), lambda i: (0, 0)),
            pl.BlockSpec((1, H), lambda i: (0, 0)),
            pl.BlockSpec((H, 8), lambda i: (0, 0)),
            pl.BlockSpec((1, 8), lambda i: (0, 0)),
        ],
        out_specs=[
            pl.BlockSpec((_BLK, H), lambda i: (i, 0)),
            pl.BlockSpec((_BLK, 16), lambda i: (i, 0)),
            pl.BlockSpec((_BLK, 16), lambda i: (i, 0)),
        ],
        out_shape=[
            jax.ShapeDtypeStruct((N, H), jnp.float32),
            jax.ShapeDtypeStruct((N, 16), jnp.float32),
            jax.ShapeDtypeStruct((N, 16), jnp.float32),
        ],
    )(x, W_in, b_in, W_cat, b_cat)




def _dec_body(h_ref, agg_ref, wout_ref, bout_ref, o_ref):
    s = h_ref[...] + agg_ref[0] + agg_ref[1]
    o_ref[...] = jnp.maximum(
        jnp.dot(s, wout_ref[...], preferred_element_type=jnp.float32)
        + bout_ref[...],
        0.0,
    )


def _decode(h, agg2, W_out, b_out):
    return pl.pallas_call(
        _dec_body,
        grid=(N // _BLK,),
        in_specs=[
            pl.BlockSpec((_BLK, H), lambda i: (i, 0)),
            pl.BlockSpec((2, _BLK, H), lambda i: (0, i, 0)),
            pl.BlockSpec((H, H), lambda i: (0, 0)),
            pl.BlockSpec((1, H), lambda i: (0, 0)),
        ],
        out_specs=pl.BlockSpec((_BLK, H), lambda i: (i, 0)),
        out_shape=jax.ShapeDtypeStruct((N, H), jnp.float32),
    )(h, agg2, W_out, b_out)



_NC, _NS, _L = 2, 16, 16
_NW = _NC * _NS
_EPW = E // _NW
_K = 80
_NCH = _EPW // _K
_ZR = 104
_RPT = 624


def _edge_body(h_hbm, at_hbm, bt_hbm, gt_hbm, src_hbm, dst_hbm, out_hbm,
               gt_v, srcb, dstb, rows, absb, abdb, ubuf, agg_sh,
               isem, gsem, ssem):
    cid = lax.axis_index("c")
    sid = lax.axis_index("s")
    wid = sid * _NC + cid
    base = wid * _EPW

    pltpu.sync_copy(gt_hbm, gt_v)

    gt_regs = [[gt_v[t, pl.ds(j * _L, _L)] for j in range(8)] for t in range(T)]

    zvec = jnp.zeros((_L,), jnp.float32)

    def _zrow(i, c):
        for j in range(8):
            rows[0, i, pl.ds(j * _L, _L)] = zvec
        return c

    lax.fori_loop(0, _K, _zrow, 0)
    for i in range(7):
        pltpu.sync_copy(rows.at[0], agg_sh.at[pl.ds(sid * _RPT + i * _K, _K)])
    pltpu.sync_copy(rows.at[0].at[pl.ds(0, 64)],
                    agg_sh.at[pl.ds(sid * _RPT + 7 * _K, 64)])

    @pl.when(sid == _NS - 1)
    def _zero_tail():
        pltpu.sync_copy(rows.at[0].at[pl.ds(0, N - _NS * _RPT)],
                        agg_sh.at[pl.ds(_NS * _RPT, N - _NS * _RPT)])

    plsc.subcore_barrier()


    def _issue_idx(c):
        off = base + c * _K
        s4 = lax.rem(c, 4)
        p2 = lax.rem(c, 2)
        pltpu.async_copy(src_hbm.at[pl.ds(off, _K)], srcb.at[s4], isem.at[p2])
        pltpu.async_copy(dst_hbm.at[pl.ds(off, _K)], dstb.at[s4], isem.at[p2])

    def _wait_idx(c):
        off = base + c * _K
        s4 = lax.rem(c, 4)
        p2 = lax.rem(c, 2)
        pltpu.make_async_copy(src_hbm.at[pl.ds(off, _K)], srcb.at[s4],
                              isem.at[p2]).wait()
        pltpu.make_async_copy(dst_hbm.at[pl.ds(off, _K)], dstb.at[s4],
                              isem.at[p2]).wait()

    def _issue_gather(c):
        r3 = lax.rem(c, 3)
        s4 = lax.rem(c, 4)
        pltpu.async_copy(h_hbm.at[srcb.at[s4]], rows.at[r3], gsem)
        pltpu.async_copy(at_hbm.at[srcb.at[s4]], absb.at[r3], gsem)
        pltpu.async_copy(bt_hbm.at[dstb.at[s4]], abdb.at[r3], gsem)

    def _wait_gather(c):
        r3 = lax.rem(c, 3)
        s4 = lax.rem(c, 4)
        pltpu.make_async_copy(h_hbm.at[srcb.at[s4]], rows.at[r3], gsem).wait()
        pltpu.make_async_copy(at_hbm.at[srcb.at[s4]], absb.at[r3], gsem).wait()
        pltpu.make_async_copy(bt_hbm.at[dstb.at[s4]], abdb.at[r3], gsem).wait()

    def _issue_scatter(c):
        r3 = lax.rem(c, 3)
        s4 = lax.rem(c, 4)
        p2 = lax.rem(c, 2)
        pltpu.async_copy(rows.at[r3], agg_sh.at[dstb.at[s4]], ssem.at[p2],
                         add=True)

    def _wait_scatter(c):
        r3 = lax.rem(c, 3)
        s4 = lax.rem(c, 4)
        p2 = lax.rem(c, 2)
        pltpu.make_async_copy(rows.at[r3], agg_sh.at[dstb.at[s4]],
                              ssem.at[p2]).wait()

    iota = jnp.arange(_L, dtype=jnp.int32)
    cb = [jnp.full((_L,), t, jnp.int32) for t in range(T)]

    def _bcast(v, idx):
        return v.at[idx].get(mode="promise_in_bounds")

    def _compute(c):
        r3 = lax.rem(c, 3)
        r3v = jnp.broadcast_to(r3, (_L,))

        @plsc.parallel_loop(0, _K // _L, step=1)
        def _head(q):
            ev = iota + q * _L
            ws = []
            for t in range(T):
                a_t = plsc.load_gather(absb, [r3v, ev, cb[t]])
                b_t = plsc.load_gather(abdb, [r3v, ev, cb[t]])
                ws.append(a_t * b_t)
            z = (ws[0] + ws[1]) + (ws[2] + ws[3])
            bits = lax.bitcast_convert_type(z, jnp.int32)
            y = lax.bitcast_convert_type(jnp.int32(0x7EF477D5) - bits,
                                         jnp.float32)
            for _ in range(2):
                y = y * (2.0 - z * y)
            for t in range(T):
                plsc.store_scatter(ubuf, [ev, cb[t]], ws[t] * y)

        @plsc.parallel_loop(0, _K, step=1, unroll=2)
        def _edge(e):
            urow = ubuf[e]
            ub = [_bcast(urow, cb[t]) for t in range(T)]
            re = rows.at[r3, e]
            for j in range(8):
                gv = (ub[0] * gt_regs[0][j] + ub[1] * gt_regs[1][j]
                      + ub[2] * gt_regs[2][j] + ub[3] * gt_regs[3][j])
                sl = pl.ds(j * _L, _L)
                re[sl] = re[sl] * gv

    _issue_idx(0)
    _issue_idx(1)
    _wait_idx(0)
    _issue_gather(0)

    def _chunk(g, c):
        @pl.when(g >= 2)
        def _():
            _wait_scatter(g - 2)

        @pl.when(g + 2 < _NCH)
        def _():
            _issue_idx(g + 2)

        @pl.when(g + 1 < _NCH)
        def _():
            _wait_idx(g + 1)
            _issue_gather(g + 1)

        _wait_gather(g)
        _compute(g)
        _issue_scatter(g)
        return c

    lax.fori_loop(0, _NCH, _chunk, 0)
    _wait_scatter(_NCH - 2)
    _wait_scatter(_NCH - 1)
    plsc.subcore_barrier()

    for i in range(7):
        r0 = sid * _RPT + i * _K
        pltpu.sync_copy(agg_sh.at[pl.ds(r0, _K)], rows.at[0])
        pltpu.sync_copy(rows.at[0], out_hbm.at[cid, pl.ds(r0, _K)])
    r0 = sid * _RPT + 7 * _K
    pltpu.sync_copy(agg_sh.at[pl.ds(r0, 64)], rows.at[0].at[pl.ds(0, 64)])
    pltpu.sync_copy(rows.at[0].at[pl.ds(0, 64)], out_hbm.at[cid, pl.ds(r0, 64)])

    @pl.when(sid == _NS - 1)
    def _copy_tail():
        tail = N - _NS * _RPT
        pltpu.sync_copy(agg_sh.at[pl.ds(_NS * _RPT, tail)],
                        rows.at[1].at[pl.ds(0, tail)])
        pltpu.sync_copy(rows.at[1].at[pl.ds(0, tail)],
                        out_hbm.at[cid, pl.ds(_NS * _RPT, tail)])


_edge_sc = functools.partial(
    pl.kernel,
    out_type=jax.ShapeDtypeStruct((_NC, N, H), jnp.float32),
    mesh=plsc.VectorSubcoreMesh(core_axis_name="c", subcore_axis_name="s"),
    scratch_types=[
        pltpu.VMEM((T, H), jnp.float32),
        pltpu.VMEM((4, _K), jnp.int32),
        pltpu.VMEM((4, _K), jnp.int32),
        pltpu.VMEM((3, _K, H), jnp.float32),
        pltpu.VMEM((3, _K, 16), jnp.float32),
        pltpu.VMEM((3, _K, 16), jnp.float32),
        pltpu.VMEM((_K, 16), jnp.float32),
        pltpu.VMEM_SHARED((N, H), jnp.float32),
        pltpu.SemaphoreType.DMA((2,)),
        pltpu.SemaphoreType.DMA,
        pltpu.SemaphoreType.DMA((2,)),
    ],
    compiler_params=pltpu.CompilerParams(use_tc_tiling_on_sc=False,
                                         needs_layout_passes=False),
)(_edge_body)




def kernel(x, edge_index, W_in, b_in, W_rel, b_rel, type_gate, W_out, b_out):
    W_cat = jnp.concatenate([W_rel[:H], W_rel[H:]], axis=1)
    b_cat = jnp.concatenate([jnp.zeros((T,), jnp.float32), b_rel]).reshape(1, 8)
    h, at, bt = _encode(x, W_in, b_in.reshape(1, H), W_cat, b_cat)
    src = edge_index[0]
    dst = edge_index[1]
    agg2 = _edge_sc(h, at, bt, type_gate, src, dst)
    return _decode(h, agg2, W_out, b_out.reshape(1, H))

# --- scband reference (transcript-rebuilt; emitter-appended) ---
"""Pipeline reference for scband-gnnpipeline-62998580298354 (READ-ONLY COPY).

The authoritative reference and input builder live on the scoring server;
editing this copy changes nothing except your own understanding.
"""

import jax, jax.numpy as jnp
import numpy as np

N, E, D, H, T = 10000, 320000, 128, 128, 4

def setup_inputs(seed: int = 0) -> dict:
    key = jax.random.key(seed)
    ks = jax.random.split(key, 10)
    x = jax.random.normal(ks[0], (N, D), dtype=jnp.float32)
    edge_index = jax.random.randint(ks[1], (2, E), 0, N, dtype=jnp.int32)
    # learned parameters sized per config (h_dim=128, num_edge_types=4)
    W_in = jax.random.normal(ks[2], (D, H), dtype=jnp.float32) * (1.0 / np.sqrt(D))
    b_in = jnp.zeros((H,), dtype=jnp.float32)
    W_rel = jax.random.normal(ks[3], (2 * H, T), dtype=jnp.float32) * (1.0 / np.sqrt(2 * H))
    b_rel = jnp.zeros((T,), dtype=jnp.float32)
    type_gate = jax.random.normal(ks[4], (T, H), dtype=jnp.float32) * (1.0 / np.sqrt(T))
    W_out = jax.random.normal(ks[5], (H, H), dtype=jnp.float32) * (1.0 / np.sqrt(H))
    b_out = jnp.zeros((H,), dtype=jnp.float32)
    return {"x": x, "edge_index": edge_index, "W_in": W_in, "b_in": b_in,
            "W_rel": W_rel, "b_rel": b_rel, "type_gate": type_gate,
            "W_out": W_out, "b_out": b_out}

def reference(x, edge_index, W_in, b_in, W_rel, b_rel, type_gate, W_out, b_out):
    # 1) feature encoder: per-node MLP (FJMPFeatureEncoder core)
    h = jax.nn.relu(x @ W_in + b_in)
    src = edge_index[0]
    dst = edge_index[1]
    # 2) relation header: edge logits from concatenated endpoint features
    h_src = jnp.take(h, src, axis=0)
    h_dst = jnp.take(h, dst, axis=0)
    edge_logits = jnp.concatenate([h_src, h_dst], axis=-1) @ W_rel + b_rel
    # 3) my_softmax over edge types -> edge_probs
    edge_probs = jax.nn.softmax(edge_logits, axis=-1)
    # 4) message passing: type-gated messages scatter-added to dst nodes
    gate = edge_probs @ type_gate  # [E, H]
    msg = h_src * gate
    agg = jax.ops.segment_sum(msg, dst, num_segments=h.shape[0])
    # 5) decoder projection
    out = jax.nn.relu((h + agg) @ W_out + b_out)
    return out

if __name__ == "__main__":
    import jax
    _d = setup_inputs()
    print(jax.jit(kernel)(*tuple(_d.values())))

</pallas_src>

<mosaic_0001>
#map = affine_map<(d0, d1) -> (0, 0)>
#map1 = affine_map<(d0, d1) -> (0)>
#map2 = affine_map<(d0, d1) -> (0, 0, 0)>
module attributes {stable_mosaic.version = 14 : i64} {
  func.func @_edge_body(%arg0: i32, %arg1: i32, %arg2: memref<10000x128xf32, #tpu.memory_space<hbm>>, %arg3: memref<10000x16xf32, #tpu.memory_space<hbm>>, %arg4: memref<10000x16xf32, #tpu.memory_space<hbm>>, %arg5: memref<4x128xf32, #tpu.memory_space<hbm>>, %arg6: memref<320000xi32, #tpu.memory_space<hbm>>, %arg7: memref<320000xi32, #tpu.memory_space<hbm>>, %arg8: memref<2x10000x128xf32, #tpu.memory_space<hbm>>, %arg9: memref<4x128xf32, #tpu.memory_space<vmem>>, %arg10: memref<4x80xi32, #tpu.memory_space<vmem>>, %arg11: memref<4x80xi32, #tpu.memory_space<vmem>>, %arg12: memref<3x80x128xf32, #tpu.memory_space<vmem>>, %arg13: memref<3x80x16xf32, #tpu.memory_space<vmem>>, %arg14: memref<3x80x16xf32, #tpu.memory_space<vmem>>, %arg15: memref<80x16xf32, #tpu.memory_space<vmem>>, %arg16: memref<10000x128xf32, #tpu.memory_space<vmem_shared>>, %arg17: memref<2x!tpu.dma_semaphore, #tpu.memory_space<semaphore_mem>>, %arg18: memref<!tpu.dma_semaphore, #tpu.memory_space<semaphore_mem>>, %arg19: memref<2x!tpu.dma_semaphore, #tpu.memory_space<semaphore_mem>>) attributes {dimension_semantics = [#tpu.dimension_semantics<core_parallel>, #tpu.dimension_semantics<subcore_parallel>], iteration_bounds = array<i64: 2, 16>, scalar_prefetch = 0 : i64, scratch_operands = 11 : i64, tpu.core_type = #tpu.core_type<sc_vector_subcore>, window_params = [{transform_indices = #map}, {transform_indices = #map}, {transform_indices = #map}, {transform_indices = #map}, {transform_indices = #map1}, {transform_indices = #map1}, {transform_indices = #map2}]} {
    %mul3A = arith.constant 2 : i32
    %mul3A_0 = arith.muli %arg1, %mul3A : i32
    %add3A = arith.addi %mul3A_0, %arg0 : i32
    %mul3A_1 = arith.constant 10000 : i32
    %mul3A_2 = arith.muli %add3A, %mul3A_1 : i32
    "tpu.region"() ({
      %run_scoped3A_404 = tpu.sem_alloc : memref<!tpu.dma_semaphore, #tpu.memory_space<semaphore_mem>>
      tpu.enqueue_dma source(%arg5 : memref<4x128xf32, #tpu.memory_space<hbm>>) target(%arg9 : memref<4x128xf32, #tpu.memory_space<vmem>>) target_semaphore(%run_scoped3A_404 : memref<!tpu.dma_semaphore, #tpu.memory_space<semaphore_mem>>)
      tpu.wait_dma2 semaphore(%run_scoped3A_404 : memref<!tpu.dma_semaphore, #tpu.memory_space<semaphore_mem>>) src(%arg5 : memref<4x128xf32, #tpu.memory_space<hbm>>) dst(%arg9 : memref<4x128xf32, #tpu.memory_space<vmem>>)
      tpu.yield
    }) : () -> ()
    %get3A = arith.constant 0 : i32
    %get3A_3 = arith.index_cast %get3A : i32 to index
    %get3A_4 = arith.constant 0 : index
    %get3A_5 = tpu.vector_load %arg9[%get3A_3, %get3A_4] {strides = array<i32>} : memref<4x128xf32, #tpu.memory_space<vmem>>, vector<16xf32>,
    %get3A_6 = arith.constant 0 : i32
    %get3A_7 = arith.index_cast %get3A_6 : i32 to index
    %get3A_8 = arith.constant 16 : index
    %get3A_9 = tpu.vector_load %arg9[%get3A_7, %get3A_8] {strides = array<i32>} : memref<4x128xf32, #tpu.memory_space<vmem>>, vector<16xf32>,
    %get3A_10 = arith.constant 0 : i32
    %get3A_11 = arith.index_cast %get3A_10 : i32 to index
    %get3A_12 = arith.constant 32 : index
    %get3A_13 = tpu.vector_load %arg9[%get3A_11, %get3A_12] {strides = array<i32>} : memref<4x128xf32, #tpu.memory_space<vmem>>, vector<16xf32>,
    %get3A_14 = arith.constant 0 : i32
    %get3A_15 = arith.index_cast %get3A_14 : i32 to index
    %get3A_16 = arith.constant 48 : index
    %get3A_17 = tpu.vector_load %arg9[%get3A_15, %get3A_16] {strides = array<i32>} : memref<4x128xf32, #tpu.memory_space<vmem>>, vector<16xf32>,
    %get3A_18 = arith.constant 0 : i32
    %get3A_19 = arith.index_cast %get3A_18 : i32 to index
    %get3A_20 = arith.constant 64 : index
    %get3A_21 = tpu.vector_load %arg9[%get3A_19, %get3A_20] {strides = array<i32>} : memref<4x128xf32, #tpu.memory_space<vmem>>, vector<16xf32>,
    %get3A_22 = arith.constant 0 : i32
    %get3A_23 = arith.index_cast %get3A_22 : i32 to index
    %get3A_24 = arith.constant 80 : index
    %get3A_25 = tpu.vector_load %arg9[%get3A_23, %get3A_24] {strides = array<i32>} : memref<4x128xf32, #tpu.memory_space<vmem>>, vector<16xf32>,
    %get3A_26 = arith.constant 0 : i32
    %get3A_27 = arith.index_cast %get3A_26 : i32 to index
    %get3A_28 = arith.constant 96 : index
    %get3A_29 = tpu.vector_load %arg9[%get3A_27, %get3A_28] {strides = array<i32>} : memref<4x128xf32, #tpu.memory_space<vmem>>, vector<16xf32>,
    %get3A_30 = arith.constant 0 : i32
    %get3A_31 = arith.index_cast %get3A_30 : i32 to index
    %get3A_32 = arith.constant 112 : index
    %get3A_33 = tpu.vector_load %arg9[%get3A_31, %get3A_32] {strides = array<i32>} : memref<4x128xf32, #tpu.memory_space<vmem>>, vector<16xf32>,
    %get3A_34 = arith.constant 1 : i32
    %get3A_35 = arith.index_cast %get3A_34 : i32 to index
    %get3A_36 = arith.constant 0 : index
    %get3A_37 = tpu.vector_load %arg9[%get3A_35, %get3A_36] {strides = array<i32>} : memref<4x128xf32, #tpu.memory_space<vmem>>, vector<16xf32>,
    %get3A_38 = arith.constant 1 : i32
    %get3A_39 = arith.index_cast %get3A_38 : i32 to index
    %get3A_40 = arith.constant 16 : index
    %get3A_41 = tpu.vector_load %arg9[%get3A_39, %get3A_40] {strides = array<i32>} : memref<4x128xf32, #tpu.memory_space<vmem>>, vector<16xf32>,
    %get3A_42 = arith.constant 1 : i32
    %get3A_43 = arith.index_cast %get3A_42 : i32 to index
    %get3A_44 = arith.constant 32 : index
    %get3A_45 = tpu.vector_load %arg9[%get3A_43, %get3A_44] {strides = array<i32>} : memref<4x128xf32, #tpu.memory_space<vmem>>, vector<16xf32>,
    %get3A_46 = arith.constant 1 : i32
    %get3A_47 = arith.index_cast %get3A_46 : i32 to index
    %get3A_48 = arith.constant 48 : index
    %get3A_49 = tpu.vector_load %arg9[%get3A_47, %get3A_48] {strides = array<i32>} : memref<4x128xf32, #tpu.memory_space<vmem>>, vector<16xf32>,
    %get3A_50 = arith.constant 1 : i32
    %get3A_51 = arith.index_cast %get3A_50 : i32 to index
    %get3A_52 = arith.constant 64 : index
    %get3A_53 = tpu.vector_load %arg9[%get3A_51, %get3A_52] {strides = array<i32>} : memref<4x128xf32, #tpu.memory_space<vmem>>, vector<16xf32>,
    %get3A_54 = arith.constant 1 : i32
    %get3A_55 = arith.index_cast %get3A_54 : i32 to index
    %get3A_56 = arith.constant 80 : index
    %get3A_57 = tpu.vector_load %arg9[%get3A_55, %get3A_56] {strides = array<i32>} : memref<4x128xf32, #tpu.memory_space<vmem>>, vector<16xf32>,
    %get3A_58 = arith.constant 1 : i32
    %get3A_59 = arith.index_cast %get3A_58 : i32 to index
    %get3A_60 = arith.constant 96 : index
    %get3A_61 = tpu.vector_load %arg9[%get3A_59, %get3A_60] {strides = array<i32>} : memref<4x128xf32, #tpu.memory_space<vmem>>, vector<16xf32>,
    %get3A_62 = arith.constant 1 : i32
    %get3A_63 = arith.index_cast %get3A_62 : i32 to index
    %get3A_64 = arith.constant 112 : index
    %get3A_65 = tpu.vector_load %arg9[%get3A_63, %get3A_64] {strides = array<i32>} : memref<4x128xf32, #tpu.memory_space<vmem>>, vector<16xf32>,
    %get3A_66 = arith.constant 2 : i32
    %get3A_67 = arith.index_cast %get3A_66 : i32 to index
    %get3A_68 = arith.constant 0 : index
    %get3A_69 = tpu.vector_load %arg9[%get3A_67, %get3A_68] {strides = array<i32>} : memref<4x128xf32, #tpu.memory_space<vmem>>, vector<16xf32>,
    %get3A_70 = arith.constant 2 : i32
    %get3A_71 = arith.index_cast %get3A_70 : i32 to index
    %get3A_72 = arith.constant 16 : index
    %get3A_73 = tpu.vector_load %arg9[%get3A_71, %get3A_72] {strides = array<i32>} : memref<4x128xf32, #tpu.memory_space<vmem>>, vector<16xf32>,
    %get3A_74 = arith.constant 2 : i32
    %get3A_75 = arith.index_cast %get3A_74 : i32 to index
    %get3A_76 = arith.constant 32 : index
    %get3A_77 = tpu.vector_load %arg9[%get3A_75, %get3A_76] {strides = array<i32>} : memref<4x128xf32, #tpu.memory_space<vmem>>, vector<16xf32>,
    %get3A_78 = arith.constant 2 : i32
    %get3A_79 = arith.index_cast %get3A_78 : i32 to index
    %get3A_80 = arith.constant 48 : index
    %get3A_81 = tpu.vector_load %arg9[%get3A_79, %get3A_80] {strides = array<i32>} : memref<4x128xf32, #tpu.memory_space<vmem>>, vector<16xf32>,
    %get3A_82 = arith.constant 2 : i32
    %get3A_83 = arith.index_cast %get3A_82 : i32 to index
    %get3A_84 = arith.constant 64 : index
    %get3A_85 = tpu.vector_load %arg9[%get3A_83, %get3A_84] {strides = array<i32>} : memref<4x128xf32, #tpu.memory_space<vmem>>, vector<16xf32>,
    %get3A_86 = arith.constant 2 : i32
    %get3A_87 = arith.index_cast %get3A_86 : i32 to index
    %get3A_88 = arith.constant 80 : index
    %get3A_89 = tpu.vector_load %arg9[%get3A_87, %get3A_88] {strides = array<i32>} : memref<4x128xf32, #tpu.memory_space<vmem>>, vector<16xf32>,
    %get3A_90 = arith.constant 2 : i32
    %get3A_91 = arith.index_cast %get3A_90 : i32 to index
    %get3A_92 = arith.constant 96 : index
    %get3A_93 = tpu.vector_load %arg9[%get3A_91, %get3A_92] {strides = array<i32>} : memref<4x128xf32, #tpu.memory_space<vmem>>, vector<16xf32>,
    %get3A_94 = arith.constant 2 : i32
    %get3A_95 = arith.index_cast %get3A_94 : i32 to index
    %get3A_96 = arith.constant 112 : index
    %get3A_97 = tpu.vector_load %arg9[%get3A_95, %get3A_96] {strides = array<i32>} : memref<4x128xf32, #tpu.memory_space<vmem>>, vector<16xf32>,
    %get3A_98 = arith.constant 3 : i32
    %get3A_99 = arith.index_cast %get3A_98 : i32 to index
    %get3A_100 = arith.constant 0 : index
    %get3A_101 = tpu.vector_load %arg9[%get3A_99, %get3A_100] {strides = array<i32>} : memref<4x128xf32, #tpu.memory_space<vmem>>, vector<16xf32>,
    %get3A_102 = arith.constant 3 : i32
    %get3A_103 = arith.index_cast %get3A_102 : i32 to index
    %get3A_104 = arith.constant 16 : index
    %get3A_105 = tpu.vector_load %arg9[%get3A_103, %get3A_104] {strides = array<i32>} : memref<4x128xf32, #tpu.memory_space<vmem>>, vector<16xf32>,
    %get3A_106 = arith.constant 3 : i32
    %get3A_107 = arith.index_cast %get3A_106 : i32 to index
    %get3A_108 = arith.constant 32 : index
    %get3A_109 = tpu.vector_load %arg9[%get3A_107, %get3A_108] {strides = array<i32>} : memref<4x128xf32, #tpu.memory_space<vmem>>, vector<16xf32>,
    %get3A_110 = arith.constant 3 : i32
    %get3A_111 = arith.index_cast %get3A_110 : i32 to index
    %get3A_112 = arith.constant 48 : index
    %get3A_113 = tpu.vector_load %arg9[%get3A_111, %get3A_112] {strides = array<i32>} : memref<4x128xf32, #tpu.memory_space<vmem>>, vector<16xf32>,
    %get3A_114 = arith.constant 3 : i32
    %get3A_115 = arith.index_cast %get3A_114 : i32 to index
    %get3A_116 = arith.constant 64 : index
    %get3A_117 = tpu.vector_load %arg9[%get3A_115, %get3A_116] {strides = array<i32>} : memref<4x128xf32, #tpu.memory_space<vmem>>, vector<16xf32>,
    %get3A_118 = arith.constant 3 : i32
    %get3A_119 = arith.index_cast %get3A_118 : i32 to index
    %get3A_120 = arith.constant 80 : index
    %get3A_121 = tpu.vector_load %arg9[%get3A_119, %get3A_120] {strides = array<i32>} : memref<4x128xf32, #tpu.memory_space<vmem>>, vector<16xf32>,
    %get3A_122 = arith.constant 3 : i32
    %get3A_123 = arith.index_cast %get3A_122 : i32 to index
    %get3A_124 = arith.constant 96 : index
    %get3A_125 = tpu.vector_load %arg9[%get3A_123, %get3A_124] {strides = array<i32>} : memref<4x128xf32, #tpu.memory_space<vmem>>, vector<16xf32>,
    %get3A_126 = arith.constant 3 : i32
    %get3A_127 = arith.index_cast %get3A_126 : i32 to index
    %get3A_128 = arith.constant 112 : index
    %get3A_129 = tpu.vector_load %arg9[%get3A_127, %get3A_128] {strides = array<i32>} : memref<4x128xf32, #tpu.memory_space<vmem>>, vector<16xf32>,
    %broadcast_in_dim3A = arith.constant 0.000000e+00 : f32
    %broadcast_in_dim3A_130 = vector.broadcast %broadcast_in_dim3A : f32 to vector<16xf32>
    %scan3A = arith.constant 0 : i32
    %scan3A_131 = arith.constant 0 : i32
    %scan3A_132 = arith.constant 80 : i32
    %scan3A_133 = arith.addi %scan3A_131, %scan3A_132 : i32
    %scan3A_134 = arith.constant 1 : i32
    scf.for %scan3A_404 = %scan3A_131 to %scan3A_133 step %scan3A_134  : i32 {
      %swap3A = arith.constant 0 : i32
      %swap3A_405 = arith.index_cast %swap3A : i32 to index
      %swap3A_406 = arith.index_cast %scan3A_404 : i32 to index
      %swap3A_407 = arith.constant 0 : index
      %swap3A_408 = tpu.vector_load %arg12[%swap3A_405, %swap3A_406, %swap3A_407] {strides = array<i32>} : memref<3x80x128xf32, #tpu.memory_space<vmem>>, vector<16xf32>,
      tpu.vector_store %arg12[%swap3A_405, %swap3A_406, %swap3A_407], %broadcast_in_dim3A_130 {strides = array<i32>} : memref<3x80x128xf32, #tpu.memory_space<vmem>>, vector<16xf32>,
      %swap3A_409 = arith.constant 0 : i32
      %swap3A_410 = arith.index_cast %swap3A_409 : i32 to index
      %swap3A_411 = arith.index_cast %scan3A_404 : i32 to index
      %swap3A_412 = arith.constant 16 : index
      %swap3A_413 = tpu.vector_load %arg12[%swap3A_410, %swap3A_411, %swap3A_412] {strides = array<i32>} : memref<3x80x128xf32, #tpu.memory_space<vmem>>, vector<16xf32>,
      tpu.vector_store %arg12[%swap3A_410, %swap3A_411, %swap3A_412], %broadcast_in_dim3A_130 {strides = array<i32>} : memref<3x80x128xf32, #tpu.memory_space<vmem>>, vector<16xf32>,
      %swap3A_414 = arith.constant 0 : i32
      %swap3A_415 = arith.index_cast %swap3A_414 : i32 to index
      %swap3A_416 = arith.index_cast %scan3A_404 : i32 to index
      %swap3A_417 = arith.constant 32 : index
      %swap3A_418 = tpu.vector_load %arg12[%swap3A_415, %swap3A_416, %swap3A_417] {strides = array<i32>} : memref<3x80x128xf32, #tpu.memory_space<vmem>>, vector<16xf32>,
      tpu.vector_store %arg12[%swap3A_415, %swap3A_416, %swap3A_417], %broadcast_in_dim3A_130 {strides = array<i32>} : memref<3x80x128xf32, #tpu.memory_space<vmem>>, vector<16xf32>,
      %swap3A_419 = arith.constant 0 : i32
      %swap3A_420 = arith.index_cast %swap3A_419 : i32 to index
      %swap3A_421 = arith.index_cast %scan3A_404 : i32 to index
      %swap3A_422 = arith.constant 48 : index
      %swap3A_423 = tpu.vector_load %arg12[%swap3A_420, %swap3A_421, %swap3A_422] {strides = array<i32>} : memref<3x80x128xf32, #tpu.memory_space<vmem>>, vector<16xf32>,
      tpu.vector_store %arg12[%swap3A_420, %swap3A_421, %swap3A_422], %broadcast_in_dim3A_130 {strides = array<i32>} : memref<3x80x128xf32, #tpu.memory_space<vmem>>, vector<16xf32>,
      %swap3A_424 = arith.constant 0 : i32
      %swap3A_425 = arith.index_cast %swap3A_424 : i32 to index
      %swap3A_426 = arith.index_cast %scan3A_404 : i32 to index
      %swap3A_427 = arith.constant 64 : index
      %swap3A_428 = tpu.vector_load %arg12[%swap3A_425, %swap3A_426, %swap3A_427] {strides = array<i32>} : memref<3x80x128xf32, #tpu.memory_space<vmem>>, vector<16xf32>,
      tpu.vector_store %arg12[%swap3A_425, %swap3A_426, %swap3A_427], %broadcast_in_dim3A_130 {strides = array<i32>} : memref<3x80x128xf32, #tpu.memory_space<vmem>>, vector<16xf32>,
      %swap3A_429 = arith.constant 0 : i32
      %swap3A_430 = arith.index_cast %swap3A_429 : i32 to index
      %swap3A_431 = arith.index_cast %scan3A_404 : i32 to index
      %swap3A_432 = arith.constant 80 : index
      %swap3A_433 = tpu.vector_load %arg12[%swap3A_430, %swap3A_431, %swap3A_432] {strides = array<i32>} : memref<3x80x128xf32, #tpu.memory_space<vmem>>, vector<16xf32>,
      tpu.vector_store %arg12[%swap3A_430, %swap3A_431, %swap3A_432], %broadcast_in_dim3A_130 {strides = array<i32>} : memref<3x80x128xf32, #tpu.memory_space<vmem>>, vector<16xf32>,
      %swap3A_434 = arith.constant 0 : i32
      %swap3A_435 = arith.index_cast %swap3A_434 : i32 to index
      %swap3A_436 = arith.index_cast %scan3A_404 : i32 to index
      %swap3A_437 = arith.constant 96 : index
      %swap3A_438 = tpu.vector_load %arg12[%swap3A_435, %swap3A_436, %swap3A_437] {strides = array<i32>} : memref<3x80x128xf32, #tpu.memory_space<vmem>>, vector<16xf32>,
      tpu.vector_store %arg12[%swap3A_435, %swap3A_436, %swap3A_437], %broadcast_in_dim3A_130 {strides = array<i32>} : memref<3x80x128xf32, #tpu.memory_space<vmem>>, vector<16xf32>,
      %swap3A_439 = arith.constant 0 : i32
      %swap3A_440 = arith.index_cast %swap3A_439 : i32 to index
      %swap3A_441 = arith.index_cast %scan3A_404 : i32 to index
      %swap3A_442 = arith.constant 112 : index
      %swap3A_443 = tpu.vector_load %arg12[%swap3A_440, %swap3A_441, %swap3A_442] {strides = array<i32>} : memref<3x80x128xf32, #tpu.memory_space<vmem>>, vector<16xf32>,
      tpu.vector_store %arg12[%swap3A_440, %swap3A_441, %swap3A_442], %broadcast_in_dim3A_130 {strides = array<i32>} : memref<3x80x128xf32, #tpu.memory_space<vmem>>, vector<16xf32>,
    }
    %scan3A_135 = arith.constant 80 : i32
    %mul3A_136 = arith.constant 624 : i32
    %mul3A_137 = arith.muli %arg1, %mul3A_136 : i32
    %add3A_138 = arith.constant 0 : i32
    %add3A_139 = arith.addi %mul3A_137, %add3A_138 : i32
    %run_scoped3A = arith.constant 0 : i32
    "tpu.region"() ({
      %run_scoped3A_404 = tpu.sem_alloc : memref<!tpu.dma_semaphore, #tpu.memory_space<semaphore_mem>>
      %dma_start3A_405 = arith.constant 0 : i32
      %dma_start3A_406 = arith.constant 0 : i32
      %dma_start3A_407 = tpu.memref_slice %arg12[%run_scoped3A, %dma_start3A_405, %dma_start3A_406] : memref<3x80x128xf32, #tpu.memory_space<vmem>> -> memref<1x80x128xf32, #tpu.memory_space<vmem>>
      %dma_start3A_408 = tpu.memref_squeeze %dma_start3A_407 : memref<1x80x128xf32, #tpu.memory_space<vmem>> -> memref<80x128xf32, #tpu.memory_space<vmem>>
      %dma_start3A_409 = arith.constant 0 : i32
      %dma_start3A_410 = tpu.memref_slice %arg16[%add3A_139, %dma_start3A_409] : memref<10000x128xf32, #tpu.memory_space<vmem_shared>> -> memref<80x128xf32, #tpu.memory_space<vmem_shared>>
      %dma_start3A_411 = arith.constant 0 : i32
      %dma_start3A_412 = tpu.memref_slice %arg16[%add3A_139, %dma_start3A_411] : memref<10000x128xf32, #tpu.memory_space<vmem_shared>> -> memref<80x128xf32, #tpu.memory_space<vmem_shared>>
      %dma_start3A_413 = arith.constant 0 : i32
      %dma_start3A_414 = arith.constant 0 : i32
      %dma_start3A_415 = tpu.memref_slice %arg12[%run_scoped3A, %dma_start3A_413, %dma_start3A_414] : memref<3x80x128xf32, #tpu.memory_space<vmem>> -> memref<1x80x128xf32, #tpu.memory_space<vmem>>
      %dma_start3A_416 = tpu.memref_squeeze %dma_start3A_415 : memref<1x80x128xf32, #tpu.memory_space<vmem>> -> memref<80x128xf32, #tpu.memory_space<vmem>>
      tpu.enqueue_dma source(%dma_start3A_416 : memref<80x128xf32, #tpu.memory_space<vmem>>) target(%dma_start3A_412 : memref<80x128xf32, #tpu.memory_space<vmem_shared>>) target_semaphore(%run_scoped3A_404 : memref<!tpu.dma_semaphore, #tpu.memory_space<semaphore_mem>>)
      %dma_wait3A_417 = arith.constant 0 : i32
      %dma_wait3A_418 = arith.constant 0 : i32
      %dma_wait3A_419 = tpu.memref_slice %arg12[%run_scoped3A, %dma_wait3A_417, %dma_wait3A_418] : memref<3x80x128xf32, #tpu.memory_space<vmem>> -> memref<1x80x128xf32, #tpu.memory_space<vmem>>
      %dma_wait3A_420 = tpu.memref_squeeze %dma_wait3A_419 : memref<1x80x128xf32, #tpu.memory_space<vmem>> -> memref<80x128xf32, #tpu.memory_space<vmem>>
      %dma_wait3A_421 = arith.constant 0 : i32
      %dma_wait3A_422 = tpu.memref_slice %arg16[%add3A_139, %dma_wait3A_421] : memref<10000x128xf32, #tpu.memory_space<vmem_shared>> -> memref<80x128xf32, #tpu.memory_space<vmem_shared>>
      %dma_wait3A_423 = arith.constant 0 : i32
      %dma_wait3A_424 = tpu.memref_slice %arg16[%add3A_139, %dma_wait3A_423] : memref<10000x128xf32, #tpu.memory_space<vmem_shared>> -> memref<80x128xf32, #tpu.memory_space<vmem_shared>>
      %dma_wait3A_425 = arith.constant 0 : i32
      %dma_wait3A_426 = arith.constant 0 : i32
      %dma_wait3A_427 = tpu.memref_slice %arg12[%run_scoped3A, %dma_wait3A_425, %dma_wait3A_426] : memref<3x80x128xf32, #tpu.memory_space<vmem>> -> memref<1x80x128xf32, #tpu.memory_space<vmem>>
      %dma_wait3A_428 = tpu.memref_squeeze %dma_wait3A_427 : memref<1x80x128xf32, #tpu.memory_space<vmem>> -> memref<80x128xf32, #tpu.memory_space<vmem>>
      tpu.wait_dma2 semaphore(%run_scoped3A_404 : memref<!tpu.dma_semaphore, #tpu.memory_space<semaphore_mem>>) src(%dma_wait3A_428 : memref<80x128xf32, #tpu.memory_space<vmem>>) dst(%dma_wait3A_424 : memref<80x128xf32, #tpu.memory_space<vmem_shared>>)
      tpu.yield
    }) : () -> ()
    %mul3A_140 = arith.constant 624 : i32
    %mul3A_141 = arith.muli %arg1, %mul3A_140 : i32
    %add3A_142 = arith.constant 80 : i32
    %add3A_143 = arith.addi %mul3A_141, %add3A_142 : i32
    %run_scoped3A_144 = arith.constant 0 : i32
    "tpu.region"() ({
      %run_scoped3A_404 = tpu.sem_alloc : memref<!tpu.dma_semaphore, #tpu.memory_space<semaphore_mem>>
      %dma_start3A_405 = arith.constant 0 : i32
      %dma_start3A_406 = arith.constant 0 : i32
      %dma_start3A_407 = tpu.memref_slice %arg12[%run_scoped3A_144, %dma_start3A_405, %dma_start3A_406] : memref<3x80x128xf32, #tpu.memory_space<vmem>> -> memref<1x80x128xf32, #tpu.memory_space<vmem>>
      %dma_start3A_408 = tpu.memref_squeeze %dma_start3A_407 : memref<1x80x128xf32, #tpu.memory_space<vmem>> -> memref<80x128xf32, #tpu.memory_space<vmem>>
      %dma_start3A_409 = arith.constant 0 : i32
      %dma_start3A_410 = tpu.memref_slice %arg16[%add3A_143, %dma_start3A_409] : memref<10000x128xf32, #tpu.memory_space<vmem_shared>> -> memref<80x128xf32, #tpu.memory_space<vmem_shared>>
      %dma_start3A_411 = arith.constant 0 : i32
      %dma_start3A_412 = tpu.memref_slice %arg16[%add3A_143, %dma_start3A_411] : memref<10000x128xf32, #tpu.memory_space<vmem_shared>> -> memref<80x128xf32, #tpu.memory_space<vmem_shared>>
      %dma_start3A_413 = arith.constant 0 : i32
      %dma_start3A_414 = arith.constant 0 : i32
      %dma_start3A_415 = tpu.memref_slice %arg12[%run_scoped3A_144, %dma_start3A_413, %dma_start3A_414] : memref<3x80x128xf32, #tpu.memory_space<vmem>> -> memref<1x80x128xf32, #tpu.memory_space<vmem>>
      %dma_start3A_416 = tpu.memref_squeeze %dma_start3A_415 : memref<1x80x128xf32, #tpu.memory_space<vmem>> -> memref<80x128xf32, #tpu.memory_space<vmem>>
      tpu.enqueue_dma source(%dma_start3A_416 : memref<80x128xf32, #tpu.memory_space<vmem>>) target(%dma_start3A_412 : memref<80x128xf32, #tpu.memory_space<vmem_shared>>) target_semaphore(%run_scoped3A_404 : memref<!tpu.dma_semaphore, #tpu.memory_space<semaphore_mem>>)
      %dma_wait3A_417 = arith.constant 0 : i32
      %dma_wait3A_418 = arith.constant 0 : i32
      %dma_wait3A_419 = tpu.memref_slice %arg12[%run_scoped3A_144, %dma_wait3A_417, %dma_wait3A_418] : memref<3x80x128xf32, #tpu.memory_space<vmem>> -> memref<1x80x128xf32, #tpu.memory_space<vmem>>
      %dma_wait3A_420 = tpu.memref_squeeze %dma_wait3A_419 : memref<1x80x128xf32, #tpu.memory_space<vmem>> -> memref<80x128xf32, #tpu.memory_space<vmem>>
      %dma_wait3A_421 = arith.constant 0 : i32
      %dma_wait3A_422 = tpu.memref_slice %arg16[%add3A_143, %dma_wait3A_421] : memref<10000x128xf32, #tpu.memory_space<vmem_shared>> -> memref<80x128xf32, #tpu.memory_space<vmem_shared>>
      %dma_wait3A_423 = arith.constant 0 : i32
      %dma_wait3A_424 = tpu.memref_slice %arg16[%add3A_143, %dma_wait3A_423] : memref<10000x128xf32, #tpu.memory_space<vmem_shared>> -> memref<80x128xf32, #tpu.memory_space<vmem_shared>>
      %dma_wait3A_425 = arith.constant 0 : i32
      %dma_wait3A_426 = arith.constant 0 : i32
      %dma_wait3A_427 = tpu.memref_slice %arg12[%run_scoped3A_144, %dma_wait3A_425, %dma_wait3A_426] : memref<3x80x128xf32, #tpu.memory_space<vmem>> -> memref<1x80x128xf32, #tpu.memory_space<vmem>>
      %dma_wait3A_428 = tpu.memref_squeeze %dma_wait3A_427 : memref<1x80x128xf32, #tpu.memory_space<vmem>> -> memref<80x128xf32, #tpu.memory_space<vmem>>
      tpu.wait_dma2 semaphore(%run_scoped3A_404 : memref<!tpu.dma_semaphore, #tpu.memory_space<semaphore_mem>>) src(%dma_wait3A_428 : memref<80x128xf32, #tpu.memory_space<vmem>>) dst(%dma_wait3A_424 : memref<80x128xf32, #tpu.memory_space<vmem_shared>>)
      tpu.yield
    }) : () -> ()
    %mul3A_145 = arith.constant 624 : i32
    %mul3A_146 = arith.muli %arg1, %mul3A_145 : i32
    %add3A_147 = arith.constant 160 : i32
    %add3A_148 = arith.addi %mul3A_146, %add3A_147 : i32
    %run_scoped3A_149 = arith.constant 0 : i32
    "tpu.region"() ({
      %run_scoped3A_404 = tpu.sem_alloc : memref<!tpu.dma_semaphore, #tpu.memory_space<semaphore_mem>>
      %dma_start3A_405 = arith.constant 0 : i32
      %dma_start3A_406 = arith.constant 0 : i32
      %dma_start3A_407 = tpu.memref_slice %arg12[%run_scoped3A_149, %dma_start3A_405, %dma_start3A_406] : memref<3x80x128xf32, #tpu.memory_space<vmem>> -> memref<1x80x128xf32, #tpu.memory_space<vmem>>
      %dma_start3A_408 = tpu.memref_squeeze %dma_start3A_407 : memref<1x80x128xf32, #tpu.memory_space<vmem>> -> memref<80x128xf32, #tpu.memory_space<vmem>>
      %dma_start3A_409 = arith.constant 0 : i32
      %dma_start3A_410 = tpu.memref_slice %arg16[%add3A_148, %dma_start3A_409] : memref<10000x128xf32, #tpu.memory_space<vmem_shared>> -> memref<80x128xf32, #tpu.memory_space<vmem_shared>>
      %dma_start3A_411 = arith.constant 0 : i32
      %dma_start3A_412 = tpu.memref_slice %arg16[%add3A_148, %dma_start3A_411] : memref<10000x128xf32, #tpu.memory_space<vmem_shared>> -> memref<80x128xf32, #tpu.memory_space<vmem_shared>>
      %dma_start3A_413 = arith.constant 0 : i32
      %dma_start3A_414 = arith.constant 0 : i32
      %dma_start3A_415 = tpu.memref_slice %arg12[%run_scoped3A_149, %dma_start3A_413, %dma_start3A_414] : memref<3x80x128xf32, #tpu.memory_space<vmem>> -> memref<1x80x128xf32, #tpu.memory_space<vmem>>
      %dma_start3A_416 = tpu.memref_squeeze %dma_start3A_415 : memref<1x80x128xf32, #tpu.memory_space<vmem>> -> memref<80x128xf32, #tpu.memory_space<vmem>>
      tpu.enqueue_dma source(%dma_start3A_416 : memref<80x128xf32, #tpu.memory_space<vmem>>) target(%dma_start3A_412 : memref<80x128xf32, #tpu.memory_space<vmem_shared>>) target_semaphore(%run_scoped3A_404 : memref<!tpu.dma_semaphore, #tpu.memory_space<semaphore_mem>>)
      %dma_wait3A_417 = arith.constant 0 : i32
      %dma_wait3A_418 = arith.constant 0 : i32
      %dma_wait3A_419 = tpu.memref_slice %arg12[%run_scoped3A_149, %dma_wait3A_417, %dma_wait3A_418] : memref<3x80x128xf32, #tpu.memory_space<vmem>> -> memref<1x80x128xf32, #tpu.memory_space<vmem>>
      %dma_wait3A_420 = tpu.memref_squeeze %dma_wait3A_419 : memref<1x80x128xf32, #tpu.memory_space<vmem>> -> memref<80x128xf32, #tpu.memory_space<vmem>>
      %dma_wait3A_421 = arith.constant 0 : i32
      %dma_wait3A_422 = tpu.memref_slice %arg16[%add3A_148, %dma_wait3A_421] : memref<10000x128xf32, #tpu.memory_space<vmem_shared>> -> memref<80x128xf32, #tpu.memory_space<vmem_shared>>
      %dma_wait3A_423 = arith.constant 0 : i32
      %dma_wait3A_424 = tpu.memref_slice %arg16[%add3A_148, %dma_wait3A_423] : memref<10000x128xf32, #tpu.memory_space<vmem_shared>> -> memref<80x128xf32, #tpu.memory_space<vmem_shared>>
      %dma_wait3A_425 = arith.constant 0 : i32
      %dma_wait3A_426 = arith.constant 0 : i32
      %dma_wait3A_427 = tpu.memref_slice %arg12[%run_scoped3A_149, %dma_wait3A_425, %dma_wait3A_426] : memref<3x80x128xf32, #tpu.memory_space<vmem>> -> memref<1x80x128xf32, #tpu.memory_space<vmem>>
      %dma_wait3A_428 = tpu.memref_squeeze %dma_wait3A_427 : memref<1x80x128xf32, #tpu.memory_space<vmem>> -> memref<80x128xf32, #tpu.memory_space<vmem>>
      tpu.wait_dma2 semaphore(%run_scoped3A_404 : memref<!tpu.dma_semaphore, #tpu.memory_space<semaphore_mem>>) src(%dma_wait3A_428 : memref<80x128xf32, #tpu.memory_space<vmem>>) dst(%dma_wait3A_424 : memref<80x128xf32, #tpu.memory_space<vmem_shared>>)
      tpu.yield
    }) : () -> ()
    %mul3A_150 = arith.constant 624 : i32
    %mul3A_151 = arith.muli %arg1, %mul3A_150 : i32
    %add3A_152 = arith.constant 240 : i32
    %add3A_153 = arith.addi %mul3A_151, %add3A_152 : i32
    %run_scoped3A_154 = arith.constant 0 : i32
    "tpu.region"() ({
      %run_scoped3A_404 = tpu.sem_alloc : memref<!tpu.dma_semaphore, #tpu.memory_space<semaphore_mem>>
      %dma_start3A_405 = arith.constant 0 : i32
      %dma_start3A_406 = arith.constant 0 : i32
      %dma_start3A_407 = tpu.memref_slice %arg12[%run_scoped3A_154, %dma_start3A_405, %dma_start3A_406] : memref<3x80x128xf32, #tpu.memory_space<vmem>> -> memref<1x80x128xf32, #tpu.memory_space<vmem>>
      %dma_start3A_408 = tpu.memref_squeeze %dma_start3A_407 : memref<1x80x128xf32, #tpu.memory_space<vmem>> -> memref<80x128xf32, #tpu.memory_space<vmem>>
      %dma_start3A_409 = arith.constant 0 : i32
      %dma_start3A_410 = tpu.memref_slice %arg16[%add3A_153, %dma_start3A_409] : memref<10000x128xf32, #tpu.memory_space<vmem_shared>> -> memref<80x128xf32, #tpu.memory_space<vmem_shared>>
      %dma_start3A_411 = arith.constant 0 : i32
      %dma_start3A_412 = tpu.memref_slice %arg16[%add3A_153, %dma_start3A_411] : memref<10000x128xf32, #tpu.memory_space<vmem_shared>> -> memref<80x128xf32, #tpu.memory_space<vmem_shared>>
      %dma_start3A_413 = arith.constant 0 : i32
      %dma_start3A_414 = arith.constant 0 : i32
      %dma_start3A_415 = tpu.memref_slice %arg12[%run_scoped3A_154, %dma_start3A_413, %dma_start3A_414] : memref<3x80x128xf32, #tpu.memory_space<vmem>> -> memref<1x80x128xf32, #tpu.memory_space<vmem>>
      %dma_start3A_416 = tpu.memref_squeeze %dma_start3A_415 : memref<1x80x128xf32, #tpu.memory_space<vmem>> -> memref<80x128xf32, #tpu.memory_space<vmem>>
      tpu.enqueue_dma source(%dma_start3A_416 : memref<80x128xf32, #tpu.memory_space<vmem>>) target(%dma_start3A_412 : memref<80x128xf32, #tpu.memory_space<vmem_shared>>) target_semaphore(%run_scoped3A_404 : memref<!tpu.dma_semaphore, #tpu.memory_space<semaphore_mem>>)
      %dma_wait3A_417 = arith.constant 0 : i32
      %dma_wait3A_418 = arith.constant 0 : i32
      %dma_wait3A_419 = tpu.memref_slice %arg12[%run_scoped3A_154, %dma_wait3A_417, %dma_wait3A_418] : memref<3x80x128xf32, #tpu.memory_space<vmem>> -> memref<1x80x128xf32, #tpu.memory_space<vmem>>
      %dma_wait3A_420 = tpu.memref_squeeze %dma_wait3A_419 : memref<1x80x128xf32, #tpu.memory_space<vmem>> -> memref<80x128xf32, #tpu.memory_space<vmem>>
      %dma_wait3A_421 = arith.constant 0 : i32
      %dma_wait3A_422 = tpu.memref_slice %arg16[%add3A_153, %dma_wait3A_421] : memref<10000x128xf32, #tpu.memory_space<vmem_shared>> -> memref<80x128xf32, #tpu.memory_space<vmem_shared>>
      %dma_wait3A_423 = arith.constant 0 : i32
      %dma_wait3A_424 = tpu.memref_slice %arg16[%add3A_153, %dma_wait3A_423] : memref<10000x128xf32, #tpu.memory_space<vmem_shared>> -> memref<80x128xf32, #tpu.memory_space<vmem_shared>>
      %dma_wait3A_425 = arith.constant 0 : i32
      %dma_wait3A_426 = arith.constant 0 : i32
      %dma_wait3A_427 = tpu.memref_slice %arg12[%run_scoped3A_154, %dma_wait3A_425, %dma_wait3A_426] : memref<3x80x128xf32, #tpu.memory_space<vmem>> -> memref<1x80x128xf32, #tpu.memory_space<vmem>>
      %dma_wait3A_428 = tpu.memref_squeeze %dma_wait3A_427 : memref<1x80x128xf32, #tpu.memory_space<vmem>> -> memref<80x128xf32, #tpu.memory_space<vmem>>
      tpu.wait_dma2 semaphore(%run_scoped3A_404 : memref<!tpu.dma_semaphore, #tpu.memory_space<semaphore_mem>>) src(%dma_wait3A_428 : memref<80x128xf32, #tpu.memory_space<vmem>>) dst(%dma_wait3A_424 : memref<80x128xf32, #tpu.memory_space<vmem_shared>>)
      tpu.yield
    }) : () -> ()
    %mul3A_155 = arith.constant 624 : i32
    %mul3A_156 = arith.muli %arg1, %mul3A_155 : i32
    %add3A_157 = arith.constant 320 : i32
    %add3A_158 = arith.addi %mul3A_156, %add3A_157 : i32
    %run_scoped3A_159 = arith.constant 0 : i32
    "tpu.region"() ({
      %run_scoped3A_404 = tpu.sem_alloc : memref<!tpu.dma_semaphore, #tpu.memory_space<semaphore_mem>>
      %dma_start3A_405 = arith.constant 0 : i32
      %dma_start3A_406 = arith.constant 0 : i32
      %dma_start3A_407 = tpu.memref_slice %arg12[%run_scoped3A_159, %dma_start3A_405, %dma_start3A_406] : memref<3x80x128xf32, #tpu.memory_space<vmem>> -> memref<1x80x128xf32, #tpu.memory_space<vmem>>
      %dma_start3A_408 = tpu.memref_squeeze %dma_start3A_407 : memref<1x80x128xf32, #tpu.memory_space<vmem>> -> memref<80x128xf32, #tpu.memory_space<vmem>>
      %dma_start3A_409 = arith.constant 0 : i32
      %dma_start3A_410 = tpu.memref_slice %arg16[%add3A_158, %dma_start3A_409] : memref<10000x128xf32, #tpu.memory_space<vmem_shared>> -> memref<80x128xf32, #tpu.memory_space<vmem_shared>>
      %dma_start3A_411 = arith.constant 0 : i32
      %dma_start3A_412 = tpu.memref_slice %arg16[%add3A_158, %dma_start3A_411] : memref<10000x128xf32, #tpu.memory_space<vmem_shared>> -> memref<80x128xf32, #tpu.memory_space<vmem_shared>>
      %dma_start3A_413 = arith.constant 0 : i32
      %dma_start3A_414 = arith.constant 0 : i32
      %dma_start3A_415 = tpu.memref_slice %arg12[%run_scoped3A_159, %dma_start3A_413, %dma_start3A_414] : memref<3x80x128xf32, #tpu.memory_space<vmem>> -> memref<1x80x128xf32, #tpu.memory_space<vmem>>
      %dma_start3A_416 = tpu.memref_squeeze %dma_start3A_415 : memref<1x80x128xf32, #tpu.memory_space<vmem>> -> memref<80x128xf32, #tpu.memory_space<vmem>>
      tpu.enqueue_dma source(%dma_start3A_416 : memref<80x128xf32, #tpu.memory_space<vmem>>) target(%dma_start3A_412 : memref<80x128xf32, #tpu.memory_space<vmem_shared>>) target_semaphore(%run_scoped3A_404 : memref<!tpu.dma_semaphore, #tpu.memory_space<semaphore_mem>>)
      %dma_wait3A_417 = arith.constant 0 : i32
      %dma_wait3A_418 = arith.constant 0 : i32
      %dma_wait3A_419 = tpu.memref_slice %arg12[%run_scoped3A_159, %dma_wait3A_417, %dma_wait3A_418] : memref<3x80x128xf32, #tpu.memory_space<vmem>> -> memref<1x80x128xf32, #tpu.memory_space<vmem>>
      %dma_wait3A_420 = tpu.memref_squeeze %dma_wait3A_419 : memref<1x80x128xf32, #tpu.memory_space<vmem>> -> memref<80x128xf32, #tpu.memory_space<vmem>>
      %dma_wait3A_421 = arith.constant 0 : i32
      %dma_wait3A_422 = tpu.memref_slice %arg16[%add3A_158, %dma_wait3A_421] : memref<10000x128xf32, #tpu.memory_space<vmem_shared>> -> memref<80x128xf32, #tpu.memory_space<vmem_shared>>
      %dma_wait3A_423 = arith.constant 0 : i32
      %dma_wait3A_424 = tpu.memref_slice %arg16[%add3A_158, %dma_wait3A_423] : memref<10000x128xf32, #tpu.memory_space<vmem_shared>> -> memref<80x128xf32, #tpu.memory_space<vmem_shared>>
      %dma_wait3A_425 = arith.constant 0 : i32
      %dma_wait3A_426 = arith.constant 0 : i32
      %dma_wait3A_427 = tpu.memref_slice %arg12[%run_scoped3A_159, %dma_wait3A_425, %dma_wait3A_426] : memref<3x80x128xf32, #tpu.memory_space<vmem>> -> memref<1x80x128xf32, #tpu.memory_space<vmem>>
      %dma_wait3A_428 = tpu.memref_squeeze %dma_wait3A_427 : memref<1x80x128xf32, #tpu.memory_space<vmem>> -> memref<80x128xf32, #tpu.memory_space<vmem>>
      tpu.wait_dma2 semaphore(%run_scoped3A_404 : memref<!tpu.dma_semaphore, #tpu.memory_space<semaphore_mem>>) src(%dma_wait3A_428 : memref<80x128xf32, #tpu.memory_space<vmem>>) dst(%dma_wait3A_424 : memref<80x128xf32, #tpu.memory_space<vmem_shared>>)
      tpu.yield
    }) : () -> ()
    %mul3A_160 = arith.constant 624 : i32
    %mul3A_161 = arith.muli %arg1, %mul3A_160 : i32
    %add3A_162 = arith.constant 400 : i32
    %add3A_163 = arith.addi %mul3A_161, %add3A_162 : i32
    %run_scoped3A_164 = arith.constant 0 : i32
    "tpu.region"() ({
      %run_scoped3A_404 = tpu.sem_alloc : memref<!tpu.dma_semaphore, #tpu.memory_space<semaphore_mem>>
      %dma_start3A_405 = arith.constant 0 : i32
      %dma_start3A_406 = arith.constant 0 : i32
      %dma_start3A_407 = tpu.memref_slice %arg12[%run_scoped3A_164, %dma_start3A_405, %dma_start3A_406] : memref<3x80x128xf32, #tpu.memory_space<vmem>> -> memref<1x80x128xf32, #tpu.memory_space<vmem>>
      %dma_start3A_408 = tpu.memref_squeeze %dma_start3A_407 : memref<1x80x128xf32, #tpu.memory_space<vmem>> -> memref<80x128xf32, #tpu.memory_space<vmem>>
      %dma_start3A_409 = arith.constant 0 : i32
      %dma_start3A_410 = tpu.memref_slice %arg16[%add3A_163, %dma_start3A_409] : memref<10000x128xf32, #tpu.memory_space<vmem_shared>> -> memref<80x128xf32, #tpu.memory_space<vmem_shared>>
      %dma_start3A_411 = arith.constant 0 : i32
      %dma_start3A_412 = tpu.memref_slice %arg16[%add3A_163, %dma_start3A_411] : memref<10000x128xf32, #tpu.memory_space<vmem_shared>> -> memref<80x128xf32, #tpu.memory_space<vmem_shared>>
      %dma_start3A_413 = arith.constant 0 : i32
      %dma_start3A_414 = arith.constant 0 : i32
      %dma_start3A_415 = tpu.memref_slice %arg12[%run_scoped3A_164, %dma_start3A_413, %dma_start3A_414] : memref<3x80x128xf32, #tpu.memory_space<vmem>> -> memref<1x80x128xf32, #tpu.memory_space<vmem>>
      %dma_start3A_416 = tpu.memref_squeeze %dma_start3A_415 : memref<1x80x128xf32, #tpu.memory_space<vmem>> -> memref<80x128xf32, #tpu.memory_space<vmem>>
      tpu.enqueue_dma source(%dma_start3A_416 : memref<80x128xf32, #tpu.memory_space<vmem>>) target(%dma_start3A_412 : memref<80x128xf32, #tpu.memory_space<vmem_shared>>) target_semaphore(%run_scoped3A_404 : memref<!tpu.dma_semaphore, #tpu.memory_space<semaphore_mem>>)
      %dma_wait3A_417 = arith.constant 0 : i32
      %dma_wait3A_418 = arith.constant 0 : i32
      %dma_wait3A_419 = tpu.memref_slice %arg12[%run_scoped3A_164, %dma_wait3A_417, %dma_wait3A_418] : memref<3x80x128xf32, #tpu.memory_space<vmem>> -> memref<1x80x128xf32, #tpu.memory_space<vmem>>
      %dma_wait3A_420 = tpu.memref_squeeze %dma_wait3A_419 : memref<1x80x128xf32, #tpu.memory_space<vmem>> -> memref<80x128xf32, #tpu.memory_space<vmem>>
      %dma_wait3A_421 = arith.constant 0 : i32
      %dma_wait3A_422 = tpu.memref_slice %arg16[%add3A_163, %dma_wait3A_421] : memref<10000x128xf32, #tpu.memory_space<vmem_shared>> -> memref<80x128xf32, #tpu.memory_space<vmem_shared>>
      %dma_wait3A_423 = arith.constant 0 : i32
      %dma_wait3A_424 = tpu.memref_slice %arg16[%add3A_163, %dma_wait3A_423] : memref<10000x128xf32, #tpu.memory_space<vmem_shared>> -> memref<80x128xf32, #tpu.memory_space<vmem_shared>>
      %dma_wait3A_425 = arith.constant 0 : i32
      %dma_wait3A_426 = arith.constant 0 : i32
      %dma_wait3A_427 = tpu.memref_slice %arg12[%run_scoped3A_164, %dma_wait3A_425, %dma_wait3A_426] : memref<3x80x128xf32, #tpu.memory_space<vmem>> -> memref<1x80x128xf32, #tpu.memory_space<vmem>>
      %dma_wait3A_428 = tpu.memref_squeeze %dma_wait3A_427 : memref<1x80x128xf32, #tpu.memory_space<vmem>> -> memref<80x128xf32, #tpu.memory_space<vmem>>
      tpu.wait_dma2 semaphore(%run_scoped3A_404 : memref<!tpu.dma_semaphore, #tpu.memory_space<semaphore_mem>>) src(%dma_wait3A_428 : memref<80x128xf32, #tpu.memory_space<vmem>>) dst(%dma_wait3A_424 : memref<80x128xf32, #tpu.memory_space<vmem_shared>>)
      tpu.yield
    }) : () -> ()
    %mul3A_165 = arith.constant 624 : i32
    %mul3A_166 = arith.muli %arg1, %mul3A_165 : i32
    %add3A_167 = arith.constant 480 : i32
    %add3A_168 = arith.addi %mul3A_166, %add3A_167 : i32
    %run_scoped3A_169 = arith.constant 0 : i32
    "tpu.region"() ({
      %run_scoped3A_404 = tpu.sem_alloc : memref<!tpu.dma_semaphore, #tpu.memory_space<semaphore_mem>>
      %dma_start3A_405 = arith.constant 0 : i32
      %dma_start3A_406 = arith.constant 0 : i32
      %dma_start3A_407 = tpu.memref_slice %arg12[%run_scoped3A_169, %dma_start3A_405, %dma_start3A_406] : memref<3x80x128xf32, #tpu.memory_space<vmem>> -> memref<1x80x128xf32, #tpu.memory_space<vmem>>
      %dma_start3A_408 = tpu.memref_squeeze %dma_start3A_407 : memref<1x80x128xf32, #tpu.memory_space<vmem>> -> memref<80x128xf32, #tpu.memory_space<vmem>>
      %dma_start3A_409 = arith.constant 0 : i32
      %dma_start3A_410 = tpu.memref_slice %arg16[%add3A_168, %dma_start3A_409] : memref<10000x128xf32, #tpu.memory_space<vmem_shared>> -> memref<80x128xf32, #tpu.memory_space<vmem_shared>>
      %dma_start3A_411 = arith.constant 0 : i32
      %dma_start3A_412 = tpu.memref_slice %arg16[%add3A_168, %dma_start3A_411] : memref<10000x128xf32, #tpu.memory_space<vmem_shared>> -> memref<80x128xf32, #tpu.memory_space<vmem_shared>>
      %dma_start3A_413 = arith.constant 0 : i32
      %dma_start3A_414 = arith.constant 0 : i32
      %dma_start3A_415 = tpu.memref_slice %arg12[%run_scoped3A_169, %dma_start3A_413, %dma_start3A_414] : memref<3x80x128xf32, #tpu.memory_space<vmem>> -> memref<1x80x128xf32, #tpu.memory_space<vmem>>
      %dma_start3A_416 = tpu.memref_squeeze %dma_start3A_415 : memref<1x80x128xf32, #tpu.memory_space<vmem>> -> memref<80x128xf32, #tpu.memory_space<vmem>>
      tpu.enqueue_dma source(%dma_start3A_416 : memref<80x128xf32, #tpu.memory_space<vmem>>) target(%dma_start3A_412 : memref<80x128xf32, #tpu.memory_space<vmem_shared>>) target_semaphore(%run_scoped3A_404 : memref<!tpu.dma_semaphore, #tpu.memory_space<semaphore_mem>>)
      %dma_wait3A_417 = arith.constant 0 : i32
      %dma_wait3A_418 = arith.constant 0 : i32
      %dma_wait3A_419 = tpu.memref_slice %arg12[%run_scoped3A_169, %dma_wait3A_417, %dma_wait3A_418] : memref<3x80x128xf32, #tpu.memory_space<vmem>> -> memref<1x80x128xf32, #tpu.memory_space<vmem>>
      %dma_wait3A_420 = tpu.memref_squeeze %dma_wait3A_419 : memref<1x80x128xf32, #tpu.memory_space<vmem>> -> memref<80x128xf32, #tpu.memory_space<vmem>>
      %dma_wait3A_421 = arith.constant 0 : i32
      %dma_wait3A_422 = tpu.memref_slice %arg16[%add3A_168, %dma_wait3A_421] : memref<10000x128xf32, #tpu.memory_space<vmem_shared>> -> memref<80x128xf32, #tpu.memory_space<vmem_shared>>
      %dma_wait3A_423 = arith.constant 0 : i32
      %dma_wait3A_424 = tpu.memref_slice %arg16[%add3A_168, %dma_wait3A_423] : memref<10000x128xf32, #tpu.memory_space<vmem_shared>> -> memref<80x128xf32, #tpu.memory_space<vmem_shared>>
      %dma_wait3A_425 = arith.constant 0 : i32
      %dma_wait3A_426 = arith.constant 0 : i32
      %dma_wait3A_427 = tpu.memref_slice %arg12[%run_scoped3A_169, %dma_wait3A_425, %dma_wait3A_426] : memref<3x80x128xf32, #tpu.memory_space<vmem>> -> memref<1x80x128xf32, #tpu.memory_space<vmem>>
      %dma_wait3A_428 = tpu.memref_squeeze %dma_wait3A_427 : memref<1x80x128xf32, #tpu.memory_space<vmem>> -> memref<80x128xf32, #tpu.memory_space<vmem>>
      tpu.wait_dma2 semaphore(%run_scoped3A_404 : memref<!tpu.dma_semaphore, #tpu.memory_space<semaphore_mem>>) src(%dma_wait3A_428 : memref<80x128xf32, #tpu.memory_space<vmem>>) dst(%dma_wait3A_424 : memref<80x128xf32, #tpu.memory_space<vmem_shared>>)
      tpu.yield
    }) : () -> ()
    %mul3A_170 = arith.constant 624 : i32
    %mul3A_171 = arith.muli %arg1, %mul3A_170 : i32
    %add3A_172 = arith.constant 560 : i32
    %add3A_173 = arith.addi %mul3A_171, %add3A_172 : i32
    %run_scoped3A_174 = arith.constant 0 : i32
    "tpu.region"() ({
      %run_scoped3A_404 = tpu.sem_alloc : memref<!tpu.dma_semaphore, #tpu.memory_space<semaphore_mem>>
      %dma_start3A_405 = arith.constant 0 : i32
      %dma_start3A_406 = arith.constant 0 : i32
      %dma_start3A_407 = tpu.memref_slice %arg12[%run_scoped3A_174, %dma_start3A_405, %dma_start3A_406] : memref<3x80x128xf32, #tpu.memory_space<vmem>> -> memref<1x80x128xf32, #tpu.memory_space<vmem>>
      %dma_start3A_408 = tpu.memref_squeeze %dma_start3A_407 : memref<1x80x128xf32, #tpu.memory_space<vmem>> -> memref<80x128xf32, #tpu.memory_space<vmem>>
      %dma_start3A_409 = arith.constant 0 : i32
      %dma_start3A_410 = arith.constant 0 : i32
      %dma_start3A_411 = tpu.memref_slice %dma_start3A_408[%dma_start3A_409, %dma_start3A_410] : memref<80x128xf32, #tpu.memory_space<vmem>> -> memref<64x128xf32, #tpu.memory_space<vmem>>
      %dma_start3A_412 = arith.constant 0 : i32
      %dma_start3A_413 = tpu.memref_slice %arg16[%add3A_173, %dma_start3A_412] : memref<10000x128xf32, #tpu.memory_space<vmem_shared>> -> memref<64x128xf32, #tpu.memory_space<vmem_shared>>
      %dma_start3A_414 = arith.constant 0 : i32
      %dma_start3A_415 = tpu.memref_slice %arg16[%add3A_173, %dma_start3A_414] : memref<10000x128xf32, #tpu.memory_space<vmem_shared>> -> memref<64x128xf32, #tpu.memory_space<vmem_shared>>
      %dma_start3A_416 = arith.constant 0 : i32
      %dma_start3A_417 = arith.constant 0 : i32
      %dma_start3A_418 = tpu.memref_slice %arg12[%run_scoped3A_174, %dma_start3A_416, %dma_start3A_417] : memref<3x80x128xf32, #tpu.memory_space<vmem>> -> memref<1x80x128xf32, #tpu.memory_space<vmem>>
      %dma_start3A_419 = tpu.memref_squeeze %dma_start3A_418 : memref<1x80x128xf32, #tpu.memory_space<vmem>> -> memref<80x128xf32, #tpu.memory_space<vmem>>
      %dma_start3A_420 = arith.constant 0 : i32
      %dma_start3A_421 = arith.constant 0 : i32
      %dma_start3A_422 = tpu.memref_slice %dma_start3A_419[%dma_start3A_420, %dma_start3A_421] : memref<80x128xf32, #tpu.memory_space<vmem>> -> memref<64x128xf32, #tpu.memory_space<vmem>>
      tpu.enqueue_dma source(%dma_start3A_422 : memref<64x128xf32, #tpu.memory_space<vmem>>) target(%dma_start3A_415 : memref<64x128xf32, #tpu.memory_space<vmem_shared>>) target_semaphore(%run_scoped3A_404 : memref<!tpu.dma_semaphore, #tpu.memory_space<semaphore_mem>>)
      %dma_wait3A_423 = arith.constant 0 : i32
      %dma_wait3A_424 = arith.constant 0 : i32
      %dma_wait3A_425 = tpu.memref_slice %arg12[%run_scoped3A_174, %dma_wait3A_423, %dma_wait3A_424] : memref<3x80x128xf32, #tpu.memory_space<vmem>> -> memref<1x80x128xf32, #tpu.memory_space<vmem>>
      %dma_wait3A_426 = tpu.memref_squeeze %dma_wait3A_425 : memref<1x80x128xf32, #tpu.memory_space<vmem>> -> memref<80x128xf32, #tpu.memory_space<vmem>>
      %dma_wait3A_427 = arith.constant 0 : i32
      %dma_wait3A_428 = arith.constant 0 : i32
      %dma_wait3A_429 = tpu.memref_slice %dma_wait3A_426[%dma_wait3A_427, %dma_wait3A_428] : memref<80x128xf32, #tpu.memory_space<vmem>> -> memref<64x128xf32, #tpu.memory_space<vmem>>
      %dma_wait3A_430 = arith.constant 0 : i32
      %dma_wait3A_431 = tpu.memref_slice %arg16[%add3A_173, %dma_wait3A_430] : memref<10000x128xf32, #tpu.memory_space<vmem_shared>> -> memref<64x128xf32, #tpu.memory_space<vmem_shared>>
      %dma_wait3A_432 = arith.constant 0 : i32
      %dma_wait3A_433 = tpu.memref_slice %arg16[%add3A_173, %dma_wait3A_432] : memref<10000x128xf32, #tpu.memory_space<vmem_shared>> -> memref<64x128xf32, #tpu.memory_space<vmem_shared>>
      %dma_wait3A_434 = arith.constant 0 : i32
      %dma_wait3A_435 = arith.constant 0 : i32
      %dma_wait3A_436 = tpu.memref_slice %arg12[%run_scoped3A_174, %dma_wait3A_434, %dma_wait3A_435] : memref<3x80x128xf32, #tpu.memory_space<vmem>> -> memref<1x80x128xf32, #tpu.memory_space<vmem>>
      %dma_wait3A_437 = tpu.memref_squeeze %dma_wait3A_436 : memref<1x80x128xf32, #tpu.memory_space<vmem>> -> memref<80x128xf32, #tpu.memory_space<vmem>>
      %dma_wait3A_438 = arith.constant 0 : i32
      %dma_wait3A_439 = arith.constant 0 : i32
      %dma_wait3A_440 = tpu.memref_slice %dma_wait3A_437[%dma_wait3A_438, %dma_wait3A_439] : memref<80x128xf32, #tpu.memory_space<vmem>> -> memref<64x128xf32, #tpu.memory_space<vmem>>
      tpu.wait_dma2 semaphore(%run_scoped3A_404 : memref<!tpu.dma_semaphore, #tpu.memory_space<semaphore_mem>>) src(%dma_wait3A_440 : memref<64x128xf32, #tpu.memory_space<vmem>>) dst(%dma_wait3A_433 : memref<64x128xf32, #tpu.memory_space<vmem_shared>>)
      tpu.yield
    }) : () -> ()
    %eq3A = arith.constant 15 : i32
    %eq3A_175 = arith.cmpi eq, %arg1, %eq3A : i32
    %convert_element_type3A = arith.extui %eq3A_175 : i1 to i32
    %cond3A = arith.constant 0 : i32
    %cond3A_176 = arith.cmpi ne, %convert_element_type3A, %cond3A : i32
    scf.if %cond3A_176 {
      %run_scoped3A_404 = arith.constant 0 : i32
      "tpu.region"() ({
        %run_scoped3A_405 = tpu.sem_alloc : memref<!tpu.dma_semaphore, #tpu.memory_space<semaphore_mem>>
        %dma_start3A_406 = arith.constant 0 : i32
        %dma_start3A_407 = arith.constant 0 : i32
        %dma_start3A_408 = tpu.memref_slice %arg12[%run_scoped3A_404, %dma_start3A_406, %dma_start3A_407] : memref<3x80x128xf32, #tpu.memory_space<vmem>> -> memref<1x80x128xf32, #tpu.memory_space<vmem>>
        %dma_start3A_409 = tpu.memref_squeeze %dma_start3A_408 : memref<1x80x128xf32, #tpu.memory_space<vmem>> -> memref<80x128xf32, #tpu.memory_space<vmem>>
        %dma_start3A_410 = arith.constant 0 : i32
        %dma_start3A_411 = arith.constant 0 : i32
        %dma_start3A_412 = tpu.memref_slice %dma_start3A_409[%dma_start3A_410, %dma_start3A_411] : memref<80x128xf32, #tpu.memory_space<vmem>> -> memref<16x128xf32, #tpu.memory_space<vmem>>
        %dma_start3A_413 = arith.constant 9984 : i32
        %dma_start3A_414 = arith.constant 0 : i32
        %dma_start3A_415 = tpu.memref_slice %arg16[%dma_start3A_413, %dma_start3A_414] : memref<10000x128xf32, #tpu.memory_space<vmem_shared>> -> memref<16x128xf32, #tpu.memory_space<vmem_shared>>
        %dma_start3A_416 = arith.constant 9984 : i32
        %dma_start3A_417 = arith.constant 0 : i32
        %dma_start3A_418 = tpu.memref_slice %arg16[%dma_start3A_416, %dma_start3A_417] : memref<10000x128xf32, #tpu.memory_space<vmem_shared>> -> memref<16x128xf32, #tpu.memory_space<vmem_shared>>
        %dma_start3A_419 = arith.constant 0 : i32
        %dma_start3A_420 = arith.constant 0 : i32
        %dma_start3A_421 = tpu.memref_slice %arg12[%run_scoped3A_404, %dma_start3A_419, %dma_start3A_420] : memref<3x80x128xf32, #tpu.memory_space<vmem>> -> memref<1x80x128xf32, #tpu.memory_space<vmem>>
        %dma_start3A_422 = tpu.memref_squeeze %dma_start3A_421 : memref<1x80x128xf32, #tpu.memory_space<vmem>> -> memref<80x128xf32, #tpu.memory_space<vmem>>
        %dma_start3A_423 = arith.constant 0 : i32
        %dma_start3A_424 = arith.constant 0 : i32
        %dma_start3A_425 = tpu.memref_slice %dma_start3A_422[%dma_start3A_423, %dma_start3A_424] : memref<80x128xf32, #tpu.memory_space<vmem>> -> memref<16x128xf32, #tpu.memory_space<vmem>>
        tpu.enqueue_dma source(%dma_start3A_425 : memref<16x128xf32, #tpu.memory_space<vmem>>) target(%dma_start3A_418 : memref<16x128xf32, #tpu.memory_space<vmem_shared>>) target_semaphore(%run_scoped3A_405 : memref<!tpu.dma_semaphore, #tpu.memory_space<semaphore_mem>>)
        %dma_wait3A_426 = arith.constant 0 : i32
        %dma_wait3A_427 = arith.constant 0 : i32
        %dma_wait3A_428 = tpu.memref_slice %arg12[%run_scoped3A_404, %dma_wait3A_426, %dma_wait3A_427] : memref<3x80x128xf32, #tpu.memory_space<vmem>> -> memref<1x80x128xf32, #tpu.memory_space<vmem>>
        %dma_wait3A_429 = tpu.memref_squeeze %dma_wait3A_428 : memref<1x80x128xf32, #tpu.memory_space<vmem>> -> memref<80x128xf32, #tpu.memory_space<vmem>>
        %dma_wait3A_430 = arith.constant 0 : i32
        %dma_wait3A_431 = arith.constant 0 : i32
        %dma_wait3A_432 = tpu.memref_slice %dma_wait3A_429[%dma_wait3A_430, %dma_wait3A_431] : memref<80x128xf32, #tpu.memory_space<vmem>> -> memref<16x128xf32, #tpu.memory_space<vmem>>
        %dma_wait3A_433 = arith.constant 9984 : i32
        %dma_wait3A_434 = arith.constant 0 : i32
        %dma_wait3A_435 = tpu.memref_slice %arg16[%dma_wait3A_433, %dma_wait3A_434] : memref<10000x128xf32, #tpu.memory_space<vmem_shared>> -> memref<16x128xf32, #tpu.memory_space<vmem_shared>>
        %dma_wait3A_436 = arith.constant 9984 : i32
        %dma_wait3A_437 = arith.constant 0 : i32
        %dma_wait3A_438 = tpu.memref_slice %arg16[%dma_wait3A_436, %dma_wait3A_437] : memref<10000x128xf32, #tpu.memory_space<vmem_shared>> -> memref<16x128xf32, #tpu.memory_space<vmem_shared>>
        %dma_wait3A_439 = arith.constant 0 : i32
        %dma_wait3A_440 = arith.constant 0 : i32
        %dma_wait3A_441 = tpu.memref_slice %arg12[%run_scoped3A_404, %dma_wait3A_439, %dma_wait3A_440] : memref<3x80x128xf32, #tpu.memory_space<vmem>> -> memref<1x80x128xf32, #tpu.memory_space<vmem>>
        %dma_wait3A_442 = tpu.memref_squeeze %dma_wait3A_441 : memref<1x80x128xf32, #tpu.memory_space<vmem>> -> memref<80x128xf32, #tpu.memory_space<vmem>>
        %dma_wait3A_443 = arith.constant 0 : i32
        %dma_wait3A_444 = arith.constant 0 : i32
        %dma_wait3A_445 = tpu.memref_slice %dma_wait3A_442[%dma_wait3A_443, %dma_wait3A_444] : memref<80x128xf32, #tpu.memory_space<vmem>> -> memref<16x128xf32, #tpu.memory_space<vmem>>
        tpu.wait_dma2 semaphore(%run_scoped3A_405 : memref<!tpu.dma_semaphore, #tpu.memory_space<semaphore_mem>>) src(%dma_wait3A_445 : memref<16x128xf32, #tpu.memory_space<vmem>>) dst(%dma_wait3A_438 : memref<16x128xf32, #tpu.memory_space<vmem_shared>>)
        tpu.yield
      }) : () -> ()
    } else {
    }
    %barrier3A = arith.constant 0 : index
    tpu.barrier barrier_id(%barrier3A)
    %iota3A = tpu.iota {dimensions = array<i32: 0>} : vector<16xi32>
    %broadcast_in_dim3A_177 = arith.constant 0 : i32
    %broadcast_in_dim3A_178 = vector.broadcast %broadcast_in_dim3A_177 : i32 to vector<16xi32>
    %broadcast_in_dim3A_179 = arith.constant 1 : i32
    %broadcast_in_dim3A_180 = vector.broadcast %broadcast_in_dim3A_179 : i32 to vector<16xi32>
    %broadcast_in_dim3A_181 = arith.constant 2 : i32
    %broadcast_in_dim3A_182 = vector.broadcast %broadcast_in_dim3A_181 : i32 to vector<16xi32>
    %broadcast_in_dim3A_183 = arith.constant 3 : i32
    %broadcast_in_dim3A_184 = vector.broadcast %broadcast_in_dim3A_183 : i32 to vector<16xi32>
    %add3A_185 = arith.constant 0 : i32
    %add3A_186 = arith.addi %mul3A_2, %add3A_185 : i32
    %rem3A = arith.constant 0 : i32
    %rem3A_187 = arith.constant 4 : i32
    %rem3A_188 = arith.remsi %rem3A, %rem3A_187 : i32
    %rem3A_189 = arith.constant 0 : i32
    %rem3A_190 = arith.constant 2 : i32
    %rem3A_191 = arith.remsi %rem3A_189, %rem3A_190 : i32
    %dma_start3A = arith.constant 0 : i32
    %dma_start3A_192 = tpu.memref_slice %arg10[%rem3A_188, %dma_start3A] : memref<4x80xi32, #tpu.memory_space<vmem>> -> memref<1x80xi32, #tpu.memory_space<vmem>>
    %dma_start3A_193 = tpu.memref_squeeze %dma_start3A_192 : memref<1x80xi32, #tpu.memory_space<vmem>> -> memref<80xi32, #tpu.memory_space<vmem>>
    %dma_start3A_194 = tpu.memref_slice %arg6[%add3A_186] : memref<320000xi32, #tpu.memory_space<hbm>> -> memref<80xi32, #tpu.memory_space<hbm>>
    %dma_start3A_195 = tpu.memref_slice %arg17[%rem3A_191] : memref<2x!tpu.dma_semaphore, #tpu.memory_space<semaphore_mem>> -> memref<1x!tpu.dma_semaphore, #tpu.memory_space<semaphore_mem>>
    %dma_start3A_196 = tpu.memref_squeeze %dma_start3A_195 : memref<1x!tpu.dma_semaphore, #tpu.memory_space<semaphore_mem>> -> memref<!tpu.dma_semaphore, #tpu.memory_space<semaphore_mem>>
    %dma_start3A_197 = arith.constant 0 : i32
    %dma_start3A_198 = tpu.memref_slice %arg10[%rem3A_188, %dma_start3A_197] : memref<4x80xi32, #tpu.memory_space<vmem>> -> memref<1x80xi32, #tpu.memory_space<vmem>>
    %dma_start3A_199 = tpu.memref_squeeze %dma_start3A_198 : memref<1x80xi32, #tpu.memory_space<vmem>> -> memref<80xi32, #tpu.memory_space<vmem>>
    %dma_start3A_200 = tpu.memref_slice %arg6[%add3A_186] : memref<320000xi32, #tpu.memory_space<hbm>> -> memref<80xi32, #tpu.memory_space<hbm>>
    tpu.enqueue_dma source(%dma_start3A_200 : memref<80xi32, #tpu.memory_space<hbm>>) target(%dma_start3A_199 : memref<80xi32, #tpu.memory_space<vmem>>) target_semaphore(%dma_start3A_196 : memref<!tpu.dma_semaphore, #tpu.memory_space<semaphore_mem>>)
    %dma_start3A_201 = arith.constant 0 : i32
    %dma_start3A_202 = tpu.memref_slice %arg11[%rem3A_188, %dma_start3A_201] : memref<4x80xi32, #tpu.memory_space<vmem>> -> memref<1x80xi32, #tpu.memory_space<vmem>>
    %dma_start3A_203 = tpu.memref_squeeze %dma_start3A_202 : memref<1x80xi32, #tpu.memory_space<vmem>> -> memref<80xi32, #tpu.memory_space<vmem>>
    %dma_start3A_204 = tpu.memref_slice %arg7[%add3A_186] : memref<320000xi32, #tpu.memory_space<hbm>> -> memref<80xi32, #tpu.memory_space<hbm>>
    %dma_start3A_205 = tpu.memref_slice %arg17[%rem3A_191] : memref<2x!tpu.dma_semaphore, #tpu.memory_space<semaphore_mem>> -> memref<1x!tpu.dma_semaphore, #tpu.memory_space<semaphore_mem>>
    %dma_start3A_206 = tpu.memref_squeeze %dma_start3A_205 : memref<1x!tpu.dma_semaphore, #tpu.memory_space<semaphore_mem>> -> memref<!tpu.dma_semaphore, #tpu.memory_space<semaphore_mem>>
    %dma_start3A_207 = arith.constant 0 : i32
    %dma_start3A_208 = tpu.memref_slice %arg11[%rem3A_188, %dma_start3A_207] : memref<4x80xi32, #tpu.memory_space<vmem>> -> memref<1x80xi32, #tpu.memory_space<vmem>>
    %dma_start3A_209 = tpu.memref_squeeze %dma_start3A_208 : memref<1x80xi32, #tpu.memory_space<vmem>> -> memref<80xi32, #tpu.memory_space<vmem>>
    %dma_start3A_210 = tpu.memref_slice %arg7[%add3A_186] : memref<320000xi32, #tpu.memory_space<hbm>> -> memref<80xi32, #tpu.memory_space<hbm>>
    tpu.enqueue_dma source(%dma_start3A_210 : memref<80xi32, #tpu.memory_space<hbm>>) target(%dma_start3A_209 : memref<80xi32, #tpu.memory_space<vmem>>) target_semaphore(%dma_start3A_206 : memref<!tpu.dma_semaphore, #tpu.memory_space<semaphore_mem>>)
    %add3A_211 = arith.constant 80 : i32
    %add3A_212 = arith.addi %mul3A_2, %add3A_211 : i32
    %rem3A_213 = arith.constant 1 : i32
    %rem3A_214 = arith.constant 4 : i32
    %rem3A_215 = arith.remsi %rem3A_213, %rem3A_214 : i32
    %rem3A_216 = arith.constant 1 : i32
    %rem3A_217 = arith.constant 2 : i32
    %rem3A_218 = arith.remsi %rem3A_216, %rem3A_217 : i32
    %dma_start3A_219 = arith.constant 0 : i32
    %dma_start3A_220 = tpu.memref_slice %arg10[%rem3A_215, %dma_start3A_219] : memref<4x80xi32, #tpu.memory_space<vmem>> -> memref<1x80xi32, #tpu.memory_space<vmem>>
    %dma_start3A_221 = tpu.memref_squeeze %dma_start3A_220 : memref<1x80xi32, #tpu.memory_space<vmem>> -> memref<80xi32, #tpu.memory_space<vmem>>
    %dma_start3A_222 = tpu.memref_slice %arg6[%add3A_212] : memref<320000xi32, #tpu.memory_space<hbm>> -> memref<80xi32, #tpu.memory_space<hbm>>
    %dma_start3A_223 = tpu.memref_slice %arg17[%rem3A_218] : memref<2x!tpu.dma_semaphore, #tpu.memory_space<semaphore_mem>> -> memref<1x!tpu.dma_semaphore, #tpu.memory_space<semaphore_mem>>
    %dma_start3A_224 = tpu.memref_squeeze %dma_start3A_223 : memref<1x!tpu.dma_semaphore, #tpu.memory_space<semaphore_mem>> -> memref<!tpu.dma_semaphore, #tpu.memory_space<semaphore_mem>>
    %dma_start3A_225 = arith.constant 0 : i32
    %dma_start3A_226 = tpu.memref_slice %arg10[%rem3A_215, %dma_start3A_225] : memref<4x80xi32, #tpu.memory_space<vmem>> -> memref<1x80xi32, #tpu.memory_space<vmem>>
    %dma_start3A_227 = tpu.memref_squeeze %dma_start3A_226 : memref<1x80xi32, #tpu.memory_space<vmem>> -> memref<80xi32, #tpu.memory_space<vmem>>
    %dma_start3A_228 = tpu.memref_slice %arg6[%add3A_212] : memref<320000xi32, #tpu.memory_space<hbm>> -> memref<80xi32, #tpu.memory_space<hbm>>
    tpu.enqueue_dma source(%dma_start3A_228 : memref<80xi32, #tpu.memory_space<hbm>>) target(%dma_start3A_227 : memref<80xi32, #tpu.memory_space<vmem>>) target_semaphore(%dma_start3A_224 : memref<!tpu.dma_semaphore, #tpu.memory_space<semaphore_mem>>)
    %dma_start3A_229 = arith.constant 0 : i32
    %dma_start3A_230 = tpu.memref_slice %arg11[%rem3A_215, %dma_start3A_229] : memref<4x80xi32, #tpu.memory_space<vmem>> -> memref<1x80xi32, #tpu.memory_space<vmem>>
    %dma_start3A_231 = tpu.memref_squeeze %dma_start3A_230 : memref<1x80xi32, #tpu.memory_space<vmem>> -> memref<80xi32, #tpu.memory_space<vmem>>
    %dma_start3A_232 = tpu.memref_slice %arg7[%add3A_212] : memref<320000xi32, #tpu.memory_space<hbm>> -> memref<80xi32, #tpu.memory_space<hbm>>
    %dma_start3A_233 = tpu.memref_slice %arg17[%rem3A_218] : memref<2x!tpu.dma_semaphore, #tpu.memory_space<semaphore_mem>> -> memref<1x!tpu.dma_semaphore, #tpu.memory_space<semaphore_mem>>
    %dma_start3A_234 = tpu.memref_squeeze %dma_start3A_233 : memref<1x!tpu.dma_semaphore, #tpu.memory_space<semaphore_mem>> -> memref<!tpu.dma_semaphore, #tpu.memory_space<semaphore_mem>>
    %dma_start3A_235 = arith.constant 0 : i32
    %dma_start3A_236 = tpu.memref_slice %arg11[%rem3A_215, %dma_start3A_235] : memref<4x80xi32, #tpu.memory_space<vmem>> -> memref<1x80xi32, #tpu.memory_space<vmem>>
    %dma_start3A_237 = tpu.memref_squeeze %dma_start3A_236 : memref<1x80xi32, #tpu.memory_space<vmem>> -> memref<80xi32, #tpu.memory_space<vmem>>
    %dma_start3A_238 = tpu.memref_slice %arg7[%add3A_212] : memref<320000xi32, #tpu.memory_space<hbm>> -> memref<80xi32, #tpu.memory_space<hbm>>
    tpu.enqueue_dma source(%dma_start3A_238 : memref<80xi32, #tpu.memory_space<hbm>>) target(%dma_start3A_237 : memref<80xi32, #tpu.memory_space<vmem>>) target_semaphore(%dma_start3A_234 : memref<!tpu.dma_semaphore, #tpu.memory_space<semaphore_mem>>)
    %add3A_239 = arith.constant 0 : i32
    %add3A_240 = arith.addi %mul3A_2, %add3A_239 : i32
    %rem3A_241 = arith.constant 0 : i32
    %rem3A_242 = arith.constant 4 : i32
    %rem3A_243 = arith.remsi %rem3A_241, %rem3A_242 : i32
    %rem3A_244 = arith.constant 0 : i32
    %rem3A_245 = arith.constant 2 : i32
    %rem3A_246 = arith.remsi %rem3A_244, %rem3A_245 : i32
    %dma_wait3A = arith.constant 0 : i32
    %dma_wait3A_247 = tpu.memref_slice %arg10[%rem3A_243, %dma_wait3A] : memref<4x80xi32, #tpu.memory_space<vmem>> -> memref<1x80xi32, #tpu.memory_space<vmem>>
    %dma_wait3A_248 = tpu.memref_squeeze %dma_wait3A_247 : memref<1x80xi32, #tpu.memory_space<vmem>> -> memref<80xi32, #tpu.memory_space<vmem>>
    %dma_wait3A_249 = tpu.memref_slice %arg6[%add3A_240] : memref<320000xi32, #tpu.memory_space<hbm>> -> memref<80xi32, #tpu.memory_space<hbm>>
    %dma_wait3A_250 = tpu.memref_slice %arg17[%rem3A_246] : memref<2x!tpu.dma_semaphore, #tpu.memory_space<semaphore_mem>> -> memref<1x!tpu.dma_semaphore, #tpu.memory_space<semaphore_mem>>
    %dma_wait3A_251 = tpu.memref_squeeze %dma_wait3A_250 : memref<1x!tpu.dma_semaphore, #tpu.memory_space<semaphore_mem>> -> memref<!tpu.dma_semaphore, #tpu.memory_space<semaphore_mem>>
    %dma_wait3A_252 = arith.constant 0 : i32
    %dma_wait3A_253 = tpu.memref_slice %arg10[%rem3A_243, %dma_wait3A_252] : memref<4x80xi32, #tpu.memory_space<vmem>> -> memref<1x80xi32, #tpu.memory_space<vmem>>
    %dma_wait3A_254 = tpu.memref_squeeze %dma_wait3A_253 : memref<1x80xi32, #tpu.memory_space<vmem>> -> memref<80xi32, #tpu.memory_space<vmem>>
    %dma_wait3A_255 = tpu.memref_slice %arg6[%add3A_240] : memref<320000xi32, #tpu.memory_space<hbm>> -> memref<80xi32, #tpu.memory_space<hbm>>
    tpu.wait_dma2 semaphore(%dma_wait3A_251 : memref<!tpu.dma_semaphore, #tpu.memory_space<semaphore_mem>>) src(%dma_wait3A_255 : memref<80xi32, #tpu.memory_space<hbm>>) dst(%dma_wait3A_254 : memref<80xi32, #tpu.memory_space<vmem>>)
    %dma_wait3A_256 = arith.constant 0 : i32
    %dma_wait3A_257 = tpu.memref_slice %arg11[%rem3A_243, %dma_wait3A_256] : memref<4x80xi32, #tpu.memory_space<vmem>> -> memref<1x80xi32, #tpu.memory_space<vmem>>
    %dma_wait3A_258 = tpu.memref_squeeze %dma_wait3A_257 : memref<1x80xi32, #tpu.memory_space<vmem>> -> memref<80xi32, #tpu.memory_space<vmem>>
    %dma_wait3A_259 = tpu.memref_slice %arg7[%add3A_240] : memref<320000xi32, #tpu.memory_space<hbm>> -> memref<80xi32, #tpu.memory_space<hbm>>
    %dma_wait3A_260 = tpu.memref_slice %arg17[%rem3A_246] : memref<2x!tpu.dma_semaphore, #tpu.memory_space<semaphore_mem>> -> memref<1x!tpu.dma_semaphore, #tpu.memory_space<semaphore_mem>>
    %dma_wait3A_261 = tpu.memref_squeeze %dma_wait3A_260 : memref<1x!tpu.dma_semaphore, #tpu.memory_space<semaphore_mem>> -> memref<!tpu.dma_semaphore, #tpu.memory_space<semaphore_mem>>
    %dma_wait3A_262 = arith.constant 0 : i32
    %dma_wait3A_263 = tpu.memref_slice %arg11[%rem3A_243, %dma_wait3A_262] : memref<4x80xi32, #tpu.memory_space<vmem>> -> memref<1x80xi32, #tpu.memory_space<vmem>>
    %dma_wait3A_264 = tpu.memref_squeeze %dma_wait3A_263 : memref<1x80xi32, #tpu.memory_space<vmem>> -> memref<80xi32, #tpu.memory_space<vmem>>
    %dma_wait3A_265 = tpu.memref_slice %arg7[%add3A_240] : memref<320000xi32, #tpu.memory_space<hbm>> -> memref<80xi32, #tpu.memory_space<hbm>>
    tpu.wait_dma2 semaphore(%dma_wait3A_261 : memref<!tpu.dma_semaphore, #tpu.memory_space<semaphore_mem>>) src(%dma_wait3A_265 : memref<80xi32, #tpu.memory_space<hbm>>) dst(%dma_wait3A_264 : memref<80xi32, #tpu.memory_space<vmem>>)
    %rem3A_266 = arith.constant 0 : i32
    %rem3A_267 = arith.constant 3 : i32
    %rem3A_268 = arith.remsi %rem3A_266, %rem3A_267 : i32
    %rem3A_269 = arith.constant 0 : i32
    %rem3A_270 = arith.constant 4 : i32
    %rem3A_271 = arith.remsi %rem3A_269, %rem3A_270 : i32
    %dma_start3A_272 = arith.constant 0 : i32
    %dma_start3A_273 = arith.constant 0 : i32
    %dma_start3A_274 = tpu.memref_slice %arg12[%rem3A_268, %dma_start3A_272, %dma_start3A_273] : memref<3x80x128xf32, #tpu.memory_space<vmem>> -> memref<1x80x128xf32, #tpu.memory_space<vmem>>
    %dma_start3A_275 = tpu.memref_squeeze %dma_start3A_274 : memref<1x80x128xf32, #tpu.memory_space<vmem>> -> memref<80x128xf32, #tpu.memory_space<vmem>>
    %dma_start3A_276 = arith.constant 0 : i32
    %dma_start3A_277 = tpu.memref_slice %arg10[%rem3A_271, %dma_start3A_276] : memref<4x80xi32, #tpu.memory_space<vmem>> -> memref<1x80xi32, #tpu.memory_space<vmem>>
    %dma_start3A_278 = tpu.memref_squeeze %dma_start3A_277 : memref<1x80xi32, #tpu.memory_space<vmem>> -> memref<80xi32, #tpu.memory_space<vmem>>
    %dma_start3A_279 = arith.constant 0 : i32
    %dma_start3A_280 = arith.constant 0 : i32
    %dma_start3A_281 = tpu.memref_slice %arg2[%dma_start3A_279, %dma_start3A_280] : memref<10000x128xf32, #tpu.memory_space<hbm>> -> memref<10000x128xf32, #tpu.memory_space<hbm>>
    tpu.enqueue_indirect_dma source(%dma_start3A_281 : memref<10000x128xf32, #tpu.memory_space<hbm>>) target(%dma_start3A_275 : memref<80x128xf32, #tpu.memory_space<vmem>>) offsets(%dma_start3A_278 : memref<80xi32, #tpu.memory_space<vmem>>) semaphore(%arg18 : memref<!tpu.dma_semaphore, #tpu.memory_space<semaphore_mem>>)
    %dma_start3A_282 = arith.constant 0 : i32
    %dma_start3A_283 = arith.constant 0 : i32
    %dma_start3A_284 = tpu.memref_slice %arg13[%rem3A_268, %dma_start3A_282, %dma_start3A_283] : memref<3x80x16xf32, #tpu.memory_space<vmem>> -> memref<1x80x16xf32, #tpu.memory_space<vmem>>
    %dma_start3A_285 = tpu.memref_squeeze %dma_start3A_284 : memref<1x80x16xf32, #tpu.memory_space<vmem>> -> memref<80x16xf32, #tpu.memory_space<vmem>>
    %dma_start3A_286 = arith.constant 0 : i32
    %dma_start3A_287 = tpu.memref_slice %arg10[%rem3A_271, %dma_start3A_286] : memref<4x80xi32, #tpu.memory_space<vmem>> -> memref<1x80xi32, #tpu.memory_space<vmem>>
    %dma_start3A_288 = tpu.memref_squeeze %dma_start3A_287 : memref<1x80xi32, #tpu.memory_space<vmem>> -> memref<80xi32, #tpu.memory_space<vmem>>
    %dma_start3A_289 = arith.constant 0 : i32
    %dma_start3A_290 = arith.constant 0 : i32
    %dma_start3A_291 = tpu.memref_slice %arg3[%dma_start3A_289, %dma_start3A_290] : memref<10000x16xf32, #tpu.memory_space<hbm>> -> memref<10000x16xf32, #tpu.memory_space<hbm>>
    tpu.enqueue_indirect_dma source(%dma_start3A_291 : memref<10000x16xf32, #tpu.memory_space<hbm>>) target(%dma_start3A_285 : memref<80x16xf32, #tpu.memory_space<vmem>>) offsets(%dma_start3A_288 : memref<80xi32, #tpu.memory_space<vmem>>) semaphore(%arg18 : memref<!tpu.dma_semaphore, #tpu.memory_space<semaphore_mem>>)
    %dma_start3A_292 = arith.constant 0 : i32
    %dma_start3A_293 = arith.constant 0 : i32
    %dma_start3A_294 = tpu.memref_slice %arg14[%rem3A_268, %dma_start3A_292, %dma_start3A_293] : memref<3x80x16xf32, #tpu.memory_space<vmem>> -> memref<1x80x16xf32, #tpu.memory_space<vmem>>
    %dma_start3A_295 = tpu.memref_squeeze %dma_start3A_294 : memref<1x80x16xf32, #tpu.memory_space<vmem>> -> memref<80x16xf32, #tpu.memory_space<vmem>>
    %dma_start3A_296 = arith.constant 0 : i32
    %dma_start3A_297 = tpu.memref_slice %arg11[%rem3A_271, %dma_start3A_296] : memref<4x80xi32, #tpu.memory_space<vmem>> -> memref<1x80xi32, #tpu.memory_space<vmem>>
    %dma_start3A_298 = tpu.memref_squeeze %dma_start3A_297 : memref<1x80xi32, #tpu.memory_space<vmem>> -> memref<80xi32, #tpu.memory_space<vmem>>
    %dma_start3A_299 = arith.constant 0 : i32
    %dma_start3A_300 = arith.constant 0 : i32
    %dma_start3A_301 = tpu.memref_slice %arg4[%dma_start3A_299, %dma_start3A_300] : memref<10000x16xf32, #tpu.memory_space<hbm>> -> memref<10000x16xf32, #tpu.memory_space<hbm>>
    tpu.enqueue_indirect_dma source(%dma_start3A_301 : memref<10000x16xf32, #tpu.memory_space<hbm>>) target(%dma_start3A_295 : memref<80x16xf32, #tpu.memory_space<vmem>>) offsets(%dma_start3A_298 : memref<80xi32, #tpu.memory_space<vmem>>) semaphore(%arg18 : memref<!tpu.dma_semaphore, #tpu.memory_space<semaphore_mem>>)
    %scan3A_302 = arith.constant 0 : i32
    %scan3A_303 = arith.constant 0 : i32
    %scan3A_304 = arith.constant 125 : i32
    %scan3A_305 = arith.addi %scan3A_303, %scan3A_304 : i32
    %scan3A_306 = arith.constant 1 : i32
    scf.for %scan3A_404 = %scan3A_303 to %scan3A_305 step %scan3A_306  : i32 {
      %ge3A = arith.constant 2 : i32
      %ge3A_405 = arith.cmpi sge, %scan3A_404, %ge3A : i32
      %convert_element_type3A_406 = arith.extui %ge3A_405 : i1 to i32
      %cond3A_407 = arith.constant 0 : i32
      %cond3A_408 = arith.cmpi ne, %convert_element_type3A_406, %cond3A_407 : i32
      scf.if %cond3A_408 {
        %sub3A = arith.constant 2 : i32
        %sub3A_482 = arith.subi %scan3A_404, %sub3A : i32
        %rem3A_483 = arith.constant 3 : i32
        %rem3A_484 = arith.remsi %sub3A_482, %rem3A_483 : i32
        %rem3A_485 = arith.constant 4 : i32
        %rem3A_486 = arith.remsi %sub3A_482, %rem3A_485 : i32
        %rem3A_487 = arith.constant 2 : i32
        %rem3A_488 = arith.remsi %sub3A_482, %rem3A_487 : i32
        %dma_wait3A_489 = arith.constant 0 : i32
        %dma_wait3A_490 = arith.constant 0 : i32
        %dma_wait3A_491 = tpu.memref_slice %arg12[%rem3A_484, %dma_wait3A_489, %dma_wait3A_490] : memref<3x80x128xf32, #tpu.memory_space<vmem>> -> memref<1x80x128xf32, #tpu.memory_space<vmem>>
        %dma_wait3A_492 = tpu.memref_squeeze %dma_wait3A_491 : memref<1x80x128xf32, #tpu.memory_space<vmem>> -> memref<80x128xf32, #tpu.memory_space<vmem>>
        %dma_wait3A_493 = arith.constant 0 : i32
        %dma_wait3A_494 = tpu.memref_slice %arg11[%rem3A_486, %dma_wait3A_493] : memref<4x80xi32, #tpu.memory_space<vmem>> -> memref<1x80xi32, #tpu.memory_space<vmem>>
        %dma_wait3A_495 = tpu.memref_squeeze %dma_wait3A_494 : memref<1x80xi32, #tpu.memory_space<vmem>> -> memref<80xi32, #tpu.memory_space<vmem>>
        %dma_wait3A_496 = arith.constant 0 : i32
        %dma_wait3A_497 = arith.constant 0 : i32
        %dma_wait3A_498 = tpu.memref_slice %arg16[%dma_wait3A_496, %dma_wait3A_497] : memref<10000x128xf32, #tpu.memory_space<vmem_shared>> -> memref<10000x128xf32, #tpu.memory_space<vmem_shared>>
        %dma_wait3A_499 = tpu.memref_slice %arg19[%rem3A_488] : memref<2x!tpu.dma_semaphore, #tpu.memory_space<semaphore_mem>> -> memref<1x!tpu.dma_semaphore, #tpu.memory_space<semaphore_mem>>
        %dma_wait3A_500 = tpu.memref_squeeze %dma_wait3A_499 : memref<1x!tpu.dma_semaphore, #tpu.memory_space<semaphore_mem>> -> memref<!tpu.dma_semaphore, #tpu.memory_space<semaphore_mem>>
        tpu.wait_indirect_dma semaphore(%dma_wait3A_500 : memref<!tpu.dma_semaphore, #tpu.memory_space<semaphore_mem>>) src(%dma_wait3A_492 : memref<80x128xf32, #tpu.memory_space<vmem>>) dst(%dma_wait3A_498 : memref<10000x128xf32, #tpu.memory_space<vmem_shared>>)
      } else {
      }
      %add3A_409 = arith.constant 2 : i32
      %add3A_410 = arith.addi %scan3A_404, %add3A_409 : i32
      %lt3A = arith.constant 125 : i32
      %lt3A_411 = arith.cmpi slt, %add3A_410, %lt3A : i32
      %convert_element_type3A_412 = arith.extui %lt3A_411 : i1 to i32
      %cond3A_413 = arith.constant 0 : i32
      %cond3A_414 = arith.cmpi ne, %convert_element_type3A_412, %cond3A_413 : i32
      scf.if %cond3A_414 {
        %add3A_482 = arith.constant 2 : i32
        %add3A_483 = arith.addi %scan3A_404, %add3A_482 : i32
        %mul3A_484 = arith.constant 80 : i32
        %mul3A_485 = arith.muli %add3A_483, %mul3A_484 : i32
        %add3A_486 = arith.addi %mul3A_2, %mul3A_485 : i32
        %rem3A_487 = arith.constant 4 : i32
        %rem3A_488 = arith.remsi %add3A_483, %rem3A_487 : i32
        %rem3A_489 = arith.constant 2 : i32
        %rem3A_490 = arith.remsi %add3A_483, %rem3A_489 : i32
        %dma_start3A_491 = arith.constant 0 : i32
        %dma_start3A_492 = tpu.memref_slice %arg10[%rem3A_488, %dma_start3A_491] : memref<4x80xi32, #tpu.memory_space<vmem>> -> memref<1x80xi32, #tpu.memory_space<vmem>>
        %dma_start3A_493 = tpu.memref_squeeze %dma_start3A_492 : memref<1x80xi32, #tpu.memory_space<vmem>> -> memref<80xi32, #tpu.memory_space<vmem>>
        %dma_start3A_494 = tpu.memref_slice %arg6[%add3A_486] : memref<320000xi32, #tpu.memory_space<hbm>> -> memref<80xi32, #tpu.memory_space<hbm>>
        %dma_start3A_495 = tpu.memref_slice %arg17[%rem3A_490] : memref<2x!tpu.dma_semaphore, #tpu.memory_space<semaphore_mem>> -> memref<1x!tpu.dma_semaphore, #tpu.memory_space<semaphore_mem>>
        %dma_start3A_496 = tpu.memref_squeeze %dma_start3A_495 : memref<1x!tpu.dma_semaphore, #tpu.memory_space<semaphore_mem>> -> memref<!tpu.dma_semaphore, #tpu.memory_space<semaphore_mem>>
        %dma_start3A_497 = arith.constant 0 : i32
        %dma_start3A_498 = tpu.memref_slice %arg10[%rem3A_488, %dma_start3A_497] : memref<4x80xi32, #tpu.memory_space<vmem>> -> memref<1x80xi32, #tpu.memory_space<vmem>>
        %dma_start3A_499 = tpu.memref_squeeze %dma_start3A_498 : memref<1x80xi32, #tpu.memory_space<vmem>> -> memref<80xi32, #tpu.memory_space<vmem>>
        %dma_start3A_500 = tpu.memref_slice %arg6[%add3A_486] : memref<320000xi32, #tpu.memory_space<hbm>> -> memref<80xi32, #tpu.memory_space<hbm>>
        tpu.enqueue_dma source(%dma_start3A_500 : memref<80xi32, #tpu.memory_space<hbm>>) target(%dma_start3A_499 : memref<80xi32, #tpu.memory_space<vmem>>) target_semaphore(%dma_start3A_496 : memref<!tpu.dma_semaphore, #tpu.memory_space<semaphore_mem>>)
        %dma_start3A_501 = arith.constant 0 : i32
        %dma_start3A_502 = tpu.memref_slice %arg11[%rem3A_488, %dma_start3A_501] : memref<4x80xi32, #tpu.memory_space<vmem>> -> memref<1x80xi32, #tpu.memory_space<vmem>>
        %dma_start3A_503 = tpu.memref_squeeze %dma_start3A_502 : memref<1x80xi32, #tpu.memory_space<vmem>> -> memref<80xi32, #tpu.memory_space<vmem>>
        %dma_start3A_504 = tpu.memref_slice %arg7[%add3A_486] : memref<320000xi32, #tpu.memory_space<hbm>> -> memref<80xi32, #tpu.memory_space<hbm>>
        %dma_start3A_505 = tpu.memref_slice %arg17[%rem3A_490] : memref<2x!tpu.dma_semaphore, #tpu.memory_space<semaphore_mem>> -> memref<1x!tpu.dma_semaphore, #tpu.memory_space<semaphore_mem>>
        %dma_start3A_506 = tpu.memref_squeeze %dma_start3A_505 : memref<1x!tpu.dma_semaphore, #tpu.memory_space<semaphore_mem>> -> memref<!tpu.dma_semaphore, #tpu.memory_space<semaphore_mem>>
        %dma_start3A_507 = arith.constant 0 : i32
        %dma_start3A_508 = tpu.memref_slice %arg11[%rem3A_488, %dma_start3A_507] : memref<4x80xi32, #tpu.memory_space<vmem>> -> memref<1x80xi32, #tpu.memory_space<vmem>>
        %dma_start3A_509 = tpu.memref_squeeze %dma_start3A_508 : memref<1x80xi32, #tpu.memory_space<vmem>> -> memref<80xi32, #tpu.memory_space<vmem>>
        %dma_start3A_510 = tpu.memref_slice %arg7[%add3A_486] : memref<320000xi32, #tpu.memory_space<hbm>> -> memref<80xi32, #tpu.memory_space<hbm>>
        tpu.enqueue_dma source(%dma_start3A_510 : memref<80xi32, #tpu.memory_space<hbm>>) target(%dma_start3A_509 : memref<80xi32, #tpu.memory_space<vmem>>) target_semaphore(%dma_start3A_506 : memref<!tpu.dma_semaphore, #tpu.memory_space<semaphore_mem>>)
      } else {
      }
      %add3A_415 = arith.constant 1 : i32
      %add3A_416 = arith.addi %scan3A_404, %add3A_415 : i32
      %lt3A_417 = arith.constant 125 : i32
      %lt3A_418 = arith.cmpi slt, %add3A_416, %lt3A_417 : i32
      %convert_element_type3A_419 = arith.extui %lt3A_418 : i1 to i32
      %cond3A_420 = arith.constant 0 : i32
      %cond3A_421 = arith.cmpi ne, %convert_element_type3A_419, %cond3A_420 : i32
      scf.if %cond3A_421 {
        %add3A_482 = arith.constant 1 : i32
        %add3A_483 = arith.addi %scan3A_404, %add3A_482 : i32
        %mul3A_484 = arith.constant 80 : i32
        %mul3A_485 = arith.muli %add3A_483, %mul3A_484 : i32
        %add3A_486 = arith.addi %mul3A_2, %mul3A_485 : i32
        %rem3A_487 = arith.constant 4 : i32
        %rem3A_488 = arith.remsi %add3A_483, %rem3A_487 : i32
        %rem3A_489 = arith.constant 2 : i32
        %rem3A_490 = arith.remsi %add3A_483, %rem3A_489 : i32
        %dma_wait3A_491 = arith.constant 0 : i32
        %dma_wait3A_492 = tpu.memref_slice %arg10[%rem3A_488, %dma_wait3A_491] : memref<4x80xi32, #tpu.memory_space<vmem>> -> memref<1x80xi32, #tpu.memory_space<vmem>>
        %dma_wait3A_493 = tpu.memref_squeeze %dma_wait3A_492 : memref<1x80xi32, #tpu.memory_space<vmem>> -> memref<80xi32, #tpu.memory_space<vmem>>
        %dma_wait3A_494 = tpu.memref_slice %arg6[%add3A_486] : memref<320000xi32, #tpu.memory_space<hbm>> -> memref<80xi32, #tpu.memory_space<hbm>>
        %dma_wait3A_495 = tpu.memref_slice %arg17[%rem3A_490] : memref<2x!tpu.dma_semaphore, #tpu.memory_space<semaphore_mem>> -> memref<1x!tpu.dma_semaphore, #tpu.memory_space<semaphore_mem>>
        %dma_wait3A_496 = tpu.memref_squeeze %dma_wait3A_495 : memref<1x!tpu.dma_semaphore, #tpu.memory_space<semaphore_mem>> -> memref<!tpu.dma_semaphore, #tpu.memory_space<semaphore_mem>>
        %dma_wait3A_497 = arith.constant 0 : i32
        %dma_wait3A_498 = tpu.memref_slice %arg10[%rem3A_488, %dma_wait3A_497] : memref<4x80xi32, #tpu.memory_space<vmem>> -> memref<1x80xi32, #tpu.memory_space<vmem>>
        %dma_wait3A_499 = tpu.memref_squeeze %dma_wait3A_498 : memref<1x80xi32, #tpu.memory_space<vmem>> -> memref<80xi32, #tpu.memory_space<vmem>>
        %dma_wait3A_500 = tpu.memref_slice %arg6[%add3A_486] : memref<320000xi32, #tpu.memory_space<hbm>> -> memref<80xi32, #tpu.memory_space<hbm>>
        tpu.wait_dma2 semaphore(%dma_wait3A_496 : memref<!tpu.dma_semaphore, #tpu.memory_space<semaphore_mem>>) src(%dma_wait3A_500 : memref<80xi32, #tpu.memory_space<hbm>>) dst(%dma_wait3A_499 : memref<80xi32, #tpu.memory_space<vmem>>)
        %dma_wait3A_501 = arith.constant 0 : i32
        %dma_wait3A_502 = tpu.memref_slice %arg11[%rem3A_488, %dma_wait3A_501] : memref<4x80xi32, #tpu.memory_space<vmem>> -> memref<1x80xi32, #tpu.memory_space<vmem>>
        %dma_wait3A_503 = tpu.memref_squeeze %dma_wait3A_502 : memref<1x80xi32, #tpu.memory_space<vmem>> -> memref<80xi32, #tpu.memory_space<vmem>>
        %dma_wait3A_504 = tpu.memref_slice %arg7[%add3A_486] : memref<320000xi32, #tpu.memory_space<hbm>> -> memref<80xi32, #tpu.memory_space<hbm>>
        %dma_wait3A_505 = tpu.memref_slice %arg17[%rem3A_490] : memref<2x!tpu.dma_semaphore, #tpu.memory_space<semaphore_mem>> -> memref<1x!tpu.dma_semaphore, #tpu.memory_space<semaphore_mem>>
        %dma_wait3A_506 = tpu.memref_squeeze %dma_wait3A_505 : memref<1x!tpu.dma_semaphore, #tpu.memory_space<semaphore_mem>> -> memref<!tpu.dma_semaphore, #tpu.memory_space<semaphore_mem>>
        %dma_wait3A_507 = arith.constant 0 : i32
        %dma_wait3A_508 = tpu.memref_slice %arg11[%rem3A_488, %dma_wait3A_507] : memref<4x80xi32, #tpu.memory_space<vmem>> -> memref<1x80xi32, #tpu.memory_space<vmem>>
        %dma_wait3A_509 = tpu.memref_squeeze %dma_wait3A_508 : memref<1x80xi32, #tpu.memory_space<vmem>> -> memref<80xi32, #tpu.memory_space<vmem>>
        %dma_wait3A_510 = tpu.memref_slice %arg7[%add3A_486] : memref<320000xi32, #tpu.memory_space<hbm>> -> memref<80xi32, #tpu.memory_space<hbm>>
        tpu.wait_dma2 semaphore(%dma_wait3A_506 : memref<!tpu.dma_semaphore, #tpu.memory_space<semaphore_mem>>) src(%dma_wait3A_510 : memref<80xi32, #tpu.memory_space<hbm>>) dst(%dma_wait3A_509 : memref<80xi32, #tpu.memory_space<vmem>>)
        %add3A_511 = arith.constant 1 : i32
        %add3A_512 = arith.addi %scan3A_404, %add3A_511 : i32
        %rem3A_513 = arith.constant 3 : i32
        %rem3A_514 = arith.remsi %add3A_512, %rem3A_513 : i32
        %rem3A_515 = arith.constant 4 : i32
        %rem3A_516 = arith.remsi %add3A_512, %rem3A_515 : i32
        %dma_start3A_517 = arith.constant 0 : i32
        %dma_start3A_518 = arith.constant 0 : i32
        %dma_start3A_519 = tpu.memref_slice %arg12[%rem3A_514, %dma_start3A_517, %dma_start3A_518] : memref<3x80x128xf32, #tpu.memory_space<vmem>> -> memref<1x80x128xf32, #tpu.memory_space<vmem>>
        %dma_start3A_520 = tpu.memref_squeeze %dma_start3A_519 : memref<1x80x128xf32, #tpu.memory_space<vmem>> -> memref<80x128xf32, #tpu.memory_space<vmem>>
        %dma_start3A_521 = arith.constant 0 : i32
        %dma_start3A_522 = tpu.memref_slice %arg10[%rem3A_516, %dma_start3A_521] : memref<4x80xi32, #tpu.memory_space<vmem>> -> memref<1x80xi32, #tpu.memory_space<vmem>>
        %dma_start3A_523 = tpu.memref_squeeze %dma_start3A_522 : memref<1x80xi32, #tpu.memory_space<vmem>> -> memref<80xi32, #tpu.memory_space<vmem>>
        %dma_start3A_524 = arith.constant 0 : i32
        %dma_start3A_525 = arith.constant 0 : i32
        %dma_start3A_526 = tpu.memref_slice %arg2[%dma_start3A_524, %dma_start3A_525] : memref<10000x128xf32, #tpu.memory_space<hbm>> -> memref<10000x128xf32, #tpu.memory_space<hbm>>
        tpu.enqueue_indirect_dma source(%dma_start3A_526 : memref<10000x128xf32, #tpu.memory_space<hbm>>) target(%dma_start3A_520 : memref<80x128xf32, #tpu.memory_space<vmem>>) offsets(%dma_start3A_523 : memref<80xi32, #tpu.memory_space<vmem>>) semaphore(%arg18 : memref<!tpu.dma_semaphore, #tpu.memory_space<semaphore_mem>>)
        %dma_start3A_527 = arith.constant 0 : i32
        %dma_start3A_528 = arith.constant 0 : i32
        %dma_start3A_529 = tpu.memref_slice %arg13[%rem3A_514, %dma_start3A_527, %dma_start3A_528] : memref<3x80x16xf32, #tpu.memory_space<vmem>> -> memref<1x80x16xf32, #tpu.memory_space<vmem>>
        %dma_start3A_530 = tpu.memref_squeeze %dma_start3A_529 : memref<1x80x16xf32, #tpu.memory_space<vmem>> -> memref<80x16xf32, #tpu.memory_space<vmem>>
        %dma_start3A_531 = arith.constant 0 : i32
        %dma_start3A_532 = tpu.memref_slice %arg10[%rem3A_516, %dma_start3A_531] : memref<4x80xi32, #tpu.memory_space<vmem>> -> memref<1x80xi32, #tpu.memory_space<vmem>>
        %dma_start3A_533 = tpu.memref_squeeze %dma_start3A_532 : memref<1x80xi32, #tpu.memory_space<vmem>> -> memref<80xi32, #tpu.memory_space<vmem>>
        %dma_start3A_534 = arith.constant 0 : i32
        %dma_start3A_535 = arith.constant 0 : i32
        %dma_start3A_536 = tpu.memref_slice %arg3[%dma_start3A_534, %dma_start3A_535] : memref<10000x16xf32, #tpu.memory_space<hbm>> -> memref<10000x16xf32, #tpu.memory_space<hbm>>
        tpu.enqueue_indirect_dma source(%dma_start3A_536 : memref<10000x16xf32, #tpu.memory_space<hbm>>) target(%dma_start3A_530 : memref<80x16xf32, #tpu.memory_space<vmem>>) offsets(%dma_start3A_533 : memref<80xi32, #tpu.memory_space<vmem>>) semaphore(%arg18 : memref<!tpu.dma_semaphore, #tpu.memory_space<semaphore_mem>>)
        %dma_start3A_537 = arith.constant 0 : i32
        %dma_start3A_538 = arith.constant 0 : i32
        %dma_start3A_539 = tpu.memref_slice %arg14[%rem3A_514, %dma_start3A_537, %dma_start3A_538] : memref<3x80x16xf32, #tpu.memory_space<vmem>> -> memref<1x80x16xf32, #tpu.memory_space<vmem>>
        %dma_start3A_540 = tpu.memref_squeeze %dma_start3A_539 : memref<1x80x16xf32, #tpu.memory_space<vmem>> -> memref<80x16xf32, #tpu.memory_space<vmem>>
        %dma_start3A_541 = arith.constant 0 : i32
        %dma_start3A_542 = tpu.memref_slice %arg11[%rem3A_516, %dma_start3A_541] : memref<4x80xi32, #tpu.memory_space<vmem>> -> memref<1x80xi32, #tpu.memory_space<vmem>>
        %dma_start3A_543 = tpu.memref_squeeze %dma_start3A_542 : memref<1x80xi32, #tpu.memory_space<vmem>> -> memref<80xi32, #tpu.memory_space<vmem>>
        %dma_start3A_544 = arith.constant 0 : i32
        %dma_start3A_545 = arith.constant 0 : i32
        %dma_start3A_546 = tpu.memref_slice %arg4[%dma_start3A_544, %dma_start3A_545] : memref<10000x16xf32, #tpu.memory_space<hbm>> -> memref<10000x16xf32, #tpu.memory_space<hbm>>
        tpu.enqueue_indirect_dma source(%dma_start3A_546 : memref<10000x16xf32, #tpu.memory_space<hbm>>) target(%dma_start3A_540 : memref<80x16xf32, #tpu.memory_space<vmem>>) offsets(%dma_start3A_543 : memref<80xi32, #tpu.memory_space<vmem>>) semaphore(%arg18 : memref<!tpu.dma_semaphore, #tpu.memory_space<semaphore_mem>>)
      } else {
      }
      %rem3A_422 = arith.constant 3 : i32
      %rem3A_423 = arith.remsi %scan3A_404, %rem3A_422 : i32
      %rem3A_424 = arith.constant 4 : i32
      %rem3A_425 = arith.remsi %scan3A_404, %rem3A_424 : i32
      %dma_wait3A_426 = arith.constant 0 : i32
      %dma_wait3A_427 = arith.constant 0 : i32
      %dma_wait3A_428 = tpu.memref_slice %arg12[%rem3A_423, %dma_wait3A_426, %dma_wait3A_427] : memref<3x80x128xf32, #tpu.memory_space<vmem>> -> memref<1x80x128xf32, #tpu.memory_space<vmem>>
      %dma_wait3A_429 = tpu.memref_squeeze %dma_wait3A_428 : memref<1x80x128xf32, #tpu.memory_space<vmem>> -> memref<80x128xf32, #tpu.memory_space<vmem>>
      %dma_wait3A_430 = arith.constant 0 : i32
      %dma_wait3A_431 = tpu.memref_slice %arg10[%rem3A_425, %dma_wait3A_430] : memref<4x80xi32, #tpu.memory_space<vmem>> -> memref<1x80xi32, #tpu.memory_space<vmem>>
      %dma_wait3A_432 = tpu.memref_squeeze %dma_wait3A_431 : memref<1x80xi32, #tpu.memory_space<vmem>> -> memref<80xi32, #tpu.memory_space<vmem>>
      %dma_wait3A_433 = arith.constant 0 : i32
      %dma_wait3A_434 = arith.constant 0 : i32
      %dma_wait3A_435 = tpu.memref_slice %arg2[%dma_wait3A_433, %dma_wait3A_434] : memref<10000x128xf32, #tpu.memory_space<hbm>> -> memref<10000x128xf32, #tpu.memory_space<hbm>>
      tpu.wait_indirect_dma semaphore(%arg18 : memref<!tpu.dma_semaphore, #tpu.memory_space<semaphore_mem>>) src(%dma_wait3A_435 : memref<10000x128xf32, #tpu.memory_space<hbm>>) dst(%dma_wait3A_429 : memref<80x128xf32, #tpu.memory_space<vmem>>)
      %dma_wait3A_436 = arith.constant 0 : i32
      %dma_wait3A_437 = arith.constant 0 : i32
      %dma_wait3A_438 = tpu.memref_slice %arg13[%rem3A_423, %dma_wait3A_436, %dma_wait3A_437] : memref<3x80x16xf32, #tpu.memory_space<vmem>> -> memref<1x80x16xf32, #tpu.memory_space<vmem>>
      %dma_wait3A_439 = tpu.memref_squeeze %dma_wait3A_438 : memref<1x80x16xf32, #tpu.memory_space<vmem>> -> memref<80x16xf32, #tpu.memory_space<vmem>>
      %dma_wait3A_440 = arith.constant 0 : i32
      %dma_wait3A_441 = tpu.memref_slice %arg10[%rem3A_425, %dma_wait3A_440] : memref<4x80xi32, #tpu.memory_space<vmem>> -> memref<1x80xi32, #tpu.memory_space<vmem>>
      %dma_wait3A_442 = tpu.memref_squeeze %dma_wait3A_441 : memref<1x80xi32, #tpu.memory_space<vmem>> -> memref<80xi32, #tpu.memory_space<vmem>>
      %dma_wait3A_443 = arith.constant 0 : i32
      %dma_wait3A_444 = arith.constant 0 : i32
      %dma_wait3A_445 = tpu.memref_slice %arg3[%dma_wait3A_443, %dma_wait3A_444] : memref<10000x16xf32, #tpu.memory_space<hbm>> -> memref<10000x16xf32, #tpu.memory_space<hbm>>
      tpu.wait_indirect_dma semaphore(%arg18 : memref<!tpu.dma_semaphore, #tpu.memory_space<semaphore_mem>>) src(%dma_wait3A_445 : memref<10000x16xf32, #tpu.memory_space<hbm>>) dst(%dma_wait3A_439 : memref<80x16xf32, #tpu.memory_space<vmem>>)
      %dma_wait3A_446 = arith.constant 0 : i32
      %dma_wait3A_447 = arith.constant 0 : i32
      %dma_wait3A_448 = tpu.memref_slice %arg14[%rem3A_423, %dma_wait3A_446, %dma_wait3A_447] : memref<3x80x16xf32, #tpu.memory_space<vmem>> -> memref<1x80x16xf32, #tpu.memory_space<vmem>>
      %dma_wait3A_449 = tpu.memref_squeeze %dma_wait3A_448 : memref<1x80x16xf32, #tpu.memory_space<vmem>> -> memref<80x16xf32, #tpu.memory_space<vmem>>
      %dma_wait3A_450 = arith.constant 0 : i32
      %dma_wait3A_451 = tpu.memref_slice %arg11[%rem3A_425, %dma_wait3A_450] : memref<4x80xi32, #tpu.memory_space<vmem>> -> memref<1x80xi32, #tpu.memory_space<vmem>>
      %dma_wait3A_452 = tpu.memref_squeeze %dma_wait3A_451 : memref<1x80xi32, #tpu.memory_space<vmem>> -> memref<80xi32, #tpu.memory_space<vmem>>
      %dma_wait3A_453 = arith.constant 0 : i32
      %dma_wait3A_454 = arith.constant 0 : i32
      %dma_wait3A_455 = tpu.memref_slice %arg4[%dma_wait3A_453, %dma_wait3A_454] : memref<10000x16xf32, #tpu.memory_space<hbm>> -> memref<10000x16xf32, #tpu.memory_space<hbm>>
      tpu.wait_indirect_dma semaphore(%arg18 : memref<!tpu.dma_semaphore, #tpu.memory_space<semaphore_mem>>) src(%dma_wait3A_455 : memref<10000x16xf32, #tpu.memory_space<hbm>>) dst(%dma_wait3A_449 : memref<80x16xf32, #tpu.memory_space<vmem>>)
      %rem3A_456 = arith.constant 3 : i32
      %rem3A_457 = arith.remsi %scan3A_404, %rem3A_456 : i32
      %broadcast_in_dim3A_458 = vector.broadcast %rem3A_457 : i32 to vector<16xi32>
      %parallel_loop3A = arith.constant 0 : i32
      %parallel_loop3A_459 = arith.constant 5 : i32
      %parallel_loop3A_460 = arith.constant 1 : i32
      scf.for %parallel_loop3A_482 = %parallel_loop3A to %parallel_loop3A_459 step %parallel_loop3A_460  : i32 {
        %parallel_loop3A_483 = arith.constant 16 : i32
        %parallel_loop3A_484 = arith.muli %parallel_loop3A_482, %parallel_loop3A_483 : i32
        %parallel_loop3A_485 = vector.broadcast %parallel_loop3A_484 : i32 to vector<16xi32>
        %parallel_loop3A_486 = arith.addi %iota3A, %parallel_loop3A_485 : vector<16xi32>
        %parallel_loop3A_487 = tpu.vector_load_idx %arg13[%broadcast_in_dim3A_458, %parallel_loop3A_486, %broadcast_in_dim3A_178] : memref<3x80x16xf32, #tpu.memory_space<vmem>>[vector<16xi32>, vector<16xi32>, vector<16xi32>], vector<16xf32>,
        %parallel_loop3A_488 = tpu.vector_load_idx %arg14[%broadcast_in_dim3A_458, %parallel_loop3A_486, %broadcast_in_dim3A_178] : memref<3x80x16xf32, #tpu.memory_space<vmem>>[vector<16xi32>, vector<16xi32>, vector<16xi32>], vector<16xf32>,
        %parallel_loop3A_489 = arith.mulf %parallel_loop3A_487, %parallel_loop3A_488 : vector<16xf32>
        %parallel_loop3A_490 = tpu.vector_load_idx %arg13[%broadcast_in_dim3A_458, %parallel_loop3A_486, %broadcast_in_dim3A_180] : memref<3x80x16xf32, #tpu.memory_space<vmem>>[vector<16xi32>, vector<16xi32>, vector<16xi32>], vector<16xf32>,
        %parallel_loop3A_491 = tpu.vector_load_idx %arg14[%broadcast_in_dim3A_458, %parallel_loop3A_486, %broadcast_in_dim3A_180] : memref<3x80x16xf32, #tpu.memory_space<vmem>>[vector<16xi32>, vector<16xi32>, vector<16xi32>], vector<16xf32>,
        %parallel_loop3A_492 = arith.mulf %parallel_loop3A_490, %parallel_loop3A_491 : vector<16xf32>
        %parallel_loop3A_493 = tpu.vector_load_idx %arg13[%broadcast_in_dim3A_458, %parallel_loop3A_486, %broadcast_in_dim3A_182] : memref<3x80x16xf32, #tpu.memory_space<vmem>>[vector<16xi32>, vector<16xi32>, vector<16xi32>], vector<16xf32>,
        %parallel_loop3A_494 = tpu.vector_load_idx %arg14[%broadcast_in_dim3A_458, %parallel_loop3A_486, %broadcast_in_dim3A_182] : memref<3x80x16xf32, #tpu.memory_space<vmem>>[vector<16xi32>, vector<16xi32>, vector<16xi32>], vector<16xf32>,
        %parallel_loop3A_495 = arith.mulf %parallel_loop3A_493, %parallel_loop3A_494 : vector<16xf32>
        %parallel_loop3A_496 = tpu.vector_load_idx %arg13[%broadcast_in_dim3A_458, %parallel_loop3A_486, %broadcast_in_dim3A_184] : memref<3x80x16xf32, #tpu.memory_space<vmem>>[vector<16xi32>, vector<16xi32>, vector<16xi32>], vector<16xf32>,
        %parallel_loop3A_497 = tpu.vector_load_idx %arg14[%broadcast_in_dim3A_458, %parallel_loop3A_486, %broadcast_in_dim3A_184] : memref<3x80x16xf32, #tpu.memory_space<vmem>>[vector<16xi32>, vector<16xi32>, vector<16xi32>], vector<16xf32>,
        %parallel_loop3A_498 = arith.mulf %parallel_loop3A_496, %parallel_loop3A_497 : vector<16xf32>
        %parallel_loop3A_499 = arith.addf %parallel_loop3A_489, %parallel_loop3A_492 : vector<16xf32>
        %parallel_loop3A_500 = arith.addf %parallel_loop3A_495, %parallel_loop3A_498 : vector<16xf32>
        %parallel_loop3A_501 = arith.addf %parallel_loop3A_499, %parallel_loop3A_500 : vector<16xf32>
        %parallel_loop3A_502 = tpu.bitcast %parallel_loop3A_501 : vector<16xf32> -> vector<16xi32>
        %parallel_loop3A_503 = arith.constant 2129950677 : i32
        %parallel_loop3A_504 = vector.broadcast %parallel_loop3A_503 : i32 to vector<16xi32>
        %parallel_loop3A_505 = arith.subi %parallel_loop3A_504, %parallel_loop3A_502 : vector<16xi32>
        %parallel_loop3A_506 = tpu.bitcast %parallel_loop3A_505 : vector<16xi32> -> vector<16xf32>
        %parallel_loop3A_507 = arith.mulf %parallel_loop3A_501, %parallel_loop3A_506 : vector<16xf32>
        %parallel_loop3A_508 = arith.constant 2.000000e+00 : f32
        %parallel_loop3A_509 = vector.broadcast %parallel_loop3A_508 : f32 to vector<16xf32>
        %parallel_loop3A_510 = arith.subf %parallel_loop3A_509, %parallel_loop3A_507 : vector<16xf32>
        %parallel_loop3A_511 = arith.mulf %parallel_loop3A_506, %parallel_loop3A_510 : vector<16xf32>
        %parallel_loop3A_512 = arith.mulf %parallel_loop3A_501, %parallel_loop3A_511 : vector<16xf32>
        %parallel_loop3A_513 = arith.constant 2.000000e+00 : f32
        %parallel_loop3A_514 = vector.broadcast %parallel_loop3A_513 : f32 to vector<16xf32>
        %parallel_loop3A_515 = arith.subf %parallel_loop3A_514, %parallel_loop3A_512 : vector<16xf32>
        %parallel_loop3A_516 = arith.mulf %parallel_loop3A_511, %parallel_loop3A_515 : vector<16xf32>
        %parallel_loop3A_517 = arith.mulf %parallel_loop3A_489, %parallel_loop3A_516 : vector<16xf32>
        tpu.vector_store_idx %arg15[%parallel_loop3A_486, %broadcast_in_dim3A_178], %parallel_loop3A_517 : memref<80x16xf32, #tpu.memory_space<vmem>>[vector<16xi32>, vector<16xi32>], vector<16xf32>,
        %parallel_loop3A_518 = arith.mulf %parallel_loop3A_492, %parallel_loop3A_516 : vector<16xf32>
        tpu.vector_store_idx %arg15[%parallel_loop3A_486, %broadcast_in_dim3A_180], %parallel_loop3A_518 : memref<80x16xf32, #tpu.memory_space<vmem>>[vector<16xi32>, vector<16xi32>], vector<16xf32>,
        %parallel_loop3A_519 = arith.mulf %parallel_loop3A_495, %parallel_loop3A_516 : vector<16xf32>
        tpu.vector_store_idx %arg15[%parallel_loop3A_486, %broadcast_in_dim3A_182], %parallel_loop3A_519 : memref<80x16xf32, #tpu.memory_space<vmem>>[vector<16xi32>, vector<16xi32>], vector<16xf32>,
        %parallel_loop3A_520 = arith.mulf %parallel_loop3A_498, %parallel_loop3A_516 : vector<16xf32>
        tpu.vector_store_idx %arg15[%parallel_loop3A_486, %broadcast_in_dim3A_184], %parallel_loop3A_520 : memref<80x16xf32, #tpu.memory_space<vmem>>[vector<16xi32>, vector<16xi32>], vector<16xf32>,
      } {sc.loop_unroll_factor = 1 : i64, sc.parallel_access}
      %parallel_loop3A_461 = arith.constant 0 : i32
      %parallel_loop3A_462 = arith.constant 80 : i32
      %parallel_loop3A_463 = arith.constant 1 : i32
      scf.for %parallel_loop3A_482 = %parallel_loop3A_461 to %parallel_loop3A_462 step %parallel_loop3A_463  : i32 {
        %parallel_loop3A_483 = arith.index_cast %parallel_loop3A_482 : i32 to index
        %parallel_loop3A_484 = arith.constant 0 : index
        %parallel_loop3A_485 = tpu.vector_load %arg15[%parallel_loop3A_483, %parallel_loop3A_484] {strides = array<i32>} : memref<80x16xf32, #tpu.memory_space<vmem>>, vector<16xf32>,
        %parallel_loop3A_486 = arith.constant 0 : i32
        %parallel_loop3A_487 = vector.broadcast %parallel_loop3A_486 : i32 to vector<16xi32>
        %parallel_loop3A_488 = arith.cmpi slt, %broadcast_in_dim3A_178, %parallel_loop3A_487 : vector<16xi32>
        %parallel_loop3A_489 = arith.constant 16 : i32
        %parallel_loop3A_490 = vector.broadcast %parallel_loop3A_489 : i32 to vector<16xi32>
        %parallel_loop3A_491 = arith.addi %broadcast_in_dim3A_178, %parallel_loop3A_490 : vector<16xi32>
        %parallel_loop3A_492 = arith.select %parallel_loop3A_488, %parallel_loop3A_491, %broadcast_in_dim3A_178 : vector<16xi1>, vector<16xi32>
        %parallel_loop3A_493 = vector.shape_cast %parallel_loop3A_492 : vector<16xi32> to vector<16x1xi32>
        %parallel_loop3A_494 = vector.shape_cast %parallel_loop3A_493 : vector<16x1xi32> to vector<16xi32>
        %parallel_loop3A_495 = tpu.dynamic_gather %parallel_loop3A_485[%parallel_loop3A_494] in [0] : vector<16xf32>, vector<16xi32> -> vector<16xf32>
        %parallel_loop3A_496 = arith.constant 0 : i32
        %parallel_loop3A_497 = vector.broadcast %parallel_loop3A_496 : i32 to vector<16xi32>
        %parallel_loop3A_498 = arith.cmpi slt, %broadcast_in_dim3A_180, %parallel_loop3A_497 : vector<16xi32>
        %parallel_loop3A_499 = arith.constant 16 : i32
        %parallel_loop3A_500 = vector.broadcast %parallel_loop3A_499 : i32 to vector<16xi32>
        %parallel_loop3A_501 = arith.addi %broadcast_in_dim3A_180, %parallel_loop3A_500 : vector<16xi32>
        %parallel_loop3A_502 = arith.select %parallel_loop3A_498, %parallel_loop3A_501, %broadcast_in_dim3A_180 : vector<16xi1>, vector<16xi32>
        %parallel_loop3A_503 = vector.shape_cast %parallel_loop3A_502 : vector<16xi32> to vector<16x1xi32>
        %parallel_loop3A_504 = vector.shape_cast %parallel_loop3A_503 : vector<16x1xi32> to vector<16xi32>
        %parallel_loop3A_505 = tpu.dynamic_gather %parallel_loop3A_485[%parallel_loop3A_504] in [0] : vector<16xf32>, vector<16xi32> -> vector<16xf32>
        %parallel_loop3A_506 = arith.constant 0 : i32
        %parallel_loop3A_507 = vector.broadcast %parallel_loop3A_506 : i32 to vector<16xi32>
        %parallel_loop3A_508 = arith.cmpi slt, %broadcast_in_dim3A_182, %parallel_loop3A_507 : vector<16xi32>
        %parallel_loop3A_509 = arith.constant 16 : i32
        %parallel_loop3A_510 = vector.broadcast %parallel_loop3A_509 : i32 to vector<16xi32>
        %parallel_loop3A_511 = arith.addi %broadcast_in_dim3A_182, %parallel_loop3A_510 : vector<16xi32>
        %parallel_loop3A_512 = arith.select %parallel_loop3A_508, %parallel_loop3A_511, %broadcast_in_dim3A_182 : vector<16xi1>, vector<16xi32>
        %parallel_loop3A_513 = vector.shape_cast %parallel_loop3A_512 : vector<16xi32> to vector<16x1xi32>
        %parallel_loop3A_514 = vector.shape_cast %parallel_loop3A_513 : vector<16x1xi32> to vector<16xi32>
        %parallel_loop3A_515 = tpu.dynamic_gather %parallel_loop3A_485[%parallel_loop3A_514] in [0] : vector<16xf32>, vector<16xi32> -> vector<16xf32>
        %parallel_loop3A_516 = arith.constant 0 : i32
        %parallel_loop3A_517 = vector.broadcast %parallel_loop3A_516 : i32 to vector<16xi32>
        %parallel_loop3A_518 = arith.cmpi slt, %broadcast_in_dim3A_184, %parallel_loop3A_517 : vector<16xi32>
        %parallel_loop3A_519 = arith.constant 16 : i32
        %parallel_loop3A_520 = vector.broadcast %parallel_loop3A_519 : i32 to vector<16xi32>
        %parallel_loop3A_521 = arith.addi %broadcast_in_dim3A_184, %parallel_loop3A_520 : vector<16xi32>
        %parallel_loop3A_522 = arith.select %parallel_loop3A_518, %parallel_loop3A_521, %broadcast_in_dim3A_184 : vector<16xi1>, vector<16xi32>
        %parallel_loop3A_523 = vector.shape_cast %parallel_loop3A_522 : vector<16xi32> to vector<16x1xi32>
        %parallel_loop3A_524 = vector.shape_cast %parallel_loop3A_523 : vector<16x1xi32> to vector<16xi32>
        %parallel_loop3A_525 = tpu.dynamic_gather %parallel_loop3A_485[%parallel_loop3A_524] in [0] : vector<16xf32>, vector<16xi32> -> vector<16xf32>
        %parallel_loop3A_526 = arith.mulf %parallel_loop3A_495, %get3A_5 : vector<16xf32>
        %parallel_loop3A_527 = arith.mulf %parallel_loop3A_505, %get3A_37 : vector<16xf32>
        %parallel_loop3A_528 = arith.addf %parallel_loop3A_526, %parallel_loop3A_527 : vector<16xf32>
        %parallel_loop3A_529 = arith.mulf %parallel_loop3A_515, %get3A_69 : vector<16xf32>
        %parallel_loop3A_530 = arith.addf %parallel_loop3A_528, %parallel_loop3A_529 : vector<16xf32>
        %parallel_loop3A_531 = arith.mulf %parallel_loop3A_525, %get3A_101 : vector<16xf32>
        %parallel_loop3A_532 = arith.addf %parallel_loop3A_530, %parallel_loop3A_531 : vector<16xf32>
        %parallel_loop3A_533 = arith.constant 0 : i32
        %parallel_loop3A_534 = tpu.memref_slice %arg12[%rem3A_457, %parallel_loop3A_482, %parallel_loop3A_533] : memref<3x80x128xf32, #tpu.memory_space<vmem>> -> memref<1x1x128xf32, #tpu.memory_space<vmem>>
        %parallel_loop3A_535 = tpu.memref_squeeze %parallel_loop3A_534 : memref<1x1x128xf32, #tpu.memory_space<vmem>> -> memref<128xf32, #tpu.memory_space<vmem>>
        %parallel_loop3A_536 = arith.constant 0 : index
        %parallel_loop3A_537 = tpu.vector_load %parallel_loop3A_535[%parallel_loop3A_536] {strides = array<i32>} : memref<128xf32, #tpu.memory_space<vmem>>, vector<16xf32>,
        %parallel_loop3A_538 = arith.mulf %parallel_loop3A_537, %parallel_loop3A_532 : vector<16xf32>
        %parallel_loop3A_539 = arith.constant 0 : i32
        %parallel_loop3A_540 = tpu.memref_slice %arg12[%rem3A_457, %parallel_loop3A_482, %parallel_loop3A_539] : memref<3x80x128xf32, #tpu.memory_space<vmem>> -> memref<1x1x128xf32, #tpu.memory_space<vmem>>
        %parallel_loop3A_541 = tpu.memref_squeeze %parallel_loop3A_540 : memref<1x1x128xf32, #tpu.memory_space<vmem>> -> memref<128xf32, #tpu.memory_space<vmem>>
        %parallel_loop3A_542 = arith.constant 0 : index
        %parallel_loop3A_543 = tpu.vector_load %parallel_loop3A_541[%parallel_loop3A_542] {strides = array<i32>} : memref<128xf32, #tpu.memory_space<vmem>>, vector<16xf32>,
        tpu.vector_store %parallel_loop3A_541[%parallel_loop3A_542], %parallel_loop3A_538 {strides = array<i32>} : memref<128xf32, #tpu.memory_space<vmem>>, vector<16xf32>,
        %parallel_loop3A_544 = arith.mulf %parallel_loop3A_495, %get3A_9 : vector<16xf32>
        %parallel_loop3A_545 = arith.mulf %parallel_loop3A_505, %get3A_41 : vector<16xf32>
        %parallel_loop3A_546 = arith.addf %parallel_loop3A_544, %parallel_loop3A_545 : vector<16xf32>
        %parallel_loop3A_547 = arith.mulf %parallel_loop3A_515, %get3A_73 : vector<16xf32>
        %parallel_loop3A_548 = arith.addf %parallel_loop3A_546, %parallel_loop3A_547 : vector<16xf32>
        %parallel_loop3A_549 = arith.mulf %parallel_loop3A_525, %get3A_105 : vector<16xf32>
        %parallel_loop3A_550 = arith.addf %parallel_loop3A_548, %parallel_loop3A_549 : vector<16xf32>
        %parallel_loop3A_551 = arith.constant 0 : i32
        %parallel_loop3A_552 = tpu.memref_slice %arg12[%rem3A_457, %parallel_loop3A_482, %parallel_loop3A_551] : memref<3x80x128xf32, #tpu.memory_space<vmem>> -> memref<1x1x128xf32, #tpu.memory_space<vmem>>
        %parallel_loop3A_553 = tpu.memref_squeeze %parallel_loop3A_552 : memref<1x1x128xf32, #tpu.memory_space<vmem>> -> memref<128xf32, #tpu.memory_space<vmem>>
        %parallel_loop3A_554 = arith.constant 16 : index
        %parallel_loop3A_555 = tpu.vector_load %parallel_loop3A_553[%parallel_loop3A_554] {strides = array<i32>} : memref<128xf32, #tpu.memory_space<vmem>>, vector<16xf32>,
        %parallel_loop3A_556 = arith.mulf %parallel_loop3A_555, %parallel_loop3A_550 : vector<16xf32>
        %parallel_loop3A_557 = arith.constant 0 : i32
        %parallel_loop3A_558 = tpu.memref_slice %arg12[%rem3A_457, %parallel_loop3A_482, %parallel_loop3A_557] : memref<3x80x128xf32, #tpu.memory_space<vmem>> -> memref<1x1x128xf32, #tpu.memory_space<vmem>>
        %parallel_loop3A_559 = tpu.memref_squeeze %parallel_loop3A_558 : memref<1x1x128xf32, #tpu.memory_space<vmem>> -> memref<128xf32, #tpu.memory_space<vmem>>
        %parallel_loop3A_560 = arith.constant 16 : index
        %parallel_loop3A_561 = tpu.vector_load %parallel_loop3A_559[%parallel_loop3A_560] {strides = array<i32>} : memref<128xf32, #tpu.memory_space<vmem>>, vector<16xf32>,
        tpu.vector_store %parallel_loop3A_559[%parallel_loop3A_560], %parallel_loop3A_556 {strides = array<i32>} : memref<128xf32, #tpu.memory_space<vmem>>, vector<16xf32>,
        %parallel_loop3A_562 = arith.mulf %parallel_loop3A_495, %get3A_13 : vector<16xf32>
        %parallel_loop3A_563 = arith.mulf %parallel_loop3A_505, %get3A_45 : vector<16xf32>
        %parallel_loop3A_564 = arith.addf %parallel_loop3A_562, %parallel_loop3A_563 : vector<16xf32>
        %parallel_loop3A_565 = arith.mulf %parallel_loop3A_515, %get3A_77 : vector<16xf32>
        %parallel_loop3A_566 = arith.addf %parallel_loop3A_564, %parallel_loop3A_565 : vector<16xf32>
        %parallel_loop3A_567 = arith.mulf %parallel_loop3A_525, %get3A_109 : vector<16xf32>
        %parallel_loop3A_568 = arith.addf %parallel_loop3A_566, %parallel_loop3A_567 : vector<16xf32>
        %parallel_loop3A_569 = arith.constant 0 : i32
        %parallel_loop3A_570 = tpu.memref_slice %arg12[%rem3A_457, %parallel_loop3A_482, %parallel_loop3A_569] : memref<3x80x128xf32, #tpu.memory_space<vmem>> -> memref<1x1x128xf32, #tpu.memory_space<vmem>>
        %parallel_loop3A_571 = tpu.memref_squeeze %parallel_loop3A_570 : memref<1x1x128xf32, #tpu.memory_space<vmem>> -> memref<128xf32, #tpu.memory_space<vmem>>
        %parallel_loop3A_572 = arith.constant 32 : index
        %parallel_loop3A_573 = tpu.vector_load %parallel_loop3A_571[%parallel_loop3A_572] {strides = array<i32>} : memref<128xf32, #tpu.memory_space<vmem>>, vector<16xf32>,
        %parallel_loop3A_574 = arith.mulf %parallel_loop3A_573, %parallel_loop3A_568 : vector<16xf32>
        %parallel_loop3A_575 = arith.constant 0 : i32
        %parallel_loop3A_576 = tpu.memref_slice %arg12[%rem3A_457, %parallel_loop3A_482, %parallel_loop3A_575] : memref<3x80x128xf32, #tpu.memory_space<vmem>> -> memref<1x1x128xf32, #tpu.memory_space<vmem>>
        %parallel_loop3A_577 = tpu.memref_squeeze %parallel_loop3A_576 : memref<1x1x128xf32, #tpu.memory_space<vmem>> -> memref<128xf32, #tpu.memory_space<vmem>>
        %parallel_loop3A_578 = arith.constant 32 : index
        %parallel_loop3A_579 = tpu.vector_load %parallel_loop3A_577[%parallel_loop3A_578] {strides = array<i32>} : memref<128xf32, #tpu.memory_space<vmem>>, vector<16xf32>,
        tpu.vector_store %parallel_loop3A_577[%parallel_loop3A_578], %parallel_loop3A_574 {strides = array<i32>} : memref<128xf32, #tpu.memory_space<vmem>>, vector<16xf32>,
        %parallel_loop3A_580 = arith.mulf %parallel_loop3A_495, %get3A_17 : vector<16xf32>
        %parallel_loop3A_581 = arith.mulf %parallel_loop3A_505, %get3A_49 : vector<16xf32>
        %parallel_loop3A_582 = arith.addf %parallel_loop3A_580, %parallel_loop3A_581 : vector<16xf32>
        %parallel_loop3A_583 = arith.mulf %parallel_loop3A_515, %get3A_81 : vector<16xf32>
        %parallel_loop3A_584 = arith.addf %parallel_loop3A_582, %parallel_loop3A_583 : vector<16xf32>
        %parallel_loop3A_585 = arith.mulf %parallel_loop3A_525, %get3A_113 : vector<16xf32>
        %parallel_loop3A_586 = arith.addf %parallel_loop3A_584, %parallel_loop3A_585 : vector<16xf32>
        %parallel_loop3A_587 = arith.constant 0 : i32
        %parallel_loop3A_588 = tpu.memref_slice %arg12[%rem3A_457, %parallel_loop3A_482, %parallel_loop3A_587] : memref<3x80x128xf32, #tpu.memory_space<vmem>> -> memref<1x1x128xf32, #tpu.memory_space<vmem>>
        %parallel_loop3A_589 = tpu.memref_squeeze %parallel_loop3A_588 : memref<1x1x128xf32, #tpu.memory_space<vmem>> -> memref<128xf32, #tpu.memory_space<vmem>>
        %parallel_loop3A_590 = arith.constant 48 : index
        %parallel_loop3A_591 = tpu.vector_load %parallel_loop3A_589[%parallel_loop3A_590] {strides = array<i32>} : memref<128xf32, #tpu.memory_space<vmem>>, vector<16xf32>,
        %parallel_loop3A_592 = arith.mulf %parallel_loop3A_591, %parallel_loop3A_586 : vector<16xf32>
        %parallel_loop3A_593 = arith.constant 0 : i32
        %parallel_loop3A_594 = tpu.memref_slice %arg12[%rem3A_457, %parallel_loop3A_482, %parallel_loop3A_593] : memref<3x80x128xf32, #tpu.memory_space<vmem>> -> memref<1x1x128xf32, #tpu.memory_space<vmem>>
        %parallel_loop3A_595 = tpu.memref_squeeze %parallel_loop3A_594 : memref<1x1x128xf32, #tpu.memory_space<vmem>> -> memref<128xf32, #tpu.memory_space<vmem>>
        %parallel_loop3A_596 = arith.constant 48 : index
        %parallel_loop3A_597 = tpu.vector_load %parallel_loop3A_595[%parallel_loop3A_596] {strides = array<i32>} : memref<128xf32, #tpu.memory_space<vmem>>, vector<16xf32>,
        tpu.vector_store %parallel_loop3A_595[%parallel_loop3A_596], %parallel_loop3A_592 {strides = array<i32>} : memref<128xf32, #tpu.memory_space<vmem>>, vector<16xf32>,
        %parallel_loop3A_598 = arith.mulf %parallel_loop3A_495, %get3A_21 : vector<16xf32>
        %parallel_loop3A_599 = arith.mulf %parallel_loop3A_505, %get3A_53 : vector<16xf32>
        %parallel_loop3A_600 = arith.addf %parallel_loop3A_598, %parallel_loop3A_599 : vector<16xf32>
        %parallel_loop3A_601 = arith.mulf %parallel_loop3A_515, %get3A_85 : vector<16xf32>
        %parallel_loop3A_602 = arith.addf %parallel_loop3A_600, %parallel_loop3A_601 : vector<16xf32>
        %parallel_loop3A_603 = arith.mulf %parallel_loop3A_525, %get3A_117 : vector<16xf32>
        %parallel_loop3A_604 = arith.addf %parallel_loop3A_602, %parallel_loop3A_603 : vector<16xf32>
        %parallel_loop3A_605 = arith.constant 0 : i32
        %parallel_loop3A_606 = tpu.memref_slice %arg12[%rem3A_457, %parallel_loop3A_482, %parallel_loop3A_605] : memref<3x80x128xf32, #tpu.memory_space<vmem>> -> memref<1x1x128xf32, #tpu.memory_space<vmem>>
        %parallel_loop3A_607 = tpu.memref_squeeze %parallel_loop3A_606 : memref<1x1x128xf32, #tpu.memory_space<vmem>> -> memref<128xf32, #tpu.memory_space<vmem>>
        %parallel_loop3A_608 = arith.constant 64 : index
        %parallel_loop3A_609 = tpu.vector_load %parallel_loop3A_607[%parallel_loop3A_608] {strides = array<i32>} : memref<128xf32, #tpu.memory_space<vmem>>, vector<16xf32>,
        %parallel_loop3A_610 = arith.mulf %parallel_loop3A_609, %parallel_loop3A_604 : vector<16xf32>
        %parallel_loop3A_611 = arith.constant 0 : i32
        %parallel_loop3A_612 = tpu.memref_slice %arg12[%rem3A_457, %parallel_loop3A_482, %parallel_loop3A_611] : memref<3x80x128xf32, #tpu.memory_space<vmem>> -> memref<1x1x128xf32, #tpu.memory_space<vmem>>
        %parallel_loop3A_613 = tpu.memref_squeeze %parallel_loop3A_612 : memref<1x1x128xf32, #tpu.memory_space<vmem>> -> memref<128xf32, #tpu.memory_space<vmem>>
        %parallel_loop3A_614 = arith.constant 64 : index
        %parallel_loop3A_615 = tpu.vector_load %parallel_loop3A_613[%parallel_loop3A_614] {strides = array<i32>} : memref<128xf32, #tpu.memory_space<vmem>>, vector<16xf32>,
        tpu.vector_store %parallel_loop3A_613[%parallel_loop3A_614], %parallel_loop3A_610 {strides = array<i32>} : memref<128xf32, #tpu.memory_space<vmem>>, vector<16xf32>,
        %parallel_loop3A_616 = arith.mulf %parallel_loop3A_495, %get3A_25 : vector<16xf32>
        %parallel_loop3A_617 = arith.mulf %parallel_loop3A_505, %get3A_57 : vector<16xf32>
        %parallel_loop3A_618 = arith.addf %parallel_loop3A_616, %parallel_loop3A_617 : vector<16xf32>
        %parallel_loop3A_619 = arith.mulf %parallel_loop3A_515, %get3A_89 : vector<16xf32>
        %parallel_loop3A_620 = arith.addf %parallel_loop3A_618, %parallel_loop3A_619 : vector<16xf32>
        %parallel_loop3A_621 = arith.mulf %parallel_loop3A_525, %get3A_121 : vector<16xf32>
        %parallel_loop3A_622 = arith.addf %parallel_loop3A_620, %parallel_loop3A_621 : vector<16xf32>
        %parallel_loop3A_623 = arith.constant 0 : i32
        %parallel_loop3A_624 = tpu.memref_slice %arg12[%rem3A_457, %parallel_loop3A_482, %parallel_loop3A_623] : memref<3x80x128xf32, #tpu.memory_space<vmem>> -> memref<1x1x128xf32, #tpu.memory_space<vmem>>
        %parallel_loop3A_625 = tpu.memref_squeeze %parallel_loop3A_624 : memref<1x1x128xf32, #tpu.memory_space<vmem>> -> memref<128xf32, #tpu.memory_space<vmem>>
        %parallel_loop3A_626 = arith.constant 80 : index
        %parallel_loop3A_627 = tpu.vector_load %parallel_loop3A_625[%parallel_loop3A_626] {strides = array<i32>} : memref<128xf32, #tpu.memory_space<vmem>>, vector<16xf32>,
        %parallel_loop3A_628 = arith.mulf %parallel_loop3A_627, %parallel_loop3A_622 : vector<16xf32>
        %parallel_loop3A_629 = arith.constant 0 : i32
        %parallel_loop3A_630 = tpu.memref_slice %arg12[%rem3A_457, %parallel_loop3A_482, %parallel_loop3A_629] : memref<3x80x128xf32, #tpu.memory_space<vmem>> -> memref<1x1x128xf32, #tpu.memory_space<vmem>>
        %parallel_loop3A_631 = tpu.memref_squeeze %parallel_loop3A_630 : memref<1x1x128xf32, #tpu.memory_space<vmem>> -> memref<128xf32, #tpu.memory_space<vmem>>
        %parallel_loop3A_632 = arith.constant 80 : index
        %parallel_loop3A_633 = tpu.vector_load %parallel_loop3A_631[%parallel_loop3A_632] {strides = array<i32>} : memref<128xf32, #tpu.memory_space<vmem>>, vector<16xf32>,
        tpu.vector_store %parallel_loop3A_631[%parallel_loop3A_632], %parallel_loop3A_628 {strides = array<i32>} : memref<128xf32, #tpu.memory_space<vmem>>, vector<16xf32>,
        %parallel_loop3A_634 = arith.mulf %parallel_loop3A_495, %get3A_29 : vector<16xf32>
        %parallel_loop3A_635 = arith.mulf %parallel_loop3A_505, %get3A_61 : vector<16xf32>
        %parallel_loop3A_636 = arith.addf %parallel_loop3A_634, %parallel_loop3A_635 : vector<16xf32>
        %parallel_loop3A_637 = arith.mulf %parallel_loop3A_515, %get3A_93 : vector<16xf32>
        %parallel_loop3A_638 = arith.addf %parallel_loop3A_636, %parallel_loop3A_637 : vector<16xf32>
        %parallel_loop3A_639 = arith.mulf %parallel_loop3A_525, %get3A_125 : vector<16xf32>
        %parallel_loop3A_640 = arith.addf %parallel_loop3A_638, %parallel_loop3A_639 : vector<16xf32>
        %parallel_loop3A_641 = arith.constant 0 : i32
        %parallel_loop3A_642 = tpu.memref_slice %arg12[%rem3A_457, %parallel_loop3A_482, %parallel_loop3A_641] : memref<3x80x128xf32, #tpu.memory_space<vmem>> -> memref<1x1x128xf32, #tpu.memory_space<vmem>>
        %parallel_loop3A_643 = tpu.memref_squeeze %parallel_loop3A_642 : memref<1x1x128xf32, #tpu.memory_space<vmem>> -> memref<128xf32, #tpu.memory_space<vmem>>
        %parallel_loop3A_644 = arith.constant 96 : index
        %parallel_loop3A_645 = tpu.vector_load %parallel_loop3A_643[%parallel_loop3A_644] {strides = array<i32>} : memref<128xf32, #tpu.memory_space<vmem>>, vector<16xf32>,
        %parallel_loop3A_646 = arith.mulf %parallel_loop3A_645, %parallel_loop3A_640 : vector<16xf32>
        %parallel_loop3A_647 = arith.constant 0 : i32
        %parallel_loop3A_648 = tpu.memref_slice %arg12[%rem3A_457, %parallel_loop3A_482, %parallel_loop3A_647] : memref<3x80x128xf32, #tpu.memory_space<vmem>> -> memref<1x1x128xf32, #tpu.memory_space<vmem>>
        %parallel_loop3A_649 = tpu.memref_squeeze %parallel_loop3A_648 : memref<1x1x128xf32, #tpu.memory_space<vmem>> -> memref<128xf32, #tpu.memory_space<vmem>>
        %parallel_loop3A_650 = arith.constant 96 : index
        %parallel_loop3A_651 = tpu.vector_load %parallel_loop3A_649[%parallel_loop3A_650] {strides = array<i32>} : memref<128xf32, #tpu.memory_space<vmem>>, vector<16xf32>,
        tpu.vector_store %parallel_loop3A_649[%parallel_loop3A_650], %parallel_loop3A_646 {strides = array<i32>} : memref<128xf32, #tpu.memory_space<vmem>>, vector<16xf32>,
        %parallel_loop3A_652 = arith.mulf %parallel_loop3A_495, %get3A_33 : vector<16xf32>
        %parallel_loop3A_653 = arith.mulf %parallel_loop3A_505, %get3A_65 : vector<16xf32>
        %parallel_loop3A_654 = arith.addf %parallel_loop3A_652, %parallel_loop3A_653 : vector<16xf32>
        %parallel_loop3A_655 = arith.mulf %parallel_loop3A_515, %get3A_97 : vector<16xf32>
        %parallel_loop3A_656 = arith.addf %parallel_loop3A_654, %parallel_loop3A_655 : vector<16xf32>
        %parallel_loop3A_657 = arith.mulf %parallel_loop3A_525, %get3A_129 : vector<16xf32>
        %parallel_loop3A_658 = arith.addf %parallel_loop3A_656, %parallel_loop3A_657 : vector<16xf32>
        %parallel_loop3A_659 = arith.constant 0 : i32
        %parallel_loop3A_660 = tpu.memref_slice %arg12[%rem3A_457, %parallel_loop3A_482, %parallel_loop3A_659] : memref<3x80x128xf32, #tpu.memory_space<vmem>> -> memref<1x1x128xf32, #tpu.memory_space<vmem>>
        %parallel_loop3A_661 = tpu.memref_squeeze %parallel_loop3A_660 : memref<1x1x128xf32, #tpu.memory_space<vmem>> -> memref<128xf32, #tpu.memory_space<vmem>>
        %parallel_loop3A_662 = arith.constant 112 : index
        %parallel_loop3A_663 = tpu.vector_load %parallel_loop3A_661[%parallel_loop3A_662] {strides = array<i32>} : memref<128xf32, #tpu.memory_space<vmem>>, vector<16xf32>,
        %parallel_loop3A_664 = arith.mulf %parallel_loop3A_663, %parallel_loop3A_658 : vector<16xf32>
        %parallel_loop3A_665 = arith.constant 0 : i32
        %parallel_loop3A_666 = tpu.memref_slice %arg12[%rem3A_457, %parallel_loop3A_482, %parallel_loop3A_665] : memref<3x80x128xf32, #tpu.memory_space<vmem>> -> memref<1x1x128xf32, #tpu.memory_space<vmem>>
        %parallel_loop3A_667 = tpu.memref_squeeze %parallel_loop3A_666 : memref<1x1x128xf32, #tpu.memory_space<vmem>> -> memref<128xf32, #tpu.memory_space<vmem>>
        %parallel_loop3A_668 = arith.constant 112 : index
        %parallel_loop3A_669 = tpu.vector_load %parallel_loop3A_667[%parallel_loop3A_668] {strides = array<i32>} : memref<128xf32, #tpu.memory_space<vmem>>, vector<16xf32>,
        tpu.vector_store %parallel_loop3A_667[%parallel_loop3A_668], %parallel_loop3A_664 {strides = array<i32>} : memref<128xf32, #tpu.memory_space<vmem>>, vector<16xf32>,
      } {sc.loop_unroll_factor = 2 : i64, sc.parallel_access}
      %rem3A_464 = arith.constant 3 : i32
      %rem3A_465 = arith.remsi %scan3A_404, %rem3A_464 : i32
      %rem3A_466 = arith.constant 4 : i32
      %rem3A_467 = arith.remsi %scan3A_404, %rem3A_466 : i32
      %rem3A_468 = arith.constant 2 : i32
      %rem3A_469 = arith.remsi %scan3A_404, %rem3A_468 : i32
      %dma_start3A_470 = arith.constant 0 : i32
      %dma_start3A_471 = arith.constant 0 : i32
      %dma_start3A_472 = tpu.memref_slice %arg12[%rem3A_465, %dma_start3A_470, %dma_start3A_471] : memref<3x80x128xf32, #tpu.memory_space<vmem>> -> memref<1x80x128xf32, #tpu.memory_space<vmem>>
      %dma_start3A_473 = tpu.memref_squeeze %dma_start3A_472 : memref<1x80x128xf32, #tpu.memory_space<vmem>> -> memref<80x128xf32, #tpu.memory_space<vmem>>
      %dma_start3A_474 = arith.constant 0 : i32
      %dma_start3A_475 = tpu.memref_slice %arg11[%rem3A_467, %dma_start3A_474] : memref<4x80xi32, #tpu.memory_space<vmem>> -> memref<1x80xi32, #tpu.memory_space<vmem>>
      %dma_start3A_476 = tpu.memref_squeeze %dma_start3A_475 : memref<1x80xi32, #tpu.memory_space<vmem>> -> memref<80xi32, #tpu.memory_space<vmem>>
      %dma_start3A_477 = arith.constant 0 : i32
      %dma_start3A_478 = arith.constant 0 : i32
      %dma_start3A_479 = tpu.memref_slice %arg16[%dma_start3A_477, %dma_start3A_478] : memref<10000x128xf32, #tpu.memory_space<vmem_shared>> -> memref<10000x128xf32, #tpu.memory_space<vmem_shared>>
      %dma_start3A_480 = tpu.memref_slice %arg19[%rem3A_469] : memref<2x!tpu.dma_semaphore, #tpu.memory_space<semaphore_mem>> -> memref<1x!tpu.dma_semaphore, #tpu.memory_space<semaphore_mem>>
      %dma_start3A_481 = tpu.memref_squeeze %dma_start3A_480 : memref<1x!tpu.dma_semaphore, #tpu.memory_space<semaphore_mem>> -> memref<!tpu.dma_semaphore, #tpu.memory_space<semaphore_mem>>
      tpu.enqueue_indirect_dma source(%dma_start3A_473 : memref<80x128xf32, #tpu.memory_space<vmem>>) target(%dma_start3A_479 : memref<10000x128xf32, #tpu.memory_space<vmem_shared>>) offsets(%dma_start3A_476 : memref<80xi32, #tpu.memory_space<vmem>>) semaphore(%dma_start3A_481 : memref<!tpu.dma_semaphore, #tpu.memory_space<semaphore_mem>>) {add = true}
    }
    %scan3A_307 = arith.constant 125 : i32
    %rem3A_308 = arith.constant 123 : i32
    %rem3A_309 = arith.constant 3 : i32
    %rem3A_310 = arith.remsi %rem3A_308, %rem3A_309 : i32
    %rem3A_311 = arith.constant 123 : i32
    %rem3A_312 = arith.constant 4 : i32
    %rem3A_313 = arith.remsi %rem3A_311, %rem3A_312 : i32
    %rem3A_314 = arith.constant 123 : i32
    %rem3A_315 = arith.constant 2 : i32
    %rem3A_316 = arith.remsi %rem3A_314, %rem3A_315 : i32
    %dma_wait3A_317 = arith.constant 0 : i32
    %dma_wait3A_318 = arith.constant 0 : i32
    %dma_wait3A_319 = tpu.memref_slice %arg12[%rem3A_310, %dma_wait3A_317, %dma_wait3A_318] : memref<3x80x128xf32, #tpu.memory_space<vmem>> -> memref<1x80x128xf32, #tpu.memory_space<vmem>>
    %dma_wait3A_320 = tpu.memref_squeeze %dma_wait3A_319 : memref<1x80x128xf32, #tpu.memory_space<vmem>> -> memref<80x128xf32, #tpu.memory_space<vmem>>
    %dma_wait3A_321 = arith.constant 0 : i32
    %dma_wait3A_322 = tpu.memref_slice %arg11[%rem3A_313, %dma_wait3A_321] : memref<4x80xi32, #tpu.memory_space<vmem>> -> memref<1x80xi32, #tpu.memory_space<vmem>>
    %dma_wait3A_323 = tpu.memref_squeeze %dma_wait3A_322 : memref<1x80xi32, #tpu.memory_space<vmem>> -> memref<80xi32, #tpu.memory_space<vmem>>
    %dma_wait3A_324 = arith.constant 0 : i32
    %dma_wait3A_325 = arith.constant 0 : i32
    %dma_wait3A_326 = tpu.memref_slice %arg16[%dma_wait3A_324, %dma_wait3A_325] : memref<10000x128xf32, #tpu.memory_space<vmem_shared>> -> memref<10000x128xf32, #tpu.memory_space<vmem_shared>>
    %dma_wait3A_327 = tpu.memref_slice %arg19[%rem3A_316] : memref<2x!tpu.dma_semaphore, #tpu.memory_space<semaphore_mem>> -> memref<1x!tpu.dma_semaphore, #tpu.memory_space<semaphore_mem>>
    %dma_wait3A_328 = tpu.memref_squeeze %dma_wait3A_327 : memref<1x!tpu.dma_semaphore, #tpu.memory_space<semaphore_mem>> -> memref<!tpu.dma_semaphore, #tpu.memory_space<semaphore_mem>>
    tpu.wait_indirect_dma semaphore(%dma_wait3A_328 : memref<!tpu.dma_semaphore, #tpu.memory_space<semaphore_mem>>) src(%dma_wait3A_320 : memref<80x128xf32, #tpu.memory_space<vmem>>) dst(%dma_wait3A_326 : memref<10000x128xf32, #tpu.memory_space<vmem_shared>>)
    %rem3A_329 = arith.constant 124 : i32
    %rem3A_330 = arith.constant 3 : i32
    %rem3A_331 = arith.remsi %rem3A_329, %rem3A_330 : i32
    %rem3A_332 = arith.constant 124 : i32
    %rem3A_333 = arith.constant 4 : i32
    %rem3A_334 = arith.remsi %rem3A_332, %rem3A_333 : i32
    %rem3A_335 = arith.constant 124 : i32
    %rem3A_336 = arith.constant 2 : i32
    %rem3A_337 = arith.remsi %rem3A_335, %rem3A_336 : i32
    %dma_wait3A_338 = arith.constant 0 : i32
    %dma_wait3A_339 = arith.constant 0 : i32
    %dma_wait3A_340 = tpu.memref_slice %arg12[%rem3A_331, %dma_wait3A_338, %dma_wait3A_339] : memref<3x80x128xf32, #tpu.memory_space<vmem>> -> memref<1x80x128xf32, #tpu.memory_space<vmem>>
    %dma_wait3A_341 = tpu.memref_squeeze %dma_wait3A_340 : memref<1x80x128xf32, #tpu.memory_space<vmem>> -> memref<80x128xf32, #tpu.memory_space<vmem>>
    %dma_wait3A_342 = arith.constant 0 : i32
    %dma_wait3A_343 = tpu.memref_slice %arg11[%rem3A_334, %dma_wait3A_342] : memref<4x80xi32, #tpu.memory_space<vmem>> -> memref<1x80xi32, #tpu.memory_space<vmem>>
    %dma_wait3A_344 = tpu.memref_squeeze %dma_wait3A_343 : memref<1x80xi32, #tpu.memory_space<vmem>> -> memref<80xi32, #tpu.memory_space<vmem>>
    %dma_wait3A_345 = arith.constant 0 : i32
    %dma_wait3A_346 = arith.constant 0 : i32
    %dma_wait3A_347 = tpu.memref_slice %arg16[%dma_wait3A_345, %dma_wait3A_346] : memref<10000x128xf32, #tpu.memory_space<vmem_shared>> -> memref<10000x128xf32, #tpu.memory_space<vmem_shared>>
    %dma_wait3A_348 = tpu.memref_slice %arg19[%rem3A_337] : memref<2x!tpu.dma_semaphore, #tpu.memory_space<semaphore_mem>> -> memref<1x!tpu.dma_semaphore, #tpu.memory_space<semaphore_mem>>
    %dma_wait3A_349 = tpu.memref_squeeze %dma_wait3A_348 : memref<1x!tpu.dma_semaphore, #tpu.memory_space<semaphore_mem>> -> memref<!tpu.dma_semaphore, #tpu.memory_space<semaphore_mem>>
    tpu.wait_indirect_dma semaphore(%dma_wait3A_349 : memref<!tpu.dma_semaphore, #tpu.memory_space<semaphore_mem>>) src(%dma_wait3A_341 : memref<80x128xf32, #tpu.memory_space<vmem>>) dst(%dma_wait3A_347 : memref<10000x128xf32, #tpu.memory_space<vmem_shared>>)
    %barrier3A_350 = arith.constant 0 : index
    tpu.barrier barrier_id(%barrier3A_350)
    %mul3A_351 = arith.constant 624 : i32
    %mul3A_352 = arith.muli %arg1, %mul3A_351 : i32
    %add3A_353 = arith.constant 0 : i32
    %add3A_354 = arith.addi %mul3A_352, %add3A_353 : i32
    %run_scoped3A_355 = arith.constant 0 : i32
    "tpu.region"() ({
      %run_scoped3A_404 = tpu.sem_alloc : memref<!tpu.dma_semaphore, #tpu.memory_space<semaphore_mem>>
      %dma_start3A_405 = arith.constant 0 : i32
      %dma_start3A_406 = arith.constant 0 : i32
      %dma_start3A_407 = tpu.memref_slice %arg12[%run_scoped3A_355, %dma_start3A_405, %dma_start3A_406] : memref<3x80x128xf32, #tpu.memory_space<vmem>> -> memref<1x80x128xf32, #tpu.memory_space<vmem>>
      %dma_start3A_408 = tpu.memref_squeeze %dma_start3A_407 : memref<1x80x128xf32, #tpu.memory_space<vmem>> -> memref<80x128xf32, #tpu.memory_space<vmem>>
      %dma_start3A_409 = arith.constant 0 : i32
      %dma_start3A_410 = tpu.memref_slice %arg16[%add3A_354, %dma_start3A_409] : memref<10000x128xf32, #tpu.memory_space<vmem_shared>> -> memref<80x128xf32, #tpu.memory_space<vmem_shared>>
      %dma_start3A_411 = arith.constant 0 : i32
      %dma_start3A_412 = arith.constant 0 : i32
      %dma_start3A_413 = tpu.memref_slice %arg12[%run_scoped3A_355, %dma_start3A_411, %dma_start3A_412] : memref<3x80x128xf32, #tpu.memory_space<vmem>> -> memref<1x80x128xf32, #tpu.memory_space<vmem>>
      %dma_start3A_414 = tpu.memref_squeeze %dma_start3A_413 : memref<1x80x128xf32, #tpu.memory_space<vmem>> -> memref<80x128xf32, #tpu.memory_space<vmem>>
      %dma_start3A_415 = arith.constant 0 : i32
      %dma_start3A_416 = tpu.memref_slice %arg16[%add3A_354, %dma_start3A_415] : memref<10000x128xf32, #tpu.memory_space<vmem_shared>> -> memref<80x128xf32, #tpu.memory_space<vmem_shared>>
      tpu.enqueue_dma source(%dma_start3A_416 : memref<80x128xf32, #tpu.memory_space<vmem_shared>>) target(%dma_start3A_414 : memref<80x128xf32, #tpu.memory_space<vmem>>) target_semaphore(%run_scoped3A_404 : memref<!tpu.dma_semaphore, #tpu.memory_space<semaphore_mem>>)
      %dma_wait3A_417 = arith.constant 0 : i32
      %dma_wait3A_418 = arith.constant 0 : i32
      %dma_wait3A_419 = tpu.memref_slice %arg12[%run_scoped3A_355, %dma_wait3A_417, %dma_wait3A_418] : memref<3x80x128xf32, #tpu.memory_space<vmem>> -> memref<1x80x128xf32, #tpu.memory_space<vmem>>
      %dma_wait3A_420 = tpu.memref_squeeze %dma_wait3A_419 : memref<1x80x128xf32, #tpu.memory_space<vmem>> -> memref<80x128xf32, #tpu.memory_space<vmem>>
      %dma_wait3A_421 = arith.constant 0 : i32
      %dma_wait3A_422 = tpu.memref_slice %arg16[%add3A_354, %dma_wait3A_421] : memref<10000x128xf32, #tpu.memory_space<vmem_shared>> -> memref<80x128xf32, #tpu.memory_space<vmem_shared>>
      %dma_wait3A_423 = arith.constant 0 : i32
      %dma_wait3A_424 = arith.constant 0 : i32
      %dma_wait3A_425 = tpu.memref_slice %arg12[%run_scoped3A_355, %dma_wait3A_423, %dma_wait3A_424] : memref<3x80x128xf32, #tpu.memory_space<vmem>> -> memref<1x80x128xf32, #tpu.memory_space<vmem>>
      %dma_wait3A_426 = tpu.memref_squeeze %dma_wait3A_425 : memref<1x80x128xf32, #tpu.memory_space<vmem>> -> memref<80x128xf32, #tpu.memory_space<vmem>>
      %dma_wait3A_427 = arith.constant 0 : i32
      %dma_wait3A_428 = tpu.memref_slice %arg16[%add3A_354, %dma_wait3A_427] : memref<10000x128xf32, #tpu.memory_space<vmem_shared>> -> memref<80x128xf32, #tpu.memory_space<vmem_shared>>
      tpu.wait_dma2 semaphore(%run_scoped3A_404 : memref<!tpu.dma_semaphore, #tpu.memory_space<semaphore_mem>>) src(%dma_wait3A_428 : memref<80x128xf32, #tpu.memory_space<vmem_shared>>) dst(%dma_wait3A_426 : memref<80x128xf32, #tpu.memory_space<vmem>>)
      tpu.yield
    }) : () -> ()
    %run_scoped3A_356 = arith.constant 0 : i32
    "tpu.region"() ({
      %run_scoped3A_404 = tpu.sem_alloc : memref<!tpu.dma_semaphore, #tpu.memory_space<semaphore_mem>>
      %dma_start3A_405 = arith.constant 0 : i32
      %dma_start3A_406 = arith.constant 0 : i32
      %dma_start3A_407 = tpu.memref_slice %arg12[%run_scoped3A_356, %dma_start3A_405, %dma_start3A_406] : memref<3x80x128xf32, #tpu.memory_space<vmem>> -> memref<1x80x128xf32, #tpu.memory_space<vmem>>
      %dma_start3A_408 = tpu.memref_squeeze %dma_start3A_407 : memref<1x80x128xf32, #tpu.memory_space<vmem>> -> memref<80x128xf32, #tpu.memory_space<vmem>>
      %dma_start3A_409 = arith.constant 0 : i32
      %dma_start3A_410 = tpu.memref_slice %arg8[%arg0, %add3A_354, %dma_start3A_409] : memref<2x10000x128xf32, #tpu.memory_space<hbm>> -> memref<1x80x128xf32, #tpu.memory_space<hbm>>
      %dma_start3A_411 = tpu.memref_squeeze %dma_start3A_410 : memref<1x80x128xf32, #tpu.memory_space<hbm>> -> memref<80x128xf32, #tpu.memory_space<hbm>>
      %dma_start3A_412 = arith.constant 0 : i32
      %dma_start3A_413 = tpu.memref_slice %arg8[%arg0, %add3A_354, %dma_start3A_412] : memref<2x10000x128xf32, #tpu.memory_space<hbm>> -> memref<1x80x128xf32, #tpu.memory_space<hbm>>
      %dma_start3A_414 = tpu.memref_squeeze %dma_start3A_413 : memref<1x80x128xf32, #tpu.memory_space<hbm>> -> memref<80x128xf32, #tpu.memory_space<hbm>>
      %dma_start3A_415 = arith.constant 0 : i32
      %dma_start3A_416 = arith.constant 0 : i32
      %dma_start3A_417 = tpu.memref_slice %arg12[%run_scoped3A_356, %dma_start3A_415, %dma_start3A_416] : memref<3x80x128xf32, #tpu.memory_space<vmem>> -> memref<1x80x128xf32, #tpu.memory_space<vmem>>
      %dma_start3A_418 = tpu.memref_squeeze %dma_start3A_417 : memref<1x80x128xf32, #tpu.memory_space<vmem>> -> memref<80x128xf32, #tpu.memory_space<vmem>>
      tpu.enqueue_dma source(%dma_start3A_418 : memref<80x128xf32, #tpu.memory_space<vmem>>) target(%dma_start3A_414 : memref<80x128xf32, #tpu.memory_space<hbm>>) target_semaphore(%run_scoped3A_404 : memref<!tpu.dma_semaphore, #tpu.memory_space<semaphore_mem>>)
      %dma_wait3A_419 = arith.constant 0 : i32
      %dma_wait3A_420 = arith.constant 0 : i32
      %dma_wait3A_421 = tpu.memref_slice %arg12[%run_scoped3A_356, %dma_wait3A_419, %dma_wait3A_420] : memref<3x80x128xf32, #tpu.memory_space<vmem>> -> memref<1x80x128xf32, #tpu.memory_space<vmem>>
      %dma_wait3A_422 = tpu.memref_squeeze %dma_wait3A_421 : memref<1x80x128xf32, #tpu.memory_space<vmem>> -> memref<80x128xf32, #tpu.memory_space<vmem>>
      %dma_wait3A_423 = arith.constant 0 : i32
      %dma_wait3A_424 = tpu.memref_slice %arg8[%arg0, %add3A_354, %dma_wait3A_423] : memref<2x10000x128xf32, #tpu.memory_space<hbm>> -> memref<1x80x128xf32, #tpu.memory_space<hbm>>
      %dma_wait3A_425 = tpu.memref_squeeze %dma_wait3A_424 : memref<1x80x128xf32, #tpu.memory_space<hbm>> -> memref<80x128xf32, #tpu.memory_space<hbm>>
      %dma_wait3A_426 = arith.constant 0 : i32
      %dma_wait3A_427 = tpu.memref_slice %arg8[%arg0, %add3A_354, %dma_wait3A_426] : memref<2x10000x128xf32, #tpu.memory_space<hbm>> -> memref<1x80x128xf32, #tpu.memory_space<hbm>>
      %dma_wait3A_428 = tpu.memref_squeeze %dma_wait3A_427 : memref<1x80x128xf32, #tpu.memory_space<hbm>> -> memref<80x128xf32, #tpu.memory_space<hbm>>
      %dma_wait3A_429 = arith.constant 0 : i32
      %dma_wait3A_430 = arith.constant 0 : i32
      %dma_wait3A_431 = tpu.memref_slice %arg12[%run_scoped3A_356, %dma_wait3A_429, %dma_wait3A_430] : memref<3x80x128xf32, #tpu.memory_space<vmem>> -> memref<1x80x128xf32, #tpu.memory_space<vmem>>
      %dma_wait3A_432 = tpu.memref_squeeze %dma_wait3A_431 : memref<1x80x128xf32, #tpu.memory_space<vmem>> -> memref<80x128xf32, #tpu.memory_space<vmem>>
      tpu.wait_dma2 semaphore(%run_scoped3A_404 : memref<!tpu.dma_semaphore, #tpu.memory_space<semaphore_mem>>) src(%dma_wait3A_432 : memref<80x128xf32, #tpu.memory_space<vmem>>) dst(%dma_wait3A_428 : memref<80x128xf32, #tpu.memory_space<hbm>>)
      tpu.yield
    }) : () -> ()
    %mul3A_357 = arith.constant 624 : i32
    %mul3A_358 = arith.muli %arg1, %mul3A_357 : i32
    %add3A_359 = arith.constant 80 : i32
    %add3A_360 = arith.addi %mul3A_358, %add3A_359 : i32
    %run_scoped3A_361 = arith.constant 0 : i32
    "tpu.region"() ({
      %run_scoped3A_404 = tpu.sem_alloc : memref<!tpu.dma_semaphore, #tpu.memory_space<semaphore_mem>>
      %dma_start3A_405 = arith.constant 0 : i32
      %dma_start3A_406 = arith.constant 0 : i32
      %dma_start3A_407 = tpu.memref_slice %arg12[%run_scoped3A_361, %dma_start3A_405, %dma_start3A_406] : memref<3x80x128xf32, #tpu.memory_space<vmem>> -> memref<1x80x128xf32, #tpu.memory_space<vmem>>
      %dma_start3A_408 = tpu.memref_squeeze %dma_start3A_407 : memref<1x80x128xf32, #tpu.memory_space<vmem>> -> memref<80x128xf32, #tpu.memory_space<vmem>>
      %dma_start3A_409 = arith.constant 0 : i32
      %dma_start3A_410 = tpu.memref_slice %arg16[%add3A_360, %dma_start3A_409] : memref<10000x128xf32, #tpu.memory_space<vmem_shared>> -> memref<80x128xf32, #tpu.memory_space<vmem_shared>>
      %dma_start3A_411 = arith.constant 0 : i32
      %dma_start3A_412 = arith.constant 0 : i32
      %dma_start3A_413 = tpu.memref_slice %arg12[%run_scoped3A_361, %dma_start3A_411, %dma_start3A_412] : memref<3x80x128xf32, #tpu.memory_space<vmem>> -> memref<1x80x128xf32, #tpu.memory_space<vmem>>
      %dma_start3A_414 = tpu.memref_squeeze %dma_start3A_413 : memref<1x80x128xf32, #tpu.memory_space<vmem>> -> memref<80x128xf32, #tpu.memory_space<vmem>>
      %dma_start3A_415 = arith.constant 0 : i32
      %dma_start3A_416 = tpu.memref_slice %arg16[%add3A_360, %dma_start3A_415] : memref<10000x128xf32, #tpu.memory_space<vmem_shared>> -> memref<80x128xf32, #tpu.memory_space<vmem_shared>>
      tpu.enqueue_dma source(%dma_start3A_416 : memref<80x128xf32, #tpu.memory_space<vmem_shared>>) target(%dma_start3A_414 : memref<80x128xf32, #tpu.memory_space<vmem>>) target_semaphore(%run_scoped3A_404 : memref<!tpu.dma_semaphore, #tpu.memory_space<semaphore_mem>>)
      %dma_wait3A_417 = arith.constant 0 : i32
      %dma_wait3A_418 = arith.constant 0 : i32
      %dma_wait3A_419 = tpu.memref_slice %arg12[%run_scoped3A_361, %dma_wait3A_417, %dma_wait3A_418] : memref<3x80x128xf32, #tpu.memory_space<vmem>> -> memref<1x80x128xf32, #tpu.memory_space<vmem>>
      %dma_wait3A_420 = tpu.memref_squeeze %dma_wait3A_419 : memref<1x80x128xf32, #tpu.memory_space<vmem>> -> memref<80x128xf32, #tpu.memory_space<vmem>>
      %dma_wait3A_421 = arith.constant 0 : i32
      %dma_wait3A_422 = tpu.memref_slice %arg16[%add3A_360, %dma_wait3A_421] : memref<10000x128xf32, #tpu.memory_space<vmem_shared>> -> memref<80x128xf32, #tpu.memory_space<vmem_shared>>
      %dma_wait3A_423 = arith.constant 0 : i32
      %dma_wait3A_424 = arith.constant 0 : i32
      %dma_wait3A_425 = tpu.memref_slice %arg12[%run_scoped3A_361, %dma_wait3A_423, %dma_wait3A_424] : memref<3x80x128xf32, #tpu.memory_space<vmem>> -> memref<1x80x128xf32, #tpu.memory_space<vmem>>
      %dma_wait3A_426 = tpu.memref_squeeze %dma_wait3A_425 : memref<1x80x128xf32, #tpu.memory_space<vmem>> -> memref<80x128xf32, #tpu.memory_space<vmem>>
      %dma_wait3A_427 = arith.constant 0 : i32
      %dma_wait3A_428 = tpu.memref_slice %arg16[%add3A_360, %dma_wait3A_427] : memref<10000x128xf32, #tpu.memory_space<vmem_shared>> -> memref<80x128xf32, #tpu.memory_space<vmem_shared>>
      tpu.wait_dma2 semaphore(%run_scoped3A_404 : memref<!tpu.dma_semaphore, #tpu.memory_space<semaphore_mem>>) src(%dma_wait3A_428 : memref<80x128xf32, #tpu.memory_space<vmem_shared>>) dst(%dma_wait3A_426 : memref<80x128xf32, #tpu.memory_space<vmem>>)
      tpu.yield
    }) : () -> ()
    %run_scoped3A_362 = arith.constant 0 : i32
    "tpu.region"() ({
      %run_scoped3A_404 = tpu.sem_alloc : memref<!tpu.dma_semaphore, #tpu.memory_space<semaphore_mem>>
      %dma_start3A_405 = arith.constant 0 : i32
      %dma_start3A_406 = arith.constant 0 : i32
      %dma_start3A_407 = tpu.memref_slice %arg12[%run_scoped3A_362, %dma_start3A_405, %dma_start3A_406] : memref<3x80x128xf32, #tpu.memory_space<vmem>> -> memref<1x80x128xf32, #tpu.memory_space<vmem>>
      %dma_start3A_408 = tpu.memref_squeeze %dma_start3A_407 : memref<1x80x128xf32, #tpu.memory_space<vmem>> -> memref<80x128xf32, #tpu.memory_space<vmem>>
      %dma_start3A_409 = arith.constant 0 : i32
      %dma_start3A_410 = tpu.memref_slice %arg8[%arg0, %add3A_360, %dma_start3A_409] : memref<2x10000x128xf32, #tpu.memory_space<hbm>> -> memref<1x80x128xf32, #tpu.memory_space<hbm>>
      %dma_start3A_411 = tpu.memref_squeeze %dma_start3A_410 : memref<1x80x128xf32, #tpu.memory_space<hbm>> -> memref<80x128xf32, #tpu.memory_space<hbm>>
      %dma_start3A_412 = arith.constant 0 : i32
      %dma_start3A_413 = tpu.memref_slice %arg8[%arg0, %add3A_360, %dma_start3A_412] : memref<2x10000x128xf32, #tpu.memory_space<hbm>> -> memref<1x80x128xf32, #tpu.memory_space<hbm>>
      %dma_start3A_414 = tpu.memref_squeeze %dma_start3A_413 : memref<1x80x128xf32, #tpu.memory_space<hbm>> -> memref<80x128xf32, #tpu.memory_space<hbm>>
      %dma_start3A_415 = arith.constant 0 : i32
      %dma_start3A_416 = arith.constant 0 : i32
      %dma_start3A_417 = tpu.memref_slice %arg12[%run_scoped3A_362, %dma_start3A_415, %dma_start3A_416] : memref<3x80x128xf32, #tpu.memory_space<vmem>> -> memref<1x80x128xf32, #tpu.memory_space<vmem>>
      %dma_start3A_418 = tpu.memref_squeeze %dma_start3A_417 : memref<1x80x128xf32, #tpu.memory_space<vmem>> -> memref<80x128xf32, #tpu.memory_space<vmem>>
      tpu.enqueue_dma source(%dma_start3A_418 : memref<80x128xf32, #tpu.memory_space<vmem>>) target(%dma_start3A_414 : memref<80x128xf32, #tpu.memory_space<hbm>>) target_semaphore(%run_scoped3A_404 : memref<!tpu.dma_semaphore, #tpu.memory_space<semaphore_mem>>)
      %dma_wait3A_419 = arith.constant 0 : i32
      %dma_wait3A_420 = arith.constant 0 : i32
      %dma_wait3A_421 = tpu.memref_slice %arg12[%run_scoped3A_362, %dma_wait3A_419, %dma_wait3A_420] : memref<3x80x128xf32, #tpu.memory_space<vmem>> -> memref<1x80x128xf32, #tpu.memory_space<vmem>>
      %dma_wait3A_422 = tpu.memref_squeeze %dma_wait3A_421 : memref<1x80x128xf32, #tpu.memory_space<vmem>> -> memref<80x128xf32, #tpu.memory_space<vmem>>
      %dma_wait3A_423 = arith.constant 0 : i32
      %dma_wait3A_424 = tpu.memref_slice %arg8[%arg0, %add3A_360, %dma_wait3A_423] : memref<2x10000x128xf32, #tpu.memory_space<hbm>> -> memref<1x80x128xf32, #tpu.memory_space<hbm>>
      %dma_wait3A_425 = tpu.memref_squeeze %dma_wait3A_424 : memref<1x80x128xf32, #tpu.memory_space<hbm>> -> memref<80x128xf32, #tpu.memory_space<hbm>>
      %dma_wait3A_426 = arith.constant 0 : i32
      %dma_wait3A_427 = tpu.memref_slice %arg8[%arg0, %add3A_360, %dma_wait3A_426] : memref<2x10000x128xf32, #tpu.memory_space<hbm>> -> memref<1x80x128xf32, #tpu.memory_space<hbm>>
      %dma_wait3A_428 = tpu.memref_squeeze %dma_wait3A_427 : memref<1x80x128xf32, #tpu.memory_space<hbm>> -> memref<80x128xf32, #tpu.memory_space<hbm>>
      %dma_wait3A_429 = arith.constant 0 : i32
      %dma_wait3A_430 = arith.constant 0 : i32
      %dma_wait3A_431 = tpu.memref_slice %arg12[%run_scoped3A_362, %dma_wait3A_429, %dma_wait3A_430] : memref<3x80x128xf32, #tpu.memory_space<vmem>> -> memref<1x80x128xf32, #tpu.memory_space<vmem>>
      %dma_wait3A_432 = tpu.memref_squeeze %dma_wait3A_431 : memref<1x80x128xf32, #tpu.memory_space<vmem>> -> memref<80x128xf32, #tpu.memory_space<vmem>>
      tpu.wait_dma2 semaphore(%run_scoped3A_404 : memref<!tpu.dma_semaphore, #tpu.memory_space<semaphore_mem>>) src(%dma_wait3A_432 : memref<80x128xf32, #tpu.memory_space<vmem>>) dst(%dma_wait3A_428 : memref<80x128xf32, #tpu.memory_space<hbm>>)
      tpu.yield
    }) : () -> ()
    %mul3A_363 = arith.constant 624 : i32
    %mul3A_364 = arith.muli %arg1, %mul3A_363 : i32
    %add3A_365 = arith.constant 160 : i32
    %add3A_366 = arith.addi %mul3A_364, %add3A_365 : i32
    %run_scoped3A_367 = arith.constant 0 : i32
    "tpu.region"() ({
      %run_scoped3A_404 = tpu.sem_alloc : memref<!tpu.dma_semaphore, #tpu.memory_space<semaphore_mem>>
      %dma_start3A_405 = arith.constant 0 : i32
      %dma_start3A_406 = arith.constant 0 : i32
      %dma_start3A_407 = tpu.memref_slice %arg12[%run_scoped3A_367, %dma_start3A_405, %dma_start3A_406] : memref<3x80x128xf32, #tpu.memory_space<vmem>> -> memref<1x80x128xf32, #tpu.memory_space<vmem>>
      %dma_start3A_408 = tpu.memref_squeeze %dma_start3A_407 : memref<1x80x128xf32, #tpu.memory_space<vmem>> -> memref<80x128xf32, #tpu.memory_space<vmem>>
      %dma_start3A_409 = arith.constant 0 : i32
      %dma_start3A_410 = tpu.memref_slice %arg16[%add3A_366, %dma_start3A_409] : memref<10000x128xf32, #tpu.memory_space<vmem_shared>> -> memref<80x128xf32, #tpu.memory_space<vmem_shared>>
      %dma_start3A_411 = arith.constant 0 : i32
      %dma_start3A_412 = arith.constant 0 : i32
      %dma_start3A_413 = tpu.memref_slice %arg12[%run_scoped3A_367, %dma_start3A_411, %dma_start3A_412] : memref<3x80x128xf32, #tpu.memory_space<vmem>> -> memref<1x80x128xf32, #tpu.memory_space<vmem>>
      %dma_start3A_414 = tpu.memref_squeeze %dma_start3A_413 : memref<1x80x128xf32, #tpu.memory_space<vmem>> -> memref<80x128xf32, #tpu.memory_space<vmem>>
      %dma_start3A_415 = arith.constant 0 : i32
      %dma_start3A_416 = tpu.memref_slice %arg16[%add3A_366, %dma_start3A_415] : memref<10000x128xf32, #tpu.memory_space<vmem_shared>> -> memref<80x128xf32, #tpu.memory_space<vmem_shared>>
      tpu.enqueue_dma source(%dma_start3A_416 : memref<80x128xf32, #tpu.memory_space<vmem_shared>>) target(%dma_start3A_414 : memref<80x128xf32, #tpu.memory_space<vmem>>) target_semaphore(%run_scoped3A_404 : memref<!tpu.dma_semaphore, #tpu.memory_space<semaphore_mem>>)
      %dma_wait3A_417 = arith.constant 0 : i32
      %dma_wait3A_418 = arith.constant 0 : i32
      %dma_wait3A_419 = tpu.memref_slice %arg12[%run_scoped3A_367, %dma_wait3A_417, %dma_wait3A_418] : memref<3x80x128xf32, #tpu.memory_space<vmem>> -> memref<1x80x128xf32, #tpu.memory_space<vmem>>
      %dma_wait3A_420 = tpu.memref_squeeze %dma_wait3A_419 : memref<1x80x128xf32, #tpu.memory_space<vmem>> -> memref<80x128xf32, #tpu.memory_space<vmem>>
      %dma_wait3A_421 = arith.constant 0 : i32
      %dma_wait3A_422 = tpu.memref_slice %arg16[%add3A_366, %dma_wait3A_421] : memref<10000x128xf32, #tpu.memory_space<vmem_shared>> -> memref<80x128xf32, #tpu.memory_space<vmem_shared>>
      %dma_wait3A_423 = arith.constant 0 : i32
      %dma_wait3A_424 = arith.constant 0 : i32
      %dma_wait3A_425 = tpu.memref_slice %arg12[%run_scoped3A_367, %dma_wait3A_423, %dma_wait3A_424] : memref<3x80x128xf32, #tpu.memory_space<vmem>> -> memref<1x80x128xf32, #tpu.memory_space<vmem>>
      %dma_wait3A_426 = tpu.memref_squeeze %dma_wait3A_425 : memref<1x80x128xf32, #tpu.memory_space<vmem>> -> memref<80x128xf32, #tpu.memory_space<vmem>>
      %dma_wait3A_427 = arith.constant 0 : i32
      %dma_wait3A_428 = tpu.memref_slice %arg16[%add3A_366, %dma_wait3A_427] : memref<10000x128xf32, #tpu.memory_space<vmem_shared>> -> memref<80x128xf32, #tpu.memory_space<vmem_shared>>
      tpu.wait_dma2 semaphore(%run_scoped3A_404 : memref<!tpu.dma_semaphore, #tpu.memory_space<semaphore_mem>>) src(%dma_wait3A_428 : memref<80x128xf32, #tpu.memory_space<vmem_shared>>) dst(%dma_wait3A_426 : memref<80x128xf32, #tpu.memory_space<vmem>>)
      tpu.yield
    }) : () -> ()
    %run_scoped3A_368 = arith.constant 0 : i32
    "tpu.region"() ({
      %run_scoped3A_404 = tpu.sem_alloc : memref<!tpu.dma_semaphore, #tpu.memory_space<semaphore_mem>>
      %dma_start3A_405 = arith.constant 0 : i32
      %dma_start3A_406 = arith.constant 0 : i32
      %dma_start3A_407 = tpu.memref_slice %arg12[%run_scoped3A_368, %dma_start3A_405, %dma_start3A_406] : memref<3x80x128xf32, #tpu.memory_space<vmem>> -> memref<1x80x128xf32, #tpu.memory_space<vmem>>
      %dma_start3A_408 = tpu.memref_squeeze %dma_start3A_407 : memref<1x80x128xf32, #tpu.memory_space<vmem>> -> memref<80x128xf32, #tpu.memory_space<vmem>>
      %dma_start3A_409 = arith.constant 0 : i32
      %dma_start3A_410 = tpu.memref_slice %arg8[%arg0, %add3A_366, %dma_start3A_409] : memref<2x10000x128xf32, #tpu.memory_space<hbm>> -> memref<1x80x128xf32, #tpu.memory_space<hbm>>
      %dma_start3A_411 = tpu.memref_squeeze %dma_start3A_410 : memref<1x80x128xf32, #tpu.memory_space<hbm>> -> memref<80x128xf32, #tpu.memory_space<hbm>>
      %dma_start3A_412 = arith.constant 0 : i32
      %dma_start3A_413 = tpu.memref_slice %arg8[%arg0, %add3A_366, %dma_start3A_412] : memref<2x10000x128xf32, #tpu.memory_space<hbm>> -> memref<1x80x128xf32, #tpu.memory_space<hbm>>
      %dma_start3A_414 = tpu.memref_squeeze %dma_start3A_413 : memref<1x80x128xf32, #tpu.memory_space<hbm>> -> memref<80x128xf32, #tpu.memory_space<hbm>>
      %dma_start3A_415 = arith.constant 0 : i32
      %dma_start3A_416 = arith.constant 0 : i32
      %dma_start3A_417 = tpu.memref_slice %arg12[%run_scoped3A_368, %dma_start3A_415, %dma_start3A_416] : memref<3x80x128xf32, #tpu.memory_space<vmem>> -> memref<1x80x128xf32, #tpu.memory_space<vmem>>
      %dma_start3A_418 = tpu.memref_squeeze %dma_start3A_417 : memref<1x80x128xf32, #tpu.memory_space<vmem>> -> memref<80x128xf32, #tpu.memory_space<vmem>>
      tpu.enqueue_dma source(%dma_start3A_418 : memref<80x128xf32, #tpu.memory_space<vmem>>) target(%dma_start3A_414 : memref<80x128xf32, #tpu.memory_space<hbm>>) target_semaphore(%run_scoped3A_404 : memref<!tpu.dma_semaphore, #tpu.memory_space<semaphore_mem>>)
      %dma_wait3A_419 = arith.constant 0 : i32
      %dma_wait3A_420 = arith.constant 0 : i32
      %dma_wait3A_421 = tpu.memref_slice %arg12[%run_scoped3A_368, %dma_wait3A_419, %dma_wait3A_420] : memref<3x80x128xf32, #tpu.memory_space<vmem>> -> memref<1x80x128xf32, #tpu.memory_space<vmem>>
      %dma_wait3A_422 = tpu.memref_squeeze %dma_wait3A_421 : memref<1x80x128xf32, #tpu.memory_space<vmem>> -> memref<80x128xf32, #tpu.memory_space<vmem>>
      %dma_wait3A_423 = arith.constant 0 : i32
      %dma_wait3A_424 = tpu.memref_slice %arg8[%arg0, %add3A_366, %dma_wait3A_423] : memref<2x10000x128xf32, #tpu.memory_space<hbm>> -> memref<1x80x128xf32, #tpu.memory_space<hbm>>
      %dma_wait3A_425 = tpu.memref_squeeze %dma_wait3A_424 : memref<1x80x128xf32, #tpu.memory_space<hbm>> -> memref<80x128xf32, #tpu.memory_space<hbm>>
      %dma_wait3A_426 = arith.constant 0 : i32
      %dma_wait3A_427 = tpu.memref_slice %arg8[%arg0, %add3A_366, %dma_wait3A_426] : memref<2x10000x128xf32, #tpu.memory_space<hbm>> -> memref<1x80x128xf32, #tpu.memory_space<hbm>>
      %dma_wait3A_428 = tpu.memref_squeeze %dma_wait3A_427 : memref<1x80x128xf32, #tpu.memory_space<hbm>> -> memref<80x128xf32, #tpu.memory_space<hbm>>
      %dma_wait3A_429 = arith.constant 0 : i32
      %dma_wait3A_430 = arith.constant 0 : i32
      %dma_wait3A_431 = tpu.memref_slice %arg12[%run_scoped3A_368, %dma_wait3A_429, %dma_wait3A_430] : memref<3x80x128xf32, #tpu.memory_space<vmem>> -> memref<1x80x128xf32, #tpu.memory_space<vmem>>
      %dma_wait3A_432 = tpu.memref_squeeze %dma_wait3A_431 : memref<1x80x128xf32, #tpu.memory_space<vmem>> -> memref<80x128xf32, #tpu.memory_space<vmem>>
      tpu.wait_dma2 semaphore(%run_scoped3A_404 : memref<!tpu.dma_semaphore, #tpu.memory_space<semaphore_mem>>) src(%dma_wait3A_432 : memref<80x128xf32, #tpu.memory_space<vmem>>) dst(%dma_wait3A_428 : memref<80x128xf32, #tpu.memory_space<hbm>>)
      tpu.yield
    }) : () -> ()
    %mul3A_369 = arith.constant 624 : i32
    %mul3A_370 = arith.muli %arg1, %mul3A_369 : i32
    %add3A_371 = arith.constant 240 : i32
    %add3A_372 = arith.addi %mul3A_370, %add3A_371 : i32
    %run_scoped3A_373 = arith.constant 0 : i32
    "tpu.region"() ({
      %run_scoped3A_404 = tpu.sem_alloc : memref<!tpu.dma_semaphore, #tpu.memory_space<semaphore_mem>>
      %dma_start3A_405 = arith.constant 0 : i32
      %dma_start3A_406 = arith.constant 0 : i32
      %dma_start3A_407 = tpu.memref_slice %arg12[%run_scoped3A_373, %dma_start3A_405, %dma_start3A_406] : memref<3x80x128xf32, #tpu.memory_space<vmem>> -> memref<1x80x128xf32, #tpu.memory_space<vmem>>
      %dma_start3A_408 = tpu.memref_squeeze %dma_start3A_407 : memref<1x80x128xf32, #tpu.memory_space<vmem>> -> memref<80x128xf32, #tpu.memory_space<vmem>>
      %dma_start3A_409 = arith.constant 0 : i32
      %dma_start3A_410 = tpu.memref_slice %arg16[%add3A_372, %dma_start3A_409] : memref<10000x128xf32, #tpu.memory_space<vmem_shared>> -> memref<80x128xf32, #tpu.memory_space<vmem_shared>>
      %dma_start3A_411 = arith.constant 0 : i32
      %dma_start3A_412 = arith.constant 0 : i32
      %dma_start3A_413 = tpu.memref_slice %arg12[%run_scoped3A_373, %dma_start3A_411, %dma_start3A_412] : memref<3x80x128xf32, #tpu.memory_space<vmem>> -> memref<1x80x128xf32, #tpu.memory_space<vmem>>
      %dma_start3A_414 = tpu.memref_squeeze %dma_start3A_413 : memref<1x80x128xf32, #tpu.memory_space<vmem>> -> memref<80x128xf32, #tpu.memory_space<vmem>>
      %dma_start3A_415 = arith.constant 0 : i32
      %dma_start3A_416 = tpu.memref_slice %arg16[%add3A_372, %dma_start3A_415] : memref<10000x128xf32, #tpu.memory_space<vmem_shared>> -> memref<80x128xf32, #tpu.memory_space<vmem_shared>>
      tpu.enqueue_dma source(%dma_start3A_416 : memref<80x128xf32, #tpu.memory_space<vmem_shared>>) target(%dma_start3A_414 : memref<80x128xf32, #tpu.memory_space<vmem>>) target_semaphore(%run_scoped3A_404 : memref<!tpu.dma_semaphore, #tpu.memory_space<semaphore_mem>>)
      %dma_wait3A_417 = arith.constant 0 : i32
      %dma_wait3A_418 = arith.constant 0 : i32
      %dma_wait3A_419 = tpu.memref_slice %arg12[%run_scoped3A_373, %dma_wait3A_417, %dma_wait3A_418] : memref<3x80x128xf32, #tpu.memory_space<vmem>> -> memref<1x80x128xf32, #tpu.memory_space<vmem>>
      %dma_wait3A_420 = tpu.memref_squeeze %dma_wait3A_419 : memref<1x80x128xf32, #tpu.memory_space<vmem>> -> memref<80x128xf32, #tpu.memory_space<vmem>>
      %dma_wait3A_421 = arith.constant 0 : i32
      %dma_wait3A_422 = tpu.memref_slice %arg16[%add3A_372, %dma_wait3A_421] : memref<10000x128xf32, #tpu.memory_space<vmem_shared>> -> memref<80x128xf32, #tpu.memory_space<vmem_shared>>
      %dma_wait3A_423 = arith.constant 0 : i32
      %dma_wait3A_424 = arith.constant 0 : i32
      %dma_wait3A_425 = tpu.memref_slice %arg12[%run_scoped3A_373, %dma_wait3A_423, %dma_wait3A_424] : memref<3x80x128xf32, #tpu.memory_space<vmem>> -> memref<1x80x128xf32, #tpu.memory_space<vmem>>
      %dma_wait3A_426 = tpu.memref_squeeze %dma_wait3A_425 : memref<1x80x128xf32, #tpu.memory_space<vmem>> -> memref<80x128xf32, #tpu.memory_space<vmem>>
      %dma_wait3A_427 = arith.constant 0 : i32
      %dma_wait3A_428 = tpu.memref_slice %arg16[%add3A_372, %dma_wait3A_427] : memref<10000x128xf32, #tpu.memory_space<vmem_shared>> -> memref<80x128xf32, #tpu.memory_space<vmem_shared>>
      tpu.wait_dma2 semaphore(%run_scoped3A_404 : memref<!tpu.dma_semaphore, #tpu.memory_space<semaphore_mem>>) src(%dma_wait3A_428 : memref<80x128xf32, #tpu.memory_space<vmem_shared>>) dst(%dma_wait3A_426 : memref<80x128xf32, #tpu.memory_space<vmem>>)
      tpu.yield
    }) : () -> ()
    %run_scoped3A_374 = arith.constant 0 : i32
    "tpu.region"() ({
      %run_scoped3A_404 = tpu.sem_alloc : memref<!tpu.dma_semaphore, #tpu.memory_space<semaphore_mem>>
      %dma_start3A_405 = arith.constant 0 : i32
      %dma_start3A_406 = arith.constant 0 : i32
      %dma_start3A_407 = tpu.memref_slice %arg12[%run_scoped3A_374, %dma_start3A_405, %dma_start3A_406] : memref<3x80x128xf32, #tpu.memory_space<vmem>> -> memref<1x80x128xf32, #tpu.memory_space<vmem>>
      %dma_start3A_408 = tpu.memref_squeeze %dma_start3A_407 : memref<1x80x128xf32, #tpu.memory_space<vmem>> -> memref<80x128xf32, #tpu.memory_space<vmem>>
      %dma_start3A_409 = arith.constant 0 : i32
      %dma_start3A_410 = tpu.memref_slice %arg8[%arg0, %add3A_372, %dma_start3A_409] : memref<2x10000x128xf32, #tpu.memory_space<hbm>> -> memref<1x80x128xf32, #tpu.memory_space<hbm>>
      %dma_start3A_411 = tpu.memref_squeeze %dma_start3A_410 : memref<1x80x128xf32, #tpu.memory_space<hbm>> -> memref<80x128xf32, #tpu.memory_space<hbm>>
      %dma_start3A_412 = arith.constant 0 : i32
      %dma_start3A_413 = tpu.memref_slice %arg8[%arg0, %add3A_372, %dma_start3A_412] : memref<2x10000x128xf32, #tpu.memory_space<hbm>> -> memref<1x80x128xf32, #tpu.memory_space<hbm>>
      %dma_start3A_414 = tpu.memref_squeeze %dma_start3A_413 : memref<1x80x128xf32, #tpu.memory_space<hbm>> -> memref<80x128xf32, #tpu.memory_space<hbm>>
      %dma_start3A_415 = arith.constant 0 : i32
      %dma_start3A_416 = arith.constant 0 : i32
      %dma_start3A_417 = tpu.memref_slice %arg12[%run_scoped3A_374, %dma_start3A_415, %dma_start3A_416] : memref<3x80x128xf32, #tpu.memory_space<vmem>> -> memref<1x80x128xf32, #tpu.memory_space<vmem>>
      %dma_start3A_418 = tpu.memref_squeeze %dma_start3A_417 : memref<1x80x128xf32, #tpu.memory_space<vmem>> -> memref<80x128xf32, #tpu.memory_space<vmem>>
      tpu.enqueue_dma source(%dma_start3A_418 : memref<80x128xf32, #tpu.memory_space<vmem>>) target(%dma_start3A_414 : memref<80x128xf32, #tpu.memory_space<hbm>>) target_semaphore(%run_scoped3A_404 : memref<!tpu.dma_semaphore, #tpu.memory_space<semaphore_mem>>)
      %dma_wait3A_419 = arith.constant 0 : i32
      %dma_wait3A_420 = arith.constant 0 : i32
      %dma_wait3A_421 = tpu.memref_slice %arg12[%run_scoped3A_374, %dma_wait3A_419, %dma_wait3A_420] : memref<3x80x128xf32, #tpu.memory_space<vmem>> -> memref<1x80x128xf32, #tpu.memory_space<vmem>>
      %dma_wait3A_422 = tpu.memref_squeeze %dma_wait3A_421 : memref<1x80x128xf32, #tpu.memory_space<vmem>> -> memref<80x128xf32, #tpu.memory_space<vmem>>
      %dma_wait3A_423 = arith.constant 0 : i32
      %dma_wait3A_424 = tpu.memref_slice %arg8[%arg0, %add3A_372, %dma_wait3A_423] : memref<2x10000x128xf32, #tpu.memory_space<hbm>> -> memref<1x80x128xf32, #tpu.memory_space<hbm>>
      %dma_wait3A_425 = tpu.memref_squeeze %dma_wait3A_424 : memref<1x80x128xf32, #tpu.memory_space<hbm>> -> memref<80x128xf32, #tpu.memory_space<hbm>>
      %dma_wait3A_426 = arith.constant 0 : i32
      %dma_wait3A_427 = tpu.memref_slice %arg8[%arg0, %add3A_372, %dma_wait3A_426] : memref<2x10000x128xf32, #tpu.memory_space<hbm>> -> memref<1x80x128xf32, #tpu.memory_space<hbm>>
      %dma_wait3A_428 = tpu.memref_squeeze %dma_wait3A_427 : memref<1x80x128xf32, #tpu.memory_space<hbm>> -> memref<80x128xf32, #tpu.memory_space<hbm>>
      %dma_wait3A_429 = arith.constant 0 : i32
      %dma_wait3A_430 = arith.constant 0 : i32
      %dma_wait3A_431 = tpu.memref_slice %arg12[%run_scoped3A_374, %dma_wait3A_429, %dma_wait3A_430] : memref<3x80x128xf32, #tpu.memory_space<vmem>> -> memref<1x80x128xf32, #tpu.memory_space<vmem>>
      %dma_wait3A_432 = tpu.memref_squeeze %dma_wait3A_431 : memref<1x80x128xf32, #tpu.memory_space<vmem>> -> memref<80x128xf32, #tpu.memory_space<vmem>>
      tpu.wait_dma2 semaphore(%run_scoped3A_404 : memref<!tpu.dma_semaphore, #tpu.memory_space<semaphore_mem>>) src(%dma_wait3A_432 : memref<80x128xf32, #tpu.memory_space<vmem>>) dst(%dma_wait3A_428 : memref<80x128xf32, #tpu.memory_space<hbm>>)
      tpu.yield
    }) : () -> ()
    %mul3A_375 = arith.constant 624 : i32
    %mul3A_376 = arith.muli %arg1, %mul3A_375 : i32
    %add3A_377 = arith.constant 320 : i32
    %add3A_378 = arith.addi %mul3A_376, %add3A_377 : i32
    %run_scoped3A_379 = arith.constant 0 : i32
    "tpu.region"() ({
      %run_scoped3A_404 = tpu.sem_alloc : memref<!tpu.dma_semaphore, #tpu.memory_space<semaphore_mem>>
      %dma_start3A_405 = arith.constant 0 : i32
      %dma_start3A_406 = arith.constant 0 : i32
      %dma_start3A_407 = tpu.memref_slice %arg12[%run_scoped3A_379, %dma_start3A_405, %dma_start3A_406] : memref<3x80x128xf32, #tpu.memory_space<vmem>> -> memref<1x80x128xf32, #tpu.memory_space<vmem>>
      %dma_start3A_408 = tpu.memref_squeeze %dma_start3A_407 : memref<1x80x128xf32, #tpu.memory_space<vmem>> -> memref<80x128xf32, #tpu.memory_space<vmem>>
      %dma_start3A_409 = arith.constant 0 : i32
      %dma_start3A_410 = tpu.memref_slice %arg16[%add3A_378, %dma_start3A_409] : memref<10000x128xf32, #tpu.memory_space<vmem_shared>> -> memref<80x128xf32, #tpu.memory_space<vmem_shared>>
      %dma_start3A_411 = arith.constant 0 : i32
      %dma_start3A_412 = arith.constant 0 : i32
      %dma_start3A_413 = tpu.memref_slice %arg12[%run_scoped3A_379, %dma_start3A_411, %dma_start3A_412] : memref<3x80x128xf32, #tpu.memory_space<vmem>> -> memref<1x80x128xf32, #tpu.memory_space<vmem>>
      %dma_start3A_414 = tpu.memref_squeeze %dma_start3A_413 : memref<1x80x128xf32, #tpu.memory_space<vmem>> -> memref<80x128xf32, #tpu.memory_space<vmem>>
      %dma_start3A_415 = arith.constant 0 : i32
      %dma_start3A_416 = tpu.memref_slice %arg16[%add3A_378, %dma_start3A_415] : memref<10000x128xf32, #tpu.memory_space<vmem_shared>> -> memref<80x128xf32, #tpu.memory_space<vmem_shared>>
      tpu.enqueue_dma source(%dma_start3A_416 : memref<80x128xf32, #tpu.memory_space<vmem_shared>>) target(%dma_start3A_414 : memref<80x128xf32, #tpu.memory_space<vmem>>) target_semaphore(%run_scoped3A_404 : memref<!tpu.dma_semaphore, #tpu.memory_space<semaphore_mem>>)
      %dma_wait3A_417 = arith.constant 0 : i32
      %dma_wait3A_418 = arith.constant 0 : i32
      %dma_wait3A_419 = tpu.memref_slice %arg12[%run_scoped3A_379, %dma_wait3A_417, %dma_wait3A_418] : memref<3x80x128xf32, #tpu.memory_space<vmem>> -> memref<1x80x128xf32, #tpu.memory_space<vmem>>
      %dma_wait3A_420 = tpu.memref_squeeze %dma_wait3A_419 : memref<1x80x128xf32, #tpu.memory_space<vmem>> -> memref<80x128xf32, #tpu.memory_space<vmem>>
      %dma_wait3A_421 = arith.constant 0 : i32
      %dma_wait3A_422 = tpu.memref_slice %arg16[%add3A_378, %dma_wait3A_421] : memref<10000x128xf32, #tpu.memory_space<vmem_shared>> -> memref<80x128xf32, #tpu.memory_space<vmem_shared>>
      %dma_wait3A_423 = arith.constant 0 : i32
      %dma_wait3A_424 = arith.constant 0 : i32
      %dma_wait3A_425 = tpu.memref_slice %arg12[%run_scoped3A_379, %dma_wait3A_423, %dma_wait3A_424] : memref<3x80x128xf32, #tpu.memory_space<vmem>> -> memref<1x80x128xf32, #tpu.memory_space<vmem>>
      %dma_wait3A_426 = tpu.memref_squeeze %dma_wait3A_425 : memref<1x80x128xf32, #tpu.memory_space<vmem>> -> memref<80x128xf32, #tpu.memory_space<vmem>>
      %dma_wait3A_427 = arith.constant 0 : i32
      %dma_wait3A_428 = tpu.memref_slice %arg16[%add3A_378, %dma_wait3A_427] : memref<10000x128xf32, #tpu.memory_space<vmem_shared>> -> memref<80x128xf32, #tpu.memory_space<vmem_shared>>
      tpu.wait_dma2 semaphore(%run_scoped3A_404 : memref<!tpu.dma_semaphore, #tpu.memory_space<semaphore_mem>>) src(%dma_wait3A_428 : memref<80x128xf32, #tpu.memory_space<vmem_shared>>) dst(%dma_wait3A_426 : memref<80x128xf32, #tpu.memory_space<vmem>>)
      tpu.yield
    }) : () -> ()
    %run_scoped3A_380 = arith.constant 0 : i32
    "tpu.region"() ({
      %run_scoped3A_404 = tpu.sem_alloc : memref<!tpu.dma_semaphore, #tpu.memory_space<semaphore_mem>>
      %dma_start3A_405 = arith.constant 0 : i32
      %dma_start3A_406 = arith.constant 0 : i32
      %dma_start3A_407 = tpu.memref_slice %arg12[%run_scoped3A_380, %dma_start3A_405, %dma_start3A_406] : memref<3x80x128xf32, #tpu.memory_space<vmem>> -> memref<1x80x128xf32, #tpu.memory_space<vmem>>
      %dma_start3A_408 = tpu.memref_squeeze %dma_start3A_407 : memref<1x80x128xf32, #tpu.memory_space<vmem>> -> memref<80x128xf32, #tpu.memory_space<vmem>>
      %dma_start3A_409 = arith.constant 0 : i32
      %dma_start3A_410 = tpu.memref_slice %arg8[%arg0, %add3A_378, %dma_start3A_409] : memref<2x10000x128xf32, #tpu.memory_space<hbm>> -> memref<1x80x128xf32, #tpu.memory_space<hbm>>
      %dma_start3A_411 = tpu.memref_squeeze %dma_start3A_410 : memref<1x80x128xf32, #tpu.memory_space<hbm>> -> memref<80x128xf32, #tpu.memory_space<hbm>>
      %dma_start3A_412 = arith.constant 0 : i32
      %dma_start3A_413 = tpu.memref_slice %arg8[%arg0, %add3A_378, %dma_start3A_412] : memref<2x10000x128xf32, #tpu.memory_space<hbm>> -> memref<1x80x128xf32, #tpu.memory_space<hbm>>
      %dma_start3A_414 = tpu.memref_squeeze %dma_start3A_413 : memref<1x80x128xf32, #tpu.memory_space<hbm>> -> memref<80x128xf32, #tpu.memory_space<hbm>>
      %dma_start3A_415 = arith.constant 0 : i32
      %dma_start3A_416 = arith.constant 0 : i32
      %dma_start3A_417 = tpu.memref_slice %arg12[%run_scoped3A_380, %dma_start3A_415, %dma_start3A_416] : memref<3x80x128xf32, #tpu.memory_space<vmem>> -> memref<1x80x128xf32, #tpu.memory_space<vmem>>
      %dma_start3A_418 = tpu.memref_squeeze %dma_start3A_417 : memref<1x80x128xf32, #tpu.memory_space<vmem>> -> memref<80x128xf32, #tpu.memory_space<vmem>>
      tpu.enqueue_dma source(%dma_start3A_418 : memref<80x128xf32, #tpu.memory_space<vmem>>) target(%dma_start3A_414 : memref<80x128xf32, #tpu.memory_space<hbm>>) target_semaphore(%run_scoped3A_404 : memref<!tpu.dma_semaphore, #tpu.memory_space<semaphore_mem>>)
      %dma_wait3A_419 = arith.constant 0 : i32
      %dma_wait3A_420 = arith.constant 0 : i32
      %dma_wait3A_421 = tpu.memref_slice %arg12[%run_scoped3A_380, %dma_wait3A_419, %dma_wait3A_420] : memref<3x80x128xf32, #tpu.memory_space<vmem>> -> memref<1x80x128xf32, #tpu.memory_space<vmem>>
      %dma_wait3A_422 = tpu.memref_squeeze %dma_wait3A_421 : memref<1x80x128xf32, #tpu.memory_space<vmem>> -> memref<80x128xf32, #tpu.memory_space<vmem>>
      %dma_wait3A_423 = arith.constant 0 : i32
      %dma_wait3A_424 = tpu.memref_slice %arg8[%arg0, %add3A_378, %dma_wait3A_423] : memref<2x10000x128xf32, #tpu.memory_space<hbm>> -> memref<1x80x128xf32, #tpu.memory_space<hbm>>
      %dma_wait3A_425 = tpu.memref_squeeze %dma_wait3A_424 : memref<1x80x128xf32, #tpu.memory_space<hbm>> -> memref<80x128xf32, #tpu.memory_space<hbm>>
      %dma_wait3A_426 = arith.constant 0 : i32
      %dma_wait3A_427 = tpu.memref_slice %arg8[%arg0, %add3A_378, %dma_wait3A_426] : memref<2x10000x128xf32, #tpu.memory_space<hbm>> -> memref<1x80x128xf32, #tpu.memory_space<hbm>>
      %dma_wait3A_428 = tpu.memref_squeeze %dma_wait3A_427 : memref<1x80x128xf32, #tpu.memory_space<hbm>> -> memref<80x128xf32, #tpu.memory_space<hbm>>
      %dma_wait3A_429 = arith.constant 0 : i32
      %dma_wait3A_430 = arith.constant 0 : i32
      %dma_wait3A_431 = tpu.memref_slice %arg12[%run_scoped3A_380, %dma_wait3A_429, %dma_wait3A_430] : memref<3x80x128xf32, #tpu.memory_space<vmem>> -> memref<1x80x128xf32, #tpu.memory_space<vmem>>
      %dma_wait3A_432 = tpu.memref_squeeze %dma_wait3A_431 : memref<1x80x128xf32, #tpu.memory_space<vmem>> -> memref<80x128xf32, #tpu.memory_space<vmem>>
      tpu.wait_dma2 semaphore(%run_scoped3A_404 : memref<!tpu.dma_semaphore, #tpu.memory_space<semaphore_mem>>) src(%dma_wait3A_432 : memref<80x128xf32, #tpu.memory_space<vmem>>) dst(%dma_wait3A_428 : memref<80x128xf32, #tpu.memory_space<hbm>>)
      tpu.yield
    }) : () -> ()
    %mul3A_381 = arith.constant 624 : i32
    %mul3A_382 = arith.muli %arg1, %mul3A_381 : i32
    %add3A_383 = arith.constant 400 : i32
    %add3A_384 = arith.addi %mul3A_382, %add3A_383 : i32
    %run_scoped3A_385 = arith.constant 0 : i32
    "tpu.region"() ({
      %run_scoped3A_404 = tpu.sem_alloc : memref<!tpu.dma_semaphore, #tpu.memory_space<semaphore_mem>>
      %dma_start3A_405 = arith.constant 0 : i32
      %dma_start3A_406 = arith.constant 0 : i32
      %dma_start3A_407 = tpu.memref_slice %arg12[%run_scoped3A_385, %dma_start3A_405, %dma_start3A_406] : memref<3x80x128xf32, #tpu.memory_space<vmem>> -> memref<1x80x128xf32, #tpu.memory_space<vmem>>
      %dma_start3A_408 = tpu.memref_squeeze %dma_start3A_407 : memref<1x80x128xf32, #tpu.memory_space<vmem>> -> memref<80x128xf32, #tpu.memory_space<vmem>>
      %dma_start3A_409 = arith.constant 0 : i32
      %dma_start3A_410 = tpu.memref_slice %arg16[%add3A_384, %dma_start3A_409] : memref<10000x128xf32, #tpu.memory_space<vmem_shared>> -> memref<80x128xf32, #tpu.memory_space<vmem_shared>>
      %dma_start3A_411 = arith.constant 0 : i32
      %dma_start3A_412 = arith.constant 0 : i32
      %dma_start3A_413 = tpu.memref_slice %arg12[%run_scoped3A_385, %dma_start3A_411, %dma_start3A_412] : memref<3x80x128xf32, #tpu.memory_space<vmem>> -> memref<1x80x128xf32, #tpu.memory_space<vmem>>
      %dma_start3A_414 = tpu.memref_squeeze %dma_start3A_413 : memref<1x80x128xf32, #tpu.memory_space<vmem>> -> memref<80x128xf32, #tpu.memory_space<vmem>>
      %dma_start3A_415 = arith.constant 0 : i32
      %dma_start3A_416 = tpu.memref_slice %arg16[%add3A_384, %dma_start3A_415] : memref<10000x128xf32, #tpu.memory_space<vmem_shared>> -> memref<80x128xf32, #tpu.memory_space<vmem_shared>>
      tpu.enqueue_dma source(%dma_start3A_416 : memref<80x128xf32, #tpu.memory_space<vmem_shared>>) target(%dma_start3A_414 : memref<80x128xf32, #tpu.memory_space<vmem>>) target_semaphore(%run_scoped3A_404 : memref<!tpu.dma_semaphore, #tpu.memory_space<semaphore_mem>>)
      %dma_wait3A_417 = arith.constant 0 : i32
      %dma_wait3A_418 = arith.constant 0 : i32
      %dma_wait3A_419 = tpu.memref_slice %arg12[%run_scoped3A_385, %dma_wait3A_417, %dma_wait3A_418] : memref<3x80x128xf32, #tpu.memory_space<vmem>> -> memref<1x80x128xf32, #tpu.memory_space<vmem>>
      %dma_wait3A_420 = tpu.memref_squeeze %dma_wait3A_419 : memref<1x80x128xf32, #tpu.memory_space<vmem>> -> memref<80x128xf32, #tpu.memory_space<vmem>>
      %dma_wait3A_421 = arith.constant 0 : i32
      %dma_wait3A_422 = tpu.memref_slice %arg16[%add3A_384, %dma_wait3A_421] : memref<10000x128xf32, #tpu.memory_space<vmem_shared>> -> memref<80x128xf32, #tpu.memory_space<vmem_shared>>
      %dma_wait3A_423 = arith.constant 0 : i32
      %dma_wait3A_424 = arith.constant 0 : i32
      %dma_wait3A_425 = tpu.memref_slice %arg12[%run_scoped3A_385, %dma_wait3A_423, %dma_wait3A_424] : memref<3x80x128xf32, #tpu.memory_space<vmem>> -> memref<1x80x128xf32, #tpu.memory_space<vmem>>
      %dma_wait3A_426 = tpu.memref_squeeze %dma_wait3A_425 : memref<1x80x128xf32, #tpu.memory_space<vmem>> -> memref<80x128xf32, #tpu.memory_space<vmem>>
      %dma_wait3A_427 = arith.constant 0 : i32
      %dma_wait3A_428 = tpu.memref_slice %arg16[%add3A_384, %dma_wait3A_427] : memref<10000x128xf32, #tpu.memory_space<vmem_shared>> -> memref<80x128xf32, #tpu.memory_space<vmem_shared>>
      tpu.wait_dma2 semaphore(%run_scoped3A_404 : memref<!tpu.dma_semaphore, #tpu.memory_space<semaphore_mem>>) src(%dma_wait3A_428 : memref<80x128xf32, #tpu.memory_space<vmem_shared>>) dst(%dma_wait3A_426 : memref<80x128xf32, #tpu.memory_space<vmem>>)
      tpu.yield
    }) : () -> ()
    %run_scoped3A_386 = arith.constant 0 : i32
    "tpu.region"() ({
      %run_scoped3A_404 = tpu.sem_alloc : memref<!tpu.dma_semaphore, #tpu.memory_space<semaphore_mem>>
      %dma_start3A_405 = arith.constant 0 : i32
      %dma_start3A_406 = arith.constant 0 : i32
      %dma_start3A_407 = tpu.memref_slice %arg12[%run_scoped3A_386, %dma_start3A_405, %dma_start3A_406] : memref<3x80x128xf32, #tpu.memory_space<vmem>> -> memref<1x80x128xf32, #tpu.memory_space<vmem>>
      %dma_start3A_408 = tpu.memref_squeeze %dma_start3A_407 : memref<1x80x128xf32, #tpu.memory_space<vmem>> -> memref<80x128xf32, #tpu.memory_space<vmem>>
      %dma_start3A_409 = arith.constant 0 : i32
      %dma_start3A_410 = tpu.memref_slice %arg8[%arg0, %add3A_384, %dma_start3A_409] : memref<2x10000x128xf32, #tpu.memory_space<hbm>> -> memref<1x80x128xf32, #tpu.memory_space<hbm>>
      %dma_start3A_411 = tpu.memref_squeeze %dma_start3A_410 : memref<1x80x128xf32, #tpu.memory_space<hbm>> -> memref<80x128xf32, #tpu.memory_space<hbm>>
      %dma_start3A_412 = arith.constant 0 : i32
      %dma_start3A_413 = tpu.memref_slice %arg8[%arg0, %add3A_384, %dma_start3A_412] : memref<2x10000x128xf32, #tpu.memory_space<hbm>> -> memref<1x80x128xf32, #tpu.memory_space<hbm>>
      %dma_start3A_414 = tpu.memref_squeeze %dma_start3A_413 : memref<1x80x128xf32, #tpu.memory_space<hbm>> -> memref<80x128xf32, #tpu.memory_space<hbm>>
      %dma_start3A_415 = arith.constant 0 : i32
      %dma_start3A_416 = arith.constant 0 : i32
      %dma_start3A_417 = tpu.memref_slice %arg12[%run_scoped3A_386, %dma_start3A_415, %dma_start3A_416] : memref<3x80x128xf32, #tpu.memory_space<vmem>> -> memref<1x80x128xf32, #tpu.memory_space<vmem>>
      %dma_start3A_418 = tpu.memref_squeeze %dma_start3A_417 : memref<1x80x128xf32, #tpu.memory_space<vmem>> -> memref<80x128xf32, #tpu.memory_space<vmem>>
      tpu.enqueue_dma source(%dma_start3A_418 : memref<80x128xf32, #tpu.memory_space<vmem>>) target(%dma_start3A_414 : memref<80x128xf32, #tpu.memory_space<hbm>>) target_semaphore(%run_scoped3A_404 : memref<!tpu.dma_semaphore, #tpu.memory_space<semaphore_mem>>)
      %dma_wait3A_419 = arith.constant 0 : i32
      %dma_wait3A_420 = arith.constant 0 : i32
      %dma_wait3A_421 = tpu.memref_slice %arg12[%run_scoped3A_386, %dma_wait3A_419, %dma_wait3A_420] : memref<3x80x128xf32, #tpu.memory_space<vmem>> -> memref<1x80x128xf32, #tpu.memory_space<vmem>>
      %dma_wait3A_422 = tpu.memref_squeeze %dma_wait3A_421 : memref<1x80x128xf32, #tpu.memory_space<vmem>> -> memref<80x128xf32, #tpu.memory_space<vmem>>
      %dma_wait3A_423 = arith.constant 0 : i32
      %dma_wait3A_424 = tpu.memref_slice %arg8[%arg0, %add3A_384, %dma_wait3A_423] : memref<2x10000x128xf32, #tpu.memory_space<hbm>> -> memref<1x80x128xf32, #tpu.memory_space<hbm>>
      %dma_wait3A_425 = tpu.memref_squeeze %dma_wait3A_424 : memref<1x80x128xf32, #tpu.memory_space<hbm>> -> memref<80x128xf32, #tpu.memory_space<hbm>>
      %dma_wait3A_426 = arith.constant 0 : i32
      %dma_wait3A_427 = tpu.memref_slice %arg8[%arg0, %add3A_384, %dma_wait3A_426] : memref<2x10000x128xf32, #tpu.memory_space<hbm>> -> memref<1x80x128xf32, #tpu.memory_space<hbm>>
      %dma_wait3A_428 = tpu.memref_squeeze %dma_wait3A_427 : memref<1x80x128xf32, #tpu.memory_space<hbm>> -> memref<80x128xf32, #tpu.memory_space<hbm>>
      %dma_wait3A_429 = arith.constant 0 : i32
      %dma_wait3A_430 = arith.constant 0 : i32
      %dma_wait3A_431 = tpu.memref_slice %arg12[%run_scoped3A_386, %dma_wait3A_429, %dma_wait3A_430] : memref<3x80x128xf32, #tpu.memory_space<vmem>> -> memref<1x80x128xf32, #tpu.memory_space<vmem>>
      %dma_wait3A_432 = tpu.memref_squeeze %dma_wait3A_431 : memref<1x80x128xf32, #tpu.memory_space<vmem>> -> memref<80x128xf32, #tpu.memory_space<vmem>>
      tpu.wait_dma2 semaphore(%run_scoped3A_404 : memref<!tpu.dma_semaphore, #tpu.memory_space<semaphore_mem>>) src(%dma_wait3A_432 : memref<80x128xf32, #tpu.memory_space<vmem>>) dst(%dma_wait3A_428 : memref<80x128xf32, #tpu.memory_space<hbm>>)
      tpu.yield
    }) : () -> ()
    %mul3A_387 = arith.constant 624 : i32
    %mul3A_388 = arith.muli %arg1, %mul3A_387 : i32
    %add3A_389 = arith.constant 480 : i32
    %add3A_390 = arith.addi %mul3A_388, %add3A_389 : i32
    %run_scoped3A_391 = arith.constant 0 : i32
    "tpu.region"() ({
      %run_scoped3A_404 = tpu.sem_alloc : memref<!tpu.dma_semaphore, #tpu.memory_space<semaphore_mem>>
      %dma_start3A_405 = arith.constant 0 : i32
      %dma_start3A_406 = arith.constant 0 : i32
      %dma_start3A_407 = tpu.memref_slice %arg12[%run_scoped3A_391, %dma_start3A_405, %dma_start3A_406] : memref<3x80x128xf32, #tpu.memory_space<vmem>> -> memref<1x80x128xf32, #tpu.memory_space<vmem>>
      %dma_start3A_408 = tpu.memref_squeeze %dma_start3A_407 : memref<1x80x128xf32, #tpu.memory_space<vmem>> -> memref<80x128xf32, #tpu.memory_space<vmem>>
      %dma_start3A_409 = arith.constant 0 : i32
      %dma_start3A_410 = tpu.memref_slice %arg16[%add3A_390, %dma_start3A_409] : memref<10000x128xf32, #tpu.memory_space<vmem_shared>> -> memref<80x128xf32, #tpu.memory_space<vmem_shared>>
      %dma_start3A_411 = arith.constant 0 : i32
      %dma_start3A_412 = arith.constant 0 : i32
      %dma_start3A_413 = tpu.memref_slice %arg12[%run_scoped3A_391, %dma_start3A_411, %dma_start3A_412] : memref<3x80x128xf32, #tpu.memory_space<vmem>> -> memref<1x80x128xf32, #tpu.memory_space<vmem>>
      %dma_start3A_414 = tpu.memref_squeeze %dma_start3A_413 : memref<1x80x128xf32, #tpu.memory_space<vmem>> -> memref<80x128xf32, #tpu.memory_space<vmem>>
      %dma_start3A_415 = arith.constant 0 : i32
      %dma_start3A_416 = tpu.memref_slice %arg16[%add3A_390, %dma_start3A_415] : memref<10000x128xf32, #tpu.memory_space<vmem_shared>> -> memref<80x128xf32, #tpu.memory_space<vmem_shared>>
      tpu.enqueue_dma source(%dma_start3A_416 : memref<80x128xf32, #tpu.memory_space<vmem_shared>>) target(%dma_start3A_414 : memref<80x128xf32, #tpu.memory_space<vmem>>) target_semaphore(%run_scoped3A_404 : memref<!tpu.dma_semaphore, #tpu.memory_space<semaphore_mem>>)
      %dma_wait3A_417 = arith.constant 0 : i32
      %dma_wait3A_418 = arith.constant 0 : i32
      %dma_wait3A_419 = tpu.memref_slice %arg12[%run_scoped3A_391, %dma_wait3A_417, %dma_wait3A_418] : memref<3x80x128xf32, #tpu.memory_space<vmem>> -> memref<1x80x128xf32, #tpu.memory_space<vmem>>
      %dma_wait3A_420 = tpu.memref_squeeze %dma_wait3A_419 : memref<1x80x128xf32, #tpu.memory_space<vmem>> -> memref<80x128xf32, #tpu.memory_space<vmem>>
      %dma_wait3A_421 = arith.constant 0 : i32
      %dma_wait3A_422 = tpu.memref_slice %arg16[%add3A_390, %dma_wait3A_421] : memref<10000x128xf32, #tpu.memory_space<vmem_shared>> -> memref<80x128xf32, #tpu.memory_space<vmem_shared>>
      %dma_wait3A_423 = arith.constant 0 : i32
      %dma_wait3A_424 = arith.constant 0 : i32
      %dma_wait3A_425 = tpu.memref_slice %arg12[%run_scoped3A_391, %dma_wait3A_423, %dma_wait3A_424] : memref<3x80x128xf32, #tpu.memory_space<vmem>> -> memref<1x80x128xf32, #tpu.memory_space<vmem>>
      %dma_wait3A_426 = tpu.memref_squeeze %dma_wait3A_425 : memref<1x80x128xf32, #tpu.memory_space<vmem>> -> memref<80x128xf32, #tpu.memory_space<vmem>>
      %dma_wait3A_427 = arith.constant 0 : i32
      %dma_wait3A_428 = tpu.memref_slice %arg16[%add3A_390, %dma_wait3A_427] : memref<10000x128xf32, #tpu.memory_space<vmem_shared>> -> memref<80x128xf32, #tpu.memory_space<vmem_shared>>
      tpu.wait_dma2 semaphore(%run_scoped3A_404 : memref<!tpu.dma_semaphore, #tpu.memory_space<semaphore_mem>>) src(%dma_wait3A_428 : memref<80x128xf32, #tpu.memory_space<vmem_shared>>) dst(%dma_wait3A_426 : memref<80x128xf32, #tpu.memory_space<vmem>>)
      tpu.yield
    }) : () -> ()
    %run_scoped3A_392 = arith.constant 0 : i32
    "tpu.region"() ({
      %run_scoped3A_404 = tpu.sem_alloc : memref<!tpu.dma_semaphore, #tpu.memory_space<semaphore_mem>>
      %dma_start3A_405 = arith.constant 0 : i32
      %dma_start3A_406 = arith.constant 0 : i32
      %dma_start3A_407 = tpu.memref_slice %arg12[%run_scoped3A_392, %dma_start3A_405, %dma_start3A_406] : memref<3x80x128xf32, #tpu.memory_space<vmem>> -> memref<1x80x128xf32, #tpu.memory_space<vmem>>
      %dma_start3A_408 = tpu.memref_squeeze %dma_start3A_407 : memref<1x80x128xf32, #tpu.memory_space<vmem>> -> memref<80x128xf32, #tpu.memory_space<vmem>>
      %dma_start3A_409 = arith.constant 0 : i32
      %dma_start3A_410 = tpu.memref_slice %arg8[%arg0, %add3A_390, %dma_start3A_409] : memref<2x10000x128xf32, #tpu.memory_space<hbm>> -> memref<1x80x128xf32, #tpu.memory_space<hbm>>
      %dma_start3A_411 = tpu.memref_squeeze %dma_start3A_410 : memref<1x80x128xf32, #tpu.memory_space<hbm>> -> memref<80x128xf32, #tpu.memory_space<hbm>>
      %dma_start3A_412 = arith.constant 0 : i32
      %dma_start3A_413 = tpu.memref_slice %arg8[%arg0, %add3A_390, %dma_start3A_412] : memref<2x10000x128xf32, #tpu.memory_space<hbm>> -> memref<1x80x128xf32, #tpu.memory_space<hbm>>
      %dma_start3A_414 = tpu.memref_squeeze %dma_start3A_413 : memref<1x80x128xf32, #tpu.memory_space<hbm>> -> memref<80x128xf32, #tpu.memory_space<hbm>>
      %dma_start3A_415 = arith.constant 0 : i32
      %dma_start3A_416 = arith.constant 0 : i32
      %dma_start3A_417 = tpu.memref_slice %arg12[%run_scoped3A_392, %dma_start3A_415, %dma_start3A_416] : memref<3x80x128xf32, #tpu.memory_space<vmem>> -> memref<1x80x128xf32, #tpu.memory_space<vmem>>
      %dma_start3A_418 = tpu.memref_squeeze %dma_start3A_417 : memref<1x80x128xf32, #tpu.memory_space<vmem>> -> memref<80x128xf32, #tpu.memory_space<vmem>>
      tpu.enqueue_dma source(%dma_start3A_418 : memref<80x128xf32, #tpu.memory_space<vmem>>) target(%dma_start3A_414 : memref<80x128xf32, #tpu.memory_space<hbm>>) target_semaphore(%run_scoped3A_404 : memref<!tpu.dma_semaphore, #tpu.memory_space<semaphore_mem>>)
      %dma_wait3A_419 = arith.constant 0 : i32
      %dma_wait3A_420 = arith.constant 0 : i32
      %dma_wait3A_421 = tpu.memref_slice %arg12[%run_scoped3A_392, %dma_wait3A_419, %dma_wait3A_420] : memref<3x80x128xf32, #tpu.memory_space<vmem>> -> memref<1x80x128xf32, #tpu.memory_space<vmem>>
      %dma_wait3A_422 = tpu.memref_squeeze %dma_wait3A_421 : memref<1x80x128xf32, #tpu.memory_space<vmem>> -> memref<80x128xf32, #tpu.memory_space<vmem>>
      %dma_wait3A_423 = arith.constant 0 : i32
      %dma_wait3A_424 = tpu.memref_slice %arg8[%arg0, %add3A_390, %dma_wait3A_423] : memref<2x10000x128xf32, #tpu.memory_space<hbm>> -> memref<1x80x128xf32, #tpu.memory_space<hbm>>
      %dma_wait3A_425 = tpu.memref_squeeze %dma_wait3A_424 : memref<1x80x128xf32, #tpu.memory_space<hbm>> -> memref<80x128xf32, #tpu.memory_space<hbm>>
      %dma_wait3A_426 = arith.constant 0 : i32
      %dma_wait3A_427 = tpu.memref_slice %arg8[%arg0, %add3A_390, %dma_wait3A_426] : memref<2x10000x128xf32, #tpu.memory_space<hbm>> -> memref<1x80x128xf32, #tpu.memory_space<hbm>>
      %dma_wait3A_428 = tpu.memref_squeeze %dma_wait3A_427 : memref<1x80x128xf32, #tpu.memory_space<hbm>> -> memref<80x128xf32, #tpu.memory_space<hbm>>
      %dma_wait3A_429 = arith.constant 0 : i32
      %dma_wait3A_430 = arith.constant 0 : i32
      %dma_wait3A_431 = tpu.memref_slice %arg12[%run_scoped3A_392, %dma_wait3A_429, %dma_wait3A_430] : memref<3x80x128xf32, #tpu.memory_space<vmem>> -> memref<1x80x128xf32, #tpu.memory_space<vmem>>
      %dma_wait3A_432 = tpu.memref_squeeze %dma_wait3A_431 : memref<1x80x128xf32, #tpu.memory_space<vmem>> -> memref<80x128xf32, #tpu.memory_space<vmem>>
      tpu.wait_dma2 semaphore(%run_scoped3A_404 : memref<!tpu.dma_semaphore, #tpu.memory_space<semaphore_mem>>) src(%dma_wait3A_432 : memref<80x128xf32, #tpu.memory_space<vmem>>) dst(%dma_wait3A_428 : memref<80x128xf32, #tpu.memory_space<hbm>>)
      tpu.yield
    }) : () -> ()
    %mul3A_393 = arith.constant 624 : i32
    %mul3A_394 = arith.muli %arg1, %mul3A_393 : i32
    %add3A_395 = arith.constant 560 : i32
    %add3A_396 = arith.addi %mul3A_394, %add3A_395 : i32
    %run_scoped3A_397 = arith.constant 0 : i32
    "tpu.region"() ({
      %run_scoped3A_404 = tpu.sem_alloc : memref<!tpu.dma_semaphore, #tpu.memory_space<semaphore_mem>>
      %dma_start3A_405 = arith.constant 0 : i32
      %dma_start3A_406 = arith.constant 0 : i32
      %dma_start3A_407 = tpu.memref_slice %arg12[%run_scoped3A_397, %dma_start3A_405, %dma_start3A_406] : memref<3x80x128xf32, #tpu.memory_space<vmem>> -> memref<1x80x128xf32, #tpu.memory_space<vmem>>
      %dma_start3A_408 = tpu.memref_squeeze %dma_start3A_407 : memref<1x80x128xf32, #tpu.memory_space<vmem>> -> memref<80x128xf32, #tpu.memory_space<vmem>>
      %dma_start3A_409 = arith.constant 0 : i32
      %dma_start3A_410 = arith.constant 0 : i32
      %dma_start3A_411 = tpu.memref_slice %dma_start3A_408[%dma_start3A_409, %dma_start3A_410] : memref<80x128xf32, #tpu.memory_space<vmem>> -> memref<64x128xf32, #tpu.memory_space<vmem>>
      %dma_start3A_412 = arith.constant 0 : i32
      %dma_start3A_413 = tpu.memref_slice %arg16[%add3A_396, %dma_start3A_412] : memref<10000x128xf32, #tpu.memory_space<vmem_shared>> -> memref<64x128xf32, #tpu.memory_space<vmem_shared>>
      %dma_start3A_414 = arith.constant 0 : i32
      %dma_start3A_415 = arith.constant 0 : i32
      %dma_start3A_416 = tpu.memref_slice %arg12[%run_scoped3A_397, %dma_start3A_414, %dma_start3A_415] : memref<3x80x128xf32, #tpu.memory_space<vmem>> -> memref<1x80x128xf32, #tpu.memory_space<vmem>>
      %dma_start3A_417 = tpu.memref_squeeze %dma_start3A_416 : memref<1x80x128xf32, #tpu.memory_space<vmem>> -> memref<80x128xf32, #tpu.memory_space<vmem>>
      %dma_start3A_418 = arith.constant 0 : i32
      %dma_start3A_419 = arith.constant 0 : i32
      %dma_start3A_420 = tpu.memref_slice %dma_start3A_417[%dma_start3A_418, %dma_start3A_419] : memref<80x128xf32, #tpu.memory_space<vmem>> -> memref<64x128xf32, #tpu.memory_space<vmem>>
      %dma_start3A_421 = arith.constant 0 : i32
      %dma_start3A_422 = tpu.memref_slice %arg16[%add3A_396, %dma_start3A_421] : memref<10000x128xf32, #tpu.memory_space<vmem_shared>> -> memref<64x128xf32, #tpu.memory_space<vmem_shared>>
      tpu.enqueue_dma source(%dma_start3A_422 : memref<64x128xf32, #tpu.memory_space<vmem_shared>>) target(%dma_start3A_420 : memref<64x128xf32, #tpu.memory_space<vmem>>) target_semaphore(%run_scoped3A_404 : memref<!tpu.dma_semaphore, #tpu.memory_space<semaphore_mem>>)
      %dma_wait3A_423 = arith.constant 0 : i32
      %dma_wait3A_424 = arith.constant 0 : i32
      %dma_wait3A_425 = tpu.memref_slice %arg12[%run_scoped3A_397, %dma_wait3A_423, %dma_wait3A_424] : memref<3x80x128xf32, #tpu.memory_space<vmem>> -> memref<1x80x128xf32, #tpu.memory_space<vmem>>
      %dma_wait3A_426 = tpu.memref_squeeze %dma_wait3A_425 : memref<1x80x128xf32, #tpu.memory_space<vmem>> -> memref<80x128xf32, #tpu.memory_space<vmem>>
      %dma_wait3A_427 = arith.constant 0 : i32
      %dma_wait3A_428 = arith.constant 0 : i32
      %dma_wait3A_429 = tpu.memref_slice %dma_wait3A_426[%dma_wait3A_427, %dma_wait3A_428] : memref<80x128xf32, #tpu.memory_space<vmem>> -> memref<64x128xf32, #tpu.memory_space<vmem>>
      %dma_wait3A_430 = arith.constant 0 : i32
      %dma_wait3A_431 = tpu.memref_slice %arg16[%add3A_396, %dma_wait3A_430] : memref<10000x128xf32, #tpu.memory_space<vmem_shared>> -> memref<64x128xf32, #tpu.memory_space<vmem_shared>>
      %dma_wait3A_432 = arith.constant 0 : i32
      %dma_wait3A_433 = arith.constant 0 : i32
      %dma_wait3A_434 = tpu.memref_slice %arg12[%run_scoped3A_397, %dma_wait3A_432, %dma_wait3A_433] : memref<3x80x128xf32, #tpu.memory_space<vmem>> -> memref<1x80x128xf32, #tpu.memory_space<vmem>>
      %dma_wait3A_435 = tpu.memref_squeeze %dma_wait3A_434 : memref<1x80x128xf32, #tpu.memory_space<vmem>> -> memref<80x128xf32, #tpu.memory_space<vmem>>
      %dma_wait3A_436 = arith.constant 0 : i32
      %dma_wait3A_437 = arith.constant 0 : i32
      %dma_wait3A_438 = tpu.memref_slice %dma_wait3A_435[%dma_wait3A_436, %dma_wait3A_437] : memref<80x128xf32, #tpu.memory_space<vmem>> -> memref<64x128xf32, #tpu.memory_space<vmem>>
      %dma_wait3A_439 = arith.constant 0 : i32
      %dma_wait3A_440 = tpu.memref_slice %arg16[%add3A_396, %dma_wait3A_439] : memref<10000x128xf32, #tpu.memory_space<vmem_shared>> -> memref<64x128xf32, #tpu.memory_space<vmem_shared>>
      tpu.wait_dma2 semaphore(%run_scoped3A_404 : memref<!tpu.dma_semaphore, #tpu.memory_space<semaphore_mem>>) src(%dma_wait3A_440 : memref<64x128xf32, #tpu.memory_space<vmem_shared>>) dst(%dma_wait3A_438 : memref<64x128xf32, #tpu.memory_space<vmem>>)
      tpu.yield
    }) : () -> ()
    %run_scoped3A_398 = arith.constant 0 : i32
    "tpu.region"() ({
      %run_scoped3A_404 = tpu.sem_alloc : memref<!tpu.dma_semaphore, #tpu.memory_space<semaphore_mem>>
      %dma_start3A_405 = arith.constant 0 : i32
      %dma_start3A_406 = arith.constant 0 : i32
      %dma_start3A_407 = tpu.memref_slice %arg12[%run_scoped3A_398, %dma_start3A_405, %dma_start3A_406] : memref<3x80x128xf32, #tpu.memory_space<vmem>> -> memref<1x80x128xf32, #tpu.memory_space<vmem>>
      %dma_start3A_408 = tpu.memref_squeeze %dma_start3A_407 : memref<1x80x128xf32, #tpu.memory_space<vmem>> -> memref<80x128xf32, #tpu.memory_space<vmem>>
      %dma_start3A_409 = arith.constant 0 : i32
      %dma_start3A_410 = arith.constant 0 : i32
      %dma_start3A_411 = tpu.memref_slice %dma_start3A_408[%dma_start3A_409, %dma_start3A_410] : memref<80x128xf32, #tpu.memory_space<vmem>> -> memref<64x128xf32, #tpu.memory_space<vmem>>
      %dma_start3A_412 = arith.constant 0 : i32
      %dma_start3A_413 = tpu.memref_slice %arg8[%arg0, %add3A_396, %dma_start3A_412] : memref<2x10000x128xf32, #tpu.memory_space<hbm>> -> memref<1x64x128xf32, #tpu.memory_space<hbm>>
      %dma_start3A_414 = tpu.memref_squeeze %dma_start3A_413 : memref<1x64x128xf32, #tpu.memory_space<hbm>> -> memref<64x128xf32, #tpu.memory_space<hbm>>
      %dma_start3A_415 = arith.constant 0 : i32
      %dma_start3A_416 = tpu.memref_slice %arg8[%arg0, %add3A_396, %dma_start3A_415] : memref<2x10000x128xf32, #tpu.memory_space<hbm>> -> memref<1x64x128xf32, #tpu.memory_space<hbm>>
      %dma_start3A_417 = tpu.memref_squeeze %dma_start3A_416 : memref<1x64x128xf32, #tpu.memory_space<hbm>> -> memref<64x128xf32, #tpu.memory_space<hbm>>
      %dma_start3A_418 = arith.constant 0 : i32
      %dma_start3A_419 = arith.constant 0 : i32
      %dma_start3A_420 = tpu.memref_slice %arg12[%run_scoped3A_398, %dma_start3A_418, %dma_start3A_419] : memref<3x80x128xf32, #tpu.memory_space<vmem>> -> memref<1x80x128xf32, #tpu.memory_space<vmem>>
      %dma_start3A_421 = tpu.memref_squeeze %dma_start3A_420 : memref<1x80x128xf32, #tpu.memory_space<vmem>> -> memref<80x128xf32, #tpu.memory_space<vmem>>
      %dma_start3A_422 = arith.constant 0 : i32
      %dma_start3A_423 = arith.constant 0 : i32
      %dma_start3A_424 = tpu.memref_slice %dma_start3A_421[%dma_start3A_422, %dma_start3A_423] : memref<80x128xf32, #tpu.memory_space<vmem>> -> memref<64x128xf32, #tpu.memory_space<vmem>>
      tpu.enqueue_dma source(%dma_start3A_424 : memref<64x128xf32, #tpu.memory_space<vmem>>) target(%dma_start3A_417 : memref<64x128xf32, #tpu.memory_space<hbm>>) target_semaphore(%run_scoped3A_404 : memref<!tpu.dma_semaphore, #tpu.memory_space<semaphore_mem>>)
      %dma_wait3A_425 = arith.constant 0 : i32
      %dma_wait3A_426 = arith.constant 0 : i32
      %dma_wait3A_427 = tpu.memref_slice %arg12[%run_scoped3A_398, %dma_wait3A_425, %dma_wait3A_426] : memref<3x80x128xf32, #tpu.memory_space<vmem>> -> memref<1x80x128xf32, #tpu.memory_space<vmem>>
      %dma_wait3A_428 = tpu.memref_squeeze %dma_wait3A_427 : memref<1x80x128xf32, #tpu.memory_space<vmem>> -> memref<80x128xf32, #tpu.memory_space<vmem>>
      %dma_wait3A_429 = arith.constant 0 : i32
      %dma_wait3A_430 = arith.constant 0 : i32
      %dma_wait3A_431 = tpu.memref_slice %dma_wait3A_428[%dma_wait3A_429, %dma_wait3A_430] : memref<80x128xf32, #tpu.memory_space<vmem>> -> memref<64x128xf32, #tpu.memory_space<vmem>>
      %dma_wait3A_432 = arith.constant 0 : i32
      %dma_wait3A_433 = tpu.memref_slice %arg8[%arg0, %add3A_396, %dma_wait3A_432] : memref<2x10000x128xf32, #tpu.memory_space<hbm>> -> memref<1x64x128xf32, #tpu.memory_space<hbm>>
      %dma_wait3A_434 = tpu.memref_squeeze %dma_wait3A_433 : memref<1x64x128xf32, #tpu.memory_space<hbm>> -> memref<64x128xf32, #tpu.memory_space<hbm>>
      %dma_wait3A_435 = arith.constant 0 : i32
      %dma_wait3A_436 = tpu.memref_slice %arg8[%arg0, %add3A_396, %dma_wait3A_435] : memref<2x10000x128xf32, #tpu.memory_space<hbm>> -> memref<1x64x128xf32, #tpu.memory_space<hbm>>
      %dma_wait3A_437 = tpu.memref_squeeze %dma_wait3A_436 : memref<1x64x128xf32, #tpu.memory_space<hbm>> -> memref<64x128xf32, #tpu.memory_space<hbm>>
      %dma_wait3A_438 = arith.constant 0 : i32
      %dma_wait3A_439 = arith.constant 0 : i32
      %dma_wait3A_440 = tpu.memref_slice %arg12[%run_scoped3A_398, %dma_wait3A_438, %dma_wait3A_439] : memref<3x80x128xf32, #tpu.memory_space<vmem>> -> memref<1x80x128xf32, #tpu.memory_space<vmem>>
      %dma_wait3A_441 = tpu.memref_squeeze %dma_wait3A_440 : memref<1x80x128xf32, #tpu.memory_space<vmem>> -> memref<80x128xf32, #tpu.memory_space<vmem>>
      %dma_wait3A_442 = arith.constant 0 : i32
      %dma_wait3A_443 = arith.constant 0 : i32
      %dma_wait3A_444 = tpu.memref_slice %dma_wait3A_441[%dma_wait3A_442, %dma_wait3A_443] : memref<80x128xf32, #tpu.memory_space<vmem>> -> memref<64x128xf32, #tpu.memory_space<vmem>>
      tpu.wait_dma2 semaphore(%run_scoped3A_404 : memref<!tpu.dma_semaphore, #tpu.memory_space<semaphore_mem>>) src(%dma_wait3A_444 : memref<64x128xf32, #tpu.memory_space<vmem>>) dst(%dma_wait3A_437 : memref<64x128xf32, #tpu.memory_space<hbm>>)
      tpu.yield
    }) : () -> ()
    %eq3A_399 = arith.constant 15 : i32
    %eq3A_400 = arith.cmpi eq, %arg1, %eq3A_399 : i32
    %convert_element_type3A_401 = arith.extui %eq3A_400 : i1 to i32
    %cond3A_402 = arith.constant 0 : i32
    %cond3A_403 = arith.cmpi ne, %convert_element_type3A_401, %cond3A_402 : i32
    scf.if %cond3A_403 {
      %run_scoped3A_404 = arith.constant 1 : i32
      "tpu.region"() ({
        %run_scoped3A_406 = tpu.sem_alloc : memref<!tpu.dma_semaphore, #tpu.memory_space<semaphore_mem>>
        %dma_start3A_407 = arith.constant 0 : i32
        %dma_start3A_408 = arith.constant 0 : i32
        %dma_start3A_409 = tpu.memref_slice %arg12[%run_scoped3A_404, %dma_start3A_407, %dma_start3A_408] : memref<3x80x128xf32, #tpu.memory_space<vmem>> -> memref<1x80x128xf32, #tpu.memory_space<vmem>>
        %dma_start3A_410 = tpu.memref_squeeze %dma_start3A_409 : memref<1x80x128xf32, #tpu.memory_space<vmem>> -> memref<80x128xf32, #tpu.memory_space<vmem>>
        %dma_start3A_411 = arith.constant 0 : i32
        %dma_start3A_412 = arith.constant 0 : i32
        %dma_start3A_413 = tpu.memref_slice %dma_start3A_410[%dma_start3A_411, %dma_start3A_412] : memref<80x128xf32, #tpu.memory_space<vmem>> -> memref<16x128xf32, #tpu.memory_space<vmem>>
        %dma_start3A_414 = arith.constant 9984 : i32
        %dma_start3A_415 = arith.constant 0 : i32
        %dma_start3A_416 = tpu.memref_slice %arg16[%dma_start3A_414, %dma_start3A_415] : memref<10000x128xf32, #tpu.memory_space<vmem_shared>> -> memref<16x128xf32, #tpu.memory_space<vmem_shared>>
        %dma_start3A_417 = arith.constant 0 : i32
        %dma_start3A_418 = arith.constant 0 : i32
        %dma_start3A_419 = tpu.memref_slice %arg12[%run_scoped3A_404, %dma_start3A_417, %dma_start3A_418] : memref<3x80x128xf32, #tpu.memory_space<vmem>> -> memref<1x80x128xf32, #tpu.memory_space<vmem>>
        %dma_start3A_420 = tpu.memref_squeeze %dma_start3A_419 : memref<1x80x128xf32, #tpu.memory_space<vmem>> -> memref<80x128xf32, #tpu.memory_space<vmem>>
        %dma_start3A_421 = arith.constant 0 : i32
        %dma_start3A_422 = arith.constant 0 : i32
        %dma_start3A_423 = tpu.memref_slice %dma_start3A_420[%dma_start3A_421, %dma_start3A_422] : memref<80x128xf32, #tpu.memory_space<vmem>> -> memref<16x128xf32, #tpu.memory_space<vmem>>
        %dma_start3A_424 = arith.constant 9984 : i32
        %dma_start3A_425 = arith.constant 0 : i32
        %dma_start3A_426 = tpu.memref_slice %arg16[%dma_start3A_424, %dma_start3A_425] : memref<10000x128xf32, #tpu.memory_space<vmem_shared>> -> memref<16x128xf32, #tpu.memory_space<vmem_shared>>
        tpu.enqueue_dma source(%dma_start3A_426 : memref<16x128xf32, #tpu.memory_space<vmem_shared>>) target(%dma_start3A_423 : memref<16x128xf32, #tpu.memory_space<vmem>>) target_semaphore(%run_scoped3A_406 : memref<!tpu.dma_semaphore, #tpu.memory_space<semaphore_mem>>)
        %dma_wait3A_427 = arith.constant 0 : i32
        %dma_wait3A_428 = arith.constant 0 : i32
        %dma_wait3A_429 = tpu.memref_slice %arg12[%run_scoped3A_404, %dma_wait3A_427, %dma_wait3A_428] : memref<3x80x128xf32, #tpu.memory_space<vmem>> -> memref<1x80x128xf32, #tpu.memory_space<vmem>>
        %dma_wait3A_430 = tpu.memref_squeeze %dma_wait3A_429 : memref<1x80x128xf32, #tpu.memory_space<vmem>> -> memref<80x128xf32, #tpu.memory_space<vmem>>
        %dma_wait3A_431 = arith.constant 0 : i32
        %dma_wait3A_432 = arith.constant 0 : i32
        %dma_wait3A_433 = tpu.memref_slice %dma_wait3A_430[%dma_wait3A_431, %dma_wait3A_432] : memref<80x128xf32, #tpu.memory_space<vmem>> -> memref<16x128xf32, #tpu.memory_space<vmem>>
        %dma_wait3A_434 = arith.constant 9984 : i32
        %dma_wait3A_435 = arith.constant 0 : i32
        %dma_wait3A_436 = tpu.memref_slice %arg16[%dma_wait3A_434, %dma_wait3A_435] : memref<10000x128xf32, #tpu.memory_space<vmem_shared>> -> memref<16x128xf32, #tpu.memory_space<vmem_shared>>
        %dma_wait3A_437 = arith.constant 0 : i32
        %dma_wait3A_438 = arith.constant 0 : i32
        %dma_wait3A_439 = tpu.memref_slice %arg12[%run_scoped3A_404, %dma_wait3A_437, %dma_wait3A_438] : memref<3x80x128xf32, #tpu.memory_space<vmem>> -> memref<1x80x128xf32, #tpu.memory_space<vmem>>
        %dma_wait3A_440 = tpu.memref_squeeze %dma_wait3A_439 : memref<1x80x128xf32, #tpu.memory_space<vmem>> -> memref<80x128xf32, #tpu.memory_space<vmem>>
        %dma_wait3A_441 = arith.constant 0 : i32
        %dma_wait3A_442 = arith.constant 0 : i32
        %dma_wait3A_443 = tpu.memref_slice %dma_wait3A_440[%dma_wait3A_441, %dma_wait3A_442] : memref<80x128xf32, #tpu.memory_space<vmem>> -> memref<16x128xf32, #tpu.memory_space<vmem>>
        %dma_wait3A_444 = arith.constant 9984 : i32
        %dma_wait3A_445 = arith.constant 0 : i32
        %dma_wait3A_446 = tpu.memref_slice %arg16[%dma_wait3A_444, %dma_wait3A_445] : memref<10000x128xf32, #tpu.memory_space<vmem_shared>> -> memref<16x128xf32, #tpu.memory_space<vmem_shared>>
        tpu.wait_dma2 semaphore(%run_scoped3A_406 : memref<!tpu.dma_semaphore, #tpu.memory_space<semaphore_mem>>) src(%dma_wait3A_446 : memref<16x128xf32, #tpu.memory_space<vmem_shared>>) dst(%dma_wait3A_443 : memref<16x128xf32, #tpu.memory_space<vmem>>)
        tpu.yield
      }) : () -> ()
      %run_scoped3A_405 = arith.constant 1 : i32
      "tpu.region"() ({
        %run_scoped3A_406 = tpu.sem_alloc : memref<!tpu.dma_semaphore, #tpu.memory_space<semaphore_mem>>
        %dma_start3A_407 = arith.constant 0 : i32
        %dma_start3A_408 = arith.constant 0 : i32
        %dma_start3A_409 = tpu.memref_slice %arg12[%run_scoped3A_405, %dma_start3A_407, %dma_start3A_408] : memref<3x80x128xf32, #tpu.memory_space<vmem>> -> memref<1x80x128xf32, #tpu.memory_space<vmem>>
        %dma_start3A_410 = tpu.memref_squeeze %dma_start3A_409 : memref<1x80x128xf32, #tpu.memory_space<vmem>> -> memref<80x128xf32, #tpu.memory_space<vmem>>
        %dma_start3A_411 = arith.constant 0 : i32
        %dma_start3A_412 = arith.constant 0 : i32
        %dma_start3A_413 = tpu.memref_slice %dma_start3A_410[%dma_start3A_411, %dma_start3A_412] : memref<80x128xf32, #tpu.memory_space<vmem>> -> memref<16x128xf32, #tpu.memory_space<vmem>>
        %dma_start3A_414 = arith.constant 9984 : i32
        %dma_start3A_415 = arith.constant 0 : i32
        %dma_start3A_416 = tpu.memref_slice %arg8[%arg0, %dma_start3A_414, %dma_start3A_415] : memref<2x10000x128xf32, #tpu.memory_space<hbm>> -> memref<1x16x128xf32, #tpu.memory_space<hbm>>
        %dma_start3A_417 = tpu.memref_squeeze %dma_start3A_416 : memref<1x16x128xf32, #tpu.memory_space<hbm>> -> memref<16x128xf32, #tpu.memory_space<hbm>>
        %dma_start3A_418 = arith.constant 9984 : i32
        %dma_start3A_419 = arith.constant 0 : i32
        %dma_start3A_420 = tpu.memref_slice %arg8[%arg0, %dma_start3A_418, %dma_start3A_419] : memref<2x10000x128xf32, #tpu.memory_space<hbm>> -> memref<1x16x128xf32, #tpu.memory_space<hbm>>
        %dma_start3A_421 = tpu.memref_squeeze %dma_start3A_420 : memref<1x16x128xf32, #tpu.memory_space<hbm>> -> memref<16x128xf32, #tpu.memory_space<hbm>>
        %dma_start3A_422 = arith.constant 0 : i32
        %dma_start3A_423 = arith.constant 0 : i32
        %dma_start3A_424 = tpu.memref_slice %arg12[%run_scoped3A_405, %dma_start3A_422, %dma_start3A_423] : memref<3x80x128xf32, #tpu.memory_space<vmem>> -> memref<1x80x128xf32, #tpu.memory_space<vmem>>
        %dma_start3A_425 = tpu.memref_squeeze %dma_start3A_424 : memref<1x80x128xf32, #tpu.memory_space<vmem>> -> memref<80x128xf32, #tpu.memory_space<vmem>>
        %dma_start3A_426 = arith.constant 0 : i32
        %dma_start3A_427 = arith.constant 0 : i32
        %dma_start3A_428 = tpu.memref_slice %dma_start3A_425[%dma_start3A_426, %dma_start3A_427] : memref<80x128xf32, #tpu.memory_space<vmem>> -> memref<16x128xf32, #tpu.memory_space<vmem>>
        tpu.enqueue_dma source(%dma_start3A_428 : memref<16x128xf32, #tpu.memory_space<vmem>>) target(%dma_start3A_421 : memref<16x128xf32, #tpu.memory_space<hbm>>) target_semaphore(%run_scoped3A_406 : memref<!tpu.dma_semaphore, #tpu.memory_space<semaphore_mem>>)
        %dma_wait3A_429 = arith.constant 0 : i32
        %dma_wait3A_430 = arith.constant 0 : i32
        %dma_wait3A_431 = tpu.memref_slice %arg12[%run_scoped3A_405, %dma_wait3A_429, %dma_wait3A_430] : memref<3x80x128xf32, #tpu.memory_space<vmem>> -> memref<1x80x128xf32, #tpu.memory_space<vmem>>
        %dma_wait3A_432 = tpu.memref_squeeze %dma_wait3A_431 : memref<1x80x128xf32, #tpu.memory_space<vmem>> -> memref<80x128xf32, #tpu.memory_space<vmem>>
        %dma_wait3A_433 = arith.constant 0 : i32
        %dma_wait3A_434 = arith.constant 0 : i32
        %dma_wait3A_435 = tpu.memref_slice %dma_wait3A_432[%dma_wait3A_433, %dma_wait3A_434] : memref<80x128xf32, #tpu.memory_space<vmem>> -> memref<16x128xf32, #tpu.memory_space<vmem>>
        %dma_wait3A_436 = arith.constant 9984 : i32
        %dma_wait3A_437 = arith.constant 0 : i32
        %dma_wait3A_438 = tpu.memref_slice %arg8[%arg0, %dma_wait3A_436, %dma_wait3A_437] : memref<2x10000x128xf32, #tpu.memory_space<hbm>> -> memref<1x16x128xf32, #tpu.memory_space<hbm>>
        %dma_wait3A_439 = tpu.memref_squeeze %dma_wait3A_438 : memref<1x16x128xf32, #tpu.memory_space<hbm>> -> memref<16x128xf32, #tpu.memory_space<hbm>>
        %dma_wait3A_440 = arith.constant 9984 : i32
        %dma_wait3A_441 = arith.constant 0 : i32
        %dma_wait3A_442 = tpu.memref_slice %arg8[%arg0, %dma_wait3A_440, %dma_wait3A_441] : memref<2x10000x128xf32, #tpu.memory_space<hbm>> -> memref<1x16x128xf32, #tpu.memory_space<hbm>>
        %dma_wait3A_443 = tpu.memref_squeeze %dma_wait3A_442 : memref<1x16x128xf32, #tpu.memory_space<hbm>> -> memref<16x128xf32, #tpu.memory_space<hbm>>
        %dma_wait3A_444 = arith.constant 0 : i32
        %dma_wait3A_445 = arith.constant 0 : i32
        %dma_wait3A_446 = tpu.memref_slice %arg12[%run_scoped3A_405, %dma_wait3A_444, %dma_wait3A_445] : memref<3x80x128xf32, #tpu.memory_space<vmem>> -> memref<1x80x128xf32, #tpu.memory_space<vmem>>
        %dma_wait3A_447 = tpu.memref_squeeze %dma_wait3A_446 : memref<1x80x128xf32, #tpu.memory_space<vmem>> -> memref<80x128xf32, #tpu.memory_space<vmem>>
        %dma_wait3A_448 = arith.constant 0 : i32
        %dma_wait3A_449 = arith.constant 0 : i32
        %dma_wait3A_450 = tpu.memref_slice %dma_wait3A_447[%dma_wait3A_448, %dma_wait3A_449] : memref<80x128xf32, #tpu.memory_space<vmem>> -> memref<16x128xf32, #tpu.memory_space<vmem>>
        tpu.wait_dma2 semaphore(%run_scoped3A_406 : memref<!tpu.dma_semaphore, #tpu.memory_space<semaphore_mem>>) src(%dma_wait3A_450 : memref<16x128xf32, #tpu.memory_space<vmem>>) dst(%dma_wait3A_443 : memref<16x128xf32, #tpu.memory_space<hbm>>)
        tpu.yield
      }) : () -> ()
    } else {
    }
    return
  }
}

module attributes {stable_mosaic.version = 14 : i64} {
  func.func @_dec_body(%arg0: i32, %arg1: memref<1000x128xf32, #tpu.memory_space<vmem>>, %arg2: memref<2x1000x128xf32, #tpu.memory_space<vmem>>, %arg3: memref<128x128xf32, #tpu.memory_space<vmem>>, %arg4: memref<1x128xf32, #tpu.memory_space<vmem>>, %arg5: memref<1000x128xf32, #tpu.memory_space<vmem>>) attributes {dimension_semantics = [#tpu.dimension_semantics<arbitrary>], iteration_bounds = array<i64: 10>, scalar_prefetch = 0 : i64, scratch_operands = 0 : i64, tpu.core_type = #tpu.core_type<tc>, window_params = [{transform_indices = @transform_0, window_bounds = array<i64: 1000, 128>}, {transform_indices = @transform_1, window_bounds = array<i64: 2, 1000, 128>}, {pipeline_mode = #tpu.pipeline_mode<synchronous>, transform_indices = @transform_2, window_bounds = array<i64: 128, 128>}, {pipeline_mode = #tpu.pipeline_mode<synchronous>, transform_indices = @transform_3, window_bounds = array<i64: 1, 128>}, {transform_indices = @transform_4, window_bounds = array<i64: 1000, 128>}]} {
    %get3A = arith.constant 0 : index
    %get3A_0 = arith.constant 0 : index
    %get3A_1 = vector.load %arg1[%get3A, %get3A_0] : memref<1000x128xf32, #tpu.memory_space<vmem>>, vector<1000x128xf32>
    %get3A_2 = arith.constant 0 : index
    %get3A_3 = arith.constant 0 : index
    %get3A_4 = arith.constant 0 : index
    %get3A_5 = vector.load %arg2[%get3A_2, %get3A_3, %get3A_4] : memref<2x1000x128xf32, #tpu.memory_space<vmem>>, vector<1x1000x128xf32>
    %get3A_6 = vector.shape_cast %get3A_5 : vector<1x1000x128xf32> to vector<1000x128xf32>
    %add3A = arith.addf %get3A_1, %get3A_6 : vector<1000x128xf32>
    %get3A_7 = arith.constant 1 : index
    %get3A_8 = arith.constant 0 : index
    %get3A_9 = arith.constant 0 : index
    %get3A_10 = vector.load %arg2[%get3A_7, %get3A_8, %get3A_9] : memref<2x1000x128xf32, #tpu.memory_space<vmem>>, vector<1x1000x128xf32>
    %get3A_11 = vector.shape_cast %get3A_10 : vector<1x1000x128xf32> to vector<1000x128xf32>
    %add3A_12 = arith.addf %add3A, %get3A_11 : vector<1000x128xf32>
    %get3A_13 = arith.constant 0 : index
    %get3A_14 = arith.constant 0 : index
    %get3A_15 = vector.load %arg3[%get3A_13, %get3A_14] : memref<128x128xf32, #tpu.memory_space<vmem>>, vector<128x128xf32>
    %dot_general3A = arith.constant dense<0.000000e+00> : vector<1000x128xf32>
    %dot_general3A_16 = tpu.matmul %add3A_12, %get3A_15, %dot_general3A {dimension_numbers = #tpu.dot_dimension_numbers<[1], [0], [0], [1], [0, 0, 1, 1], [], []>, transpose_lhs_hint = false} : vector<1000x128xf32>, vector<128x128xf32>, vector<1000x128xf32> -> vector<1000x128xf32>
    %get3A_17 = arith.constant 0 : index
    %get3A_18 = arith.constant 0 : index
    %get3A_19 = vector.load %arg4[%get3A_17, %get3A_18] : memref<1x128xf32, #tpu.memory_space<vmem>>, vector<1x128xf32>
    %add3A_20 = vector.broadcast %get3A_19 : vector<1x128xf32> to vector<1000x128xf32>
    %add3A_21 = arith.addf %dot_general3A_16, %add3A_20 : vector<1000x128xf32>
    %max3A = arith.constant 0.000000e+00 : f32
    %max3A_22 = vector.broadcast %max3A : f32 to vector<1000x128xf32>
    %max3A_23 = arith.maximumf %add3A_21, %max3A_22 : vector<1000x128xf32>
    %swap3A = arith.constant 0 : index
    %swap3A_24 = arith.constant 0 : index
    %swap3A_25 = vector.load %arg5[%swap3A, %swap3A_24] : memref<1000x128xf32, #tpu.memory_space<vmem>>, vector<1000x128xf32>
    tpu.vector_store %arg5[%swap3A, %swap3A_24], %max3A_23 {strides = array<i32>} : memref<1000x128xf32, #tpu.memory_space<vmem>>, vector<1000x128xf32>,
    return
  }
  func.func @transform_0(%arg0: i32) -> (i32, i32) {
    %c0_i32 = arith.constant 0 : i32
    %c0_i32_0 = arith.constant 0 : i32
    return %arg0, %c0_i32 : i32, i32
  }
  func.func @transform_1(%arg0: i32) -> (i32, i32, i32) {
    %c0_i32 = arith.constant 0 : i32
    %c0_i32_0 = arith.constant 0 : i32
    %c0_i32_1 = arith.constant 0 : i32
    return %c0_i32, %arg0, %c0_i32_0 : i32, i32, i32
  }
  func.func @transform_2(%arg0: i32) -> (i32, i32) {
    %c0_i32 = arith.constant 0 : i32
    %c0_i32_0 = arith.constant 0 : i32
    %c0_i32_1 = arith.constant 0 : i32
    return %c0_i32, %c0_i32_0 : i32, i32
  }
  func.func @transform_3(%arg0: i32) -> (i32, i32) {
    %c0_i32 = arith.constant 0 : i32
    %c0_i32_0 = arith.constant 0 : i32
    %c0_i32_1 = arith.constant 0 : i32
    return %c0_i32, %c0_i32_0 : i32, i32
  }
  func.func @transform_4(%arg0: i32) -> (i32, i32) {
    %c0_i32 = arith.constant 0 : i32
    %c0_i32_0 = arith.constant 0 : i32
    return %arg0, %c0_i32 : i32, i32
  }
}

module attributes {stable_mosaic.version = 14 : i64} {
  func.func @_enc_body(%arg0: i32, %arg1: memref<1000x128xf32, #tpu.memory_space<vmem>>, %arg2: memref<128x128xf32, #tpu.memory_space<vmem>>, %arg3: memref<1x128xf32, #tpu.memory_space<vmem>>, %arg4: memref<128x8xf32, #tpu.memory_space<vmem>>, %arg5: memref<1x8xf32, #tpu.memory_space<vmem>>, %arg6: memref<1000x128xf32, #tpu.memory_space<vmem>>, %arg7: memref<1000x16xf32, #tpu.memory_space<vmem>>, %arg8: memref<1000x16xf32, #tpu.memory_space<vmem>>) attributes {dimension_semantics = [#tpu.dimension_semantics<arbitrary>], iteration_bounds = array<i64: 10>, scalar_prefetch = 0 : i64, scratch_operands = 0 : i64, tpu.core_type = #tpu.core_type<tc>, window_params = [{transform_indices = @transform_0, window_bounds = array<i64: 1000, 128>}, {pipeline_mode = #tpu.pipeline_mode<synchronous>, transform_indices = @transform_1, window_bounds = array<i64: 128, 128>}, {pipeline_mode = #tpu.pipeline_mode<synchronous>, transform_indices = @transform_2, window_bounds = array<i64: 1, 128>}, {pipeline_mode = #tpu.pipeline_mode<synchronous>, transform_indices = @transform_3, window_bounds = array<i64: 128, 8>}, {pipeline_mode = #tpu.pipeline_mode<synchronous>, transform_indices = @transform_4, window_bounds = array<i64: 1, 8>}, {transform_indices = @transform_5, window_bounds = array<i64: 1000, 128>}, {transform_indices = @transform_6, window_bounds = array<i64: 1000, 16>}, {transform_indices = @transform_7, window_bounds = array<i64: 1000, 16>}]} {
    %get3A = arith.constant 0 : index
    %get3A_0 = arith.constant 0 : index
    %get3A_1 = vector.load %arg1[%get3A, %get3A_0] : memref<1000x128xf32, #tpu.memory_space<vmem>>, vector<1000x128xf32>
    %get3A_2 = arith.constant 0 : index
    %get3A_3 = arith.constant 0 : index
    %get3A_4 = vector.load %arg2[%get3A_2, %get3A_3] : memref<128x128xf32, #tpu.memory_space<vmem>>, vector<128x128xf32>
    %dot_general3A = arith.constant dense<0.000000e+00> : vector<1000x128xf32>
    %dot_general3A_5 = tpu.matmul %get3A_1, %get3A_4, %dot_general3A {dimension_numbers = #tpu.dot_dimension_numbers<[1], [0], [0], [1], [0, 0, 1, 1], [], []>, transpose_lhs_hint = false} : vector<1000x128xf32>, vector<128x128xf32>, vector<1000x128xf32> -> vector<1000x128xf32>
    %get3A_6 = arith.constant 0 : index
    %get3A_7 = arith.constant 0 : index
    %get3A_8 = vector.load %arg3[%get3A_6, %get3A_7] : memref<1x128xf32, #tpu.memory_space<vmem>>, vector<1x128xf32>
    %add3A = vector.broadcast %get3A_8 : vector<1x128xf32> to vector<1000x128xf32>
    %add3A_9 = arith.addf %dot_general3A_5, %add3A : vector<1000x128xf32>
    %max3A = arith.constant 0.000000e+00 : f32
    %max3A_10 = vector.broadcast %max3A : f32 to vector<1000x128xf32>
    %max3A_11 = arith.maximumf %add3A_9, %max3A_10 : vector<1000x128xf32>
    %get3A_12 = arith.constant 0 : index
    %get3A_13 = arith.constant 0 : index
    %get3A_14 = vector.load %arg4[%get3A_12, %get3A_13] : memref<128x8xf32, #tpu.memory_space<vmem>>, vector<128x8xf32>
    %dot_general3A_15 = arith.constant dense<0.000000e+00> : vector<1000x8xf32>
    %dot_general3A_16 = tpu.matmul %max3A_11, %get3A_14, %dot_general3A_15 {dimension_numbers = #tpu.dot_dimension_numbers<[1], [0], [0], [1], [0, 0, 1, 1], [], []>, transpose_lhs_hint = false} : vector<1000x128xf32>, vector<128x8xf32>, vector<1000x8xf32> -> vector<1000x8xf32>
    %get3A_17 = arith.constant 0 : index
    %get3A_18 = arith.constant 0 : index
    %get3A_19 = vector.load %arg5[%get3A_17, %get3A_18] : memref<1x8xf32, #tpu.memory_space<vmem>>, vector<1x8xf32>
    %add3A_20 = vector.broadcast %get3A_19 : vector<1x8xf32> to vector<1000x8xf32>
    %add3A_21 = arith.addf %dot_general3A_16, %add3A_20 : vector<1000x8xf32>
    %slice3A = vector.extract_strided_slice %add3A_21 {offsets = [0, 0], sizes = [1000, 4], strides = [1, 1]} : vector<1000x8xf32> to vector<1000x4xf32>
    %slice3A_22 = vector.extract_strided_slice %add3A_21 {offsets = [0, 4], sizes = [1000, 4], strides = [1, 1]} : vector<1000x8xf32> to vector<1000x4xf32>
    %reduce_max3A = arith.constant dense<0xFF800000> : vector<1000xf32>
    %reduce_max3A_23 = vector.multi_reduction <maximumf>, %slice3A, %reduce_max3A [1] : vector<1000x4xf32> to vector<1000xf32>
    %broadcast_in_dim3A = vector.shape_cast %reduce_max3A_23 : vector<1000xf32> to vector<1000x1xf32>
    %sub3A = vector.broadcast %broadcast_in_dim3A : vector<1000x1xf32> to vector<1000x4xf32>
    %sub3A_24 = arith.subf %slice3A, %sub3A : vector<1000x4xf32>
    %exp3A = math.exp %sub3A_24 : vector<1000x4xf32>
    %reduce_max3A_25 = arith.constant dense<0xFF800000> : vector<1000xf32>
    %reduce_max3A_26 = vector.multi_reduction <maximumf>, %slice3A_22, %reduce_max3A_25 [1] : vector<1000x4xf32> to vector<1000xf32>
    %broadcast_in_dim3A_27 = vector.shape_cast %reduce_max3A_26 : vector<1000xf32> to vector<1000x1xf32>
    %sub3A_28 = vector.broadcast %broadcast_in_dim3A_27 : vector<1000x1xf32> to vector<1000x4xf32>
    %sub3A_29 = arith.subf %slice3A_22, %sub3A_28 : vector<1000x4xf32>
    %exp3A_30 = math.exp %sub3A_29 : vector<1000x4xf32>
    %swap3A = arith.constant 0 : index
    %swap3A_31 = arith.constant 0 : index
    %swap3A_32 = vector.load %arg6[%swap3A, %swap3A_31] : memref<1000x128xf32, #tpu.memory_space<vmem>>, vector<1000x128xf32>
    tpu.vector_store %arg6[%swap3A, %swap3A_31], %max3A_11 {strides = array<i32>} : memref<1000x128xf32, #tpu.memory_space<vmem>>, vector<1000x128xf32>,
    %broadcast_in_dim3A_33 = arith.constant 0.000000e+00 : f32
    %broadcast_in_dim3A_34 = vector.broadcast %broadcast_in_dim3A_33 : f32 to vector<1000x12xf32>
    %concatenate3A = tpu.concatenate %exp3A, %broadcast_in_dim3A_34 in 1 : vector<1000x4xf32>, vector<1000x12xf32> -> vector<1000x16xf32>
    %swap3A_35 = arith.constant 0 : index
    %swap3A_36 = arith.constant 0 : index
    %swap3A_37 = vector.load %arg7[%swap3A_35, %swap3A_36] : memref<1000x16xf32, #tpu.memory_space<vmem>>, vector<1000x16xf32>
    tpu.vector_store %arg7[%swap3A_35, %swap3A_36], %concatenate3A {strides = array<i32>} : memref<1000x16xf32, #tpu.memory_space<vmem>>, vector<1000x16xf32>,
    %concatenate3A_38 = tpu.concatenate %exp3A_30, %broadcast_in_dim3A_34 in 1 : vector<1000x4xf32>, vector<1000x12xf32> -> vector<1000x16xf32>
    %swap3A_39 = arith.constant 0 : index
    %swap3A_40 = arith.constant 0 : index
    %swap3A_41 = vector.load %arg8[%swap3A_39, %swap3A_40] : memref<1000x16xf32, #tpu.memory_space<vmem>>, vector<1000x16xf32>
    tpu.vector_store %arg8[%swap3A_39, %swap3A_40], %concatenate3A_38 {strides = array<i32>} : memref<1000x16xf32, #tpu.memory_space<vmem>>, vector<1000x16xf32>,
    return
  }
  func.func @transform_0(%arg0: i32) -> (i32, i32) {
    %c0_i32 = arith.constant 0 : i32
    %c0_i32_0 = arith.constant 0 : i32
    return %arg0, %c0_i32 : i32, i32
  }
  func.func @transform_1(%arg0: i32) -> (i32, i32) {
    %c0_i32 = arith.constant 0 : i32
    %c0_i32_0 = arith.constant 0 : i32
    %c0_i32_1 = arith.constant 0 : i32
    return %c0_i32, %c0_i32_0 : i32, i32
  }
  func.func @transform_2(%arg0: i32) -> (i32, i32) {
    %c0_i32 = arith.constant 0 : i32
    %c0_i32_0 = arith.constant 0 : i32
    %c0_i32_1 = arith.constant 0 : i32
    return %c0_i32, %c0_i32_0 : i32, i32
  }
  func.func @transform_3(%arg0: i32) -> (i32, i32) {
    %c0_i32 = arith.constant 0 : i32
    %c0_i32_0 = arith.constant 0 : i32
    %c0_i32_1 = arith.constant 0 : i32
    return %c0_i32, %c0_i32_0 : i32, i32
  }
  func.func @transform_4(%arg0: i32) -> (i32, i32) {
    %c0_i32 = arith.constant 0 : i32
    %c0_i32_0 = arith.constant 0 : i32
    %c0_i32_1 = arith.constant 0 : i32
    return %c0_i32, %c0_i32_0 : i32, i32
  }
  func.func @transform_5(%arg0: i32) -> (i32, i32) {
    %c0_i32 = arith.constant 0 : i32
    %c0_i32_0 = arith.constant 0 : i32
    return %arg0, %c0_i32 : i32, i32
  }
  func.func @transform_6(%arg0: i32) -> (i32, i32) {
    %c0_i32 = arith.constant 0 : i32
    %c0_i32_0 = arith.constant 0 : i32
    return %arg0, %c0_i32 : i32, i32
  }
  func.func @transform_7(%arg0: i32) -> (i32, i32) {
    %c0_i32 = arith.constant 0 : i32
    %c0_i32_0 = arith.constant 0 : i32
    return %arg0, %c0_i32 : i32, i32
  }
}

</mosaic_0001>

<sc_bundles>
// kernel: kernel.5.cloned.1.call-start
scs
__scs_entry_jumppad:
0x0: {  	(pc) =	sbr.rel $0x88, $3  }
0x1: {  	(tag) =	ssettag $0x0;
	lr =	simm.s32 $0x1  }
0x2: {  	[smem:$0x3F98] =	sst lr;
	_ =	strace $0xD0000000  }
0x3: {  	_ = 	snop  }
0x4: {  	_ = 	snop  }
0x5: {  	_ = 	snop  }
0x6: {  	_ = 	snop  }
0x7: {  	_ = 	snop  }
__scs_overlays_trampoline_lowered:
0x8: {  	[smem:$0x3FA7] =	sst s0  }
0x9: {  	[smem:$0x3FA8] =	sst s1  }
0xa: {  	[smem:$0x3FA9] =	sst s2  }
0xb: {  	[smem:$0x3FAA] =	sst s3  }
0xc: {  	[smem:$0x3FAB] =	sst s4  }
0xd: {  	[smem:$0x3FAC] =	sst s5  }
0xe: {  	[smem:$0x3FAD] =	sst s6  }
0xf: {  	[smem:$0x3FAE] =	sst s7  }
0x10: {  	[smem:$0x3FAF] =	sst s8  }
0x11: {  	[smem:$0x3FB0] =	sst s9;
	s0 =	simm.s32 @!p0 $0x0  }
0x12: {  	s1 =	sld [smem:$0x3F96];
	s0 =	simm.s32 @p0 $0x1  }
0x13: {  	[smem:$0x3FB1] =	sst s0;
	s0 =	simm.s32 @!p1 $0x0  }
0x14: {  	s2 =	sld [smem:$0x3F95];
	s0 =	simm.s32 @p1 $0x1  }
0x15: {  	[smem:$0x3FB2] =	sst s0;
	s0 =	simm.s32 @!p2 $0x0  }
0x16: {  	s3 =	sld [smem:$0x3FDB];
	s0 =	simm.s32 @p2 $0x1  }
0x17: {  	s4 =	simm.s32 $0x1BF5;
	[smem:$0x3FB4] =	sst s0  }
0x18: {  	s0 =	sld [smem:$0x3F97];
	_ =	swait.ge [sflag:s4], $0x0  }
0x19: {  	s7 =	sld [smem:$0x3F98]  }
0x1a: {  	s8 =	sadd.s32 $0xFFFFE003, lr  }
0x1b: {  	s9 =	sadd.s32 $0xFFFFFEF7, lr;
	s5 =	simm.s32 $0xFFFFFFFF;
	p2 =	slt.u32 s8, $0xFFFFF086  }
0x1c: {  	p1 =	slt.u32 s9, $0xF7A;
	s5 =	simm.s32 @!p2 $0x0  }
0x1d: {  	s5 =	simm.s32 @p1 $0x1;
	p0 =	seq.s32 s7, s2  }
0x1e: {  	s7 =	smul.u32 @!p0 $0xF7A, s2;
	p2 =	seq.s32 @!p0 s5, $0x0  }
0x1f: {  	s9 =	smul.u32 $0xF7A, s1;
	s8 =	simm.s32 @!p0 $0x1BF5;
	p2 =	por !p2, p0  }
0x20: {  	[sflag:s8] =	ssyncset.s32 @!p0 $0xFFFFF086;
	s6 =	sadd.s32 @!p0 s3, s7;
	s7 =	simm.s32 @!p0 $0x108  }
0x21: {  	s3 =	sadd.s32 s3, s9;
	s6 =	sadd.s32 @!p0 $0x88, s6;
	s7 =	simm.s32 @p2 $0x1082  }
0x22: {  	[simem:s7], [sflag:s8] =	dma.local @!p0 [hbm:s6], $0xF7A  }
0x23: {  	s9 =	sor.u32 $0xD0000000, s2;
	s6 =	simm.s32 $0x108;
	_ =	swait.ge @!p0 [sflag:s8], $0x0  }
0x24: {  	s3 =	sadd.s32 $0x88, s3;
	s6 =	simm.s32 @!p1 $0x1082;
	[sflag:s4] =	ssyncset.s32 $0xFFFFF086  }
0x25: {  	[simem:s6], [sflag:s4] =	dma.local [hbm:s3], $0xF7A  }
0x26: {  	[smem:$0x3F98] =	sst s1;
	(tag) =	ssettag s2;
	_ =	strace s9  }
0x27: {  	s1 =	sld [smem:$0x3FA8]  }
0x28: {  	s2 =	sld [smem:$0x3FA9]  }
0x29: {  	s4 =	sld [smem:$0x3FAB]  }
0x2a: {  	p0 =	seq.s32 s5, $0x0;
	s5 =	sld [smem:$0x3FAC]  }
0x2b: {  	s6 =	sld [smem:$0x3FAD]  }
0x2c: {  	s7 =	sld [smem:$0x3FAE]  }
0x2d: {  	s3 =	simm.s32 $0x108;
	s8 =	sld [smem:$0x3FAF]  }
0x2e: {  	s3 =	simm.s32 @!p0 $0x1082;
	s9 =	sld [smem:$0x3FB0]  }
0x2f: {  	lr =	sadd.s32 s0, s3;
	s0 =	sld [smem:$0x3FA7]  }
0x30: {  	s3 =	sld [smem:$0x3FAA]  }
0x31: {  	[smem:$0x3FB3] =	sst s10  }
0x32: {  	s10 =	sld [smem:$0x3FB1];
	_ =	sdelay $0x3  }
0x33: {  	p0 =	seq.s32 s10, $0x1;
	s10 =	sld [smem:$0x3FB3];
	_ =	sdelay $0x3  }
0x34: {  	[smem:$0x3FB3] =	sst s10  }
0x35: {  	s10 =	sld [smem:$0x3FB2];
	_ =	sdelay $0x3  }
0x36: {  	p1 =	seq.s32 s10, $0x1;
	s10 =	sld [smem:$0x3FB3];
	_ =	sdelay $0x3  }
0x37: {  	[smem:$0x3FB3] =	sst s10  }
0x38: {  	s10 =	sld [smem:$0x3FB4]  }
0x39: {  	_ = 	snop;
	(pc) =	sbr.ind lr, $3  }
0x3a: {  	_ = 	snop  }
0x3b: {  	_ = 	snop  }
0x3c: {  	p2 =	seq.s32 s10, $0x1;
	s10 =	sld [smem:$0x3FB3]  }
0x3d: {  	_ =	shalt  }
0x3e: {  	_ =	shalt  }
0x3f: {  	_ =	shalt  }
0x40: {  	_ =	shalt  }
0x41: {  	_ =	shalt  }
0x42: {  	_ =	shalt  }
0x43: {  	_ =	shalt  }
0x44: {  	_ =	shalt  }
0x45: {  	_ =	shalt  }
0x46: {  	_ =	shalt  }
0x47: {  	_ =	shalt  }
0x48: {  	_ =	shalt  }
0x49: {  	_ =	shalt  }
0x4a: {  	_ =	shalt  }
0x4b: {  	_ =	shalt  }
0x4c: {  	_ =	shalt  }
0x4d: {  	_ =	shalt  }
0x4e: {  	_ =	shalt  }
0x4f: {  	_ =	shalt  }
0x50: {  	_ =	shalt  }
0x51: {  	_ =	shalt  }
0x52: {  	_ =	shalt  }
0x53: {  	_ =	shalt  }
0x54: {  	_ =	shalt  }
0x55: {  	_ =	shalt  }
0x56: {  	_ =	shalt  }
0x57: {  	_ =	shalt  }
0x58: {  	_ =	shalt  }
0x59: {  	_ =	shalt  }
0x5a: {  	_ =	shalt  }
0x5b: {  	_ =	shalt  }
0x5c: {  	_ =	shalt  }
0x5d: {  	_ =	shalt  }
0x5e: {  	_ =	shalt  }
0x5f: {  	_ =	shalt  }
0x60: {  	_ =	shalt  }
0x61: {  	_ =	shalt  }
0x62: {  	_ =	shalt  }
0x63: {  	_ =	shalt  }
0x64: {  	_ =	shalt  }
0x65: {  	_ =	shalt  }
0x66: {  	_ =	shalt  }
0x67: {  	_ =	shalt  }
0x68: {  	_ =	shalt  }
0x69: {  	_ =	shalt  }
0x6a: {  	_ =	shalt  }
0x6b: {  	_ =	shalt  }
0x6c: {  	_ =	shalt  }
0x6d: {  	_ =	shalt  }
0x6e: {  	_ =	shalt  }
0x6f: {  	_ =	shalt  }
0x70: {  	_ =	shalt  }
0x71: {  	_ =	shalt  }
0x72: {  	_ =	shalt  }
0x73: {  	_ =	shalt  }
0x74: {  	_ =	shalt  }
0x75: {  	_ =	shalt  }
0x76: {  	_ =	shalt  }
0x77: {  	_ =	shalt  }
0x78: {  	_ =	shalt  }
0x79: {  	_ =	shalt  }
0x7a: {  	_ =	shalt  }
0x7b: {  	_ =	shalt  }
0x7c: {  	_ =	shalt  }
0x7d: {  	_ =	shalt  }
0x7e: {  	_ =	shalt  }
0x7f: {  	_ =	shalt  }
0x80: {  	_ =	shalt  }
0x81: {  	_ =	shalt  }
0x82: {  	_ =	shalt  }
0x83: {  	_ =	shalt  }
0x84: {  	_ =	shalt  }
0x85: {  	_ =	shalt  }
0x86: {  	_ =	shalt  }
0x87: {  	_ =	shalt  }
.Lfunc_end0:
.L_simem_size_0:
called_computation_lowered:
.L_overlay_start_0:
0x88: {  	s2 =	sld [smem:$0x3FD9]  }
0x89: {  	s3 =	sld [smem:$0x3FFE];
	_ =	sdelay $0x1  }
0x8a: {  	s1 =	srdreg.scid  }
0x8b: {  	s0 =	sand.u32 $0x1, s1  }
0x8c: {  	s17 =	sshll.u32 s0, $0xA;
	s2 =	sadd.s32 s3, s2  }
0x8d: {  	s2 =	sadd.s32 s2, s17  }
0x8e: {  	[smem:$0x3FBF] =	sst s2  }
0x8f: {  	_ = 	snop  }
0x90: {  	s2 =	sld [smem:$0x3FC3]  }
0x91: {  	s18 =	sld [smem:$0x3FD0];
	(tm) =	ssettm $0x1  }
0x92: {  	s4 =	sld [smem:$0x3FFB];
	_ =	sdelay $0x3  }
0x93: {  	_ =	strace s4  }
0x94: {  	s4 =	sld [smem:$0x3FFC];
	_ =	sdelay $0x3  }
0x95: {  	_ =	strace s4  }
0x96: {  	s4 =	sld [smem:$0x3FFD];
	_ =	sdelay $0x3  }
0x97: {  	_ =	strace s4  }
0x98: {  	_ =	strace $0x8FFFFFFF  }
0x99: {  	s19 =	sld [smem:$0x3FDB];
	_ =	sdelay $0x1  }
0x9a: {  	s5 =	simm.s32 $_scs_section_size  }
0x9b: {  	s6 =	simm.s32 $_size__tile_overlayer_lowered;
	s7 =	simm.s32 $_tile_overlayer_lowered  }
0x9c: {  	s22 =	simm.s32 $0x1BFF;
	s21 =	sshll.u32 s7, $0x1;
	s4 =	sadd.s32 s5, s19  }
0x9d: {  	s8 =	simm.s32 $0x0;
	s20 =	sshll.u32 s6, $0x1;
	s6 =	sadd.s32 s21, s4  }
0x9e: {  	[timem:s8], [sflag:s22] =	dma.local [hbm:s6], s20  }
0x9f: {  	_ =	swait.ge [sflag:s22], s20  }
0xa0: {  	s5 =	ssub.s32 $0x0, s20;
	[sflag:s22] =	ssyncset.done $0x0  }
0xa1: {  	[sflag:s22] =	ssyncadd.s32 s5;
	_ =	sdelay $0x1  }
0xa2: {  	s23 =	simm.s32 $0x1B8B  }
0xa3: {  	_ =	swait.ge [sflag:s23], $0x1  }
0xa4: {  	[sflag:s23] =	ssyncset.done $0x0  }
0xa5: {  	s25 =	simm.s32 $0x1B8E;
	s24 =	sld [smem:$0x3FFE];
	[sflag:s23] =	ssyncadd.s32 $0xFFFFFFFF  }
0xa6: {  	s26 =	simm.s32 $execute0_lowered;
	[smem:$0x3FD2] =	sst s25  }
0xa7: {  	s6 =	sshll.u32 s26, $0x1;
	_ =	strace $0x80000046;
	[dreg:$0x1] =	wrdreg $0xFFFFFFFF  }
0xa8: {  	s28 =	simm.s32 $_size_execute0_lowered;
	s4 =	sadd.s32 s4, s6;
	[dreg:$0x0] =	wrdreg $0x0  }
0xa9: {  	s6 =	sshll.u32 s28, $0x1;
	[dreg:$0x2] =	wrdreg s4  }
0xaa: {  	[dreg:$0x3] =	wrdreg s6  }
0xab: {  	[dreg:$0x4] =	wrdreg $0xC0  }
0xac: {  	_ =	task [dreg:s8], $0x5FFFF  }
0xad: {  	[dreg:$0x1] =	wrdreg $0xFFFFFFFF  }
0xae: {  	[dreg:$0x0] =	wrdreg $0x60  }
0xaf: {  	[dreg:$0x2] =	wrdreg s18  }
0xb0: {  	[dreg:$0x3] =	wrdreg s24  }
0xb1: {  	[dreg:$0x4] =	wrdreg s2  }
0xb2: {  	[dreg:$0x5] =	wrdreg $0x9F800  }
0xb3: {  	[dreg:$0x6] =	wrdreg $0x9  }
0xb4: {  	_ =	task.clear_ibuf [dreg:s8], $0x7FFFF;
	_ =	strace $0x90000046  }
0xb5: {  	s29 =	simm.s32 $0x9;
	_ =	strace $0x80000048  }
0xb6: {  	_ =	swait.ge [sflag:s29], $0x1  }
0xb7: {  	[sflag:s29] =	ssyncadd.s32 $0xFFFFFFFF  }
0xb8: {  	_ =	strace $0x90000048  }
0xb9: {  	_ =	sfence  }
0xba: {  	s30 =	sld [smem:$0x0];
	_ =	sdelay $0x2  }
0xbb: {  	s31 =	sshll.u32 s1, $0xD;
	s1 =	sshrl.u32 s1, $0x2  }
0xbc: {  	s3 =	sand.u32 $0x4000, s31;
	s1 =	sadd.s32 s1, s30  }
0xbd: {  	s0 =	sor.u32 s3, s0;
	s1 =	sshll.u32 s1, $0x11  }
0xbe: {  	s0 =	sor.u32 s1, s0  }
0xbf: {  	s0 =	sadd.s32 $0x8F2B, s0  }
0xc0: {  	[sflag:s0] =	ssyncadd.remote.s32 $0x1  }
0xc1: {  	_ =	sfence.sel $0xFFFF  }
0xc2: {  	[dreg:$0x0] =	wrdreg $0xFFFFFFFF;
	(pc) =	sbr.abs _section_cstart, $3  }
0xc3: {  	[dreg:$0x1] =	wrdreg $0xFFFFFFFF  }
0xc4: {  	_ =	task.clear_ibuf [dreg:s8], $0x2FFFF;
	_ =	strace $0x9FFFFFFF  }
0xc5: {  	(tm) =	ssettm $0x7FFFFFFF  }
tec
execute0_lowered:
.L_overlay_start_1:
0x0: {  	(tag) =	ssettag $0x1  }
0x1: {  	s1 =	rddreg [dreg:$0x0]  }
0x2: {  	s0 =	rddreg [dreg:$0x1];
	s2 =	srdreg.scid  }
0x3: {  	s4 =	rddreg [dreg:$0x3];
	s28 =	stileid.u32  }
0x4: {  	s31 =	simm.s32 $0x0;
	s2 =	sand.u32 $0x1, s2;
	s5 =	sadd.s32 $0x1F200, s0  }
0x5: {  	s7 =	smul.u32 $0x13800, s28;
	s14 =	sshll.u32 s28, $0x1;
	p0 =	sne.s32 s28, $0xF  }
0x6: {  	s28 =	simm.s32 $0x9A80;
	s3 =	ssub.s32 $0x2, s2;
	s8 =	smul.u32 $0x138800, s2  }
0x7: {  	s2 =	sor.u32 s2, s14;
	s6 =	sshrl.u32 s3, $0x1;
	s9 =	sadd.s32 $0x5000, s7  }
0x8: {  	s10 =	sadd.s32 $0x7800, s7;
	s11 =	sadd.s32 $0xA000, s7;
	s13 =	sadd.s32 $0xC800, s7  }
0x9: {  	s19 =	sadd.s32 $0xF000, s7;
	s20 =	sadd.s32 $0x11800, s7;
	s3 =	ssub.s32 s3, s6  }
0xa: {  	s6 =	sadd.s32 $0x2800, s7;
	s12 =	sadd.s32 s7, s8;
	s14 =	sadd.s32 s8, s9  }
0xb: {  	s21 =	sadd.s32 s8, s11;
	s22 =	sadd.s32 s8, s13;
	s23 =	sadd.s32 s8, s19  }
0xc: {  	s29 =	sadd.s32 s8, s20;
	s7 =	sadd.s32 s7, s4;
	s12 =	sshrl.u32 s12, $0x3  }
0xd: {  	s15 =	sadd.s32 s8, s6;
	s16 =	sshrl.u32 s14, $0x3;
	s24 =	sshrl.u32 s22, $0x3  }
0xe: {  	s25 =	sshrl.u32 s23, $0x3;
	s30 =	sshrl.u32 s29, $0x3;
	s22 =	sadd.s32 s10, s4  }
0xf: {  	s23 =	sadd.s32 s11, s4;
	s12 =	sadd.s32 s5, s12;
	s26 =	sadd.s32 s5, s25  }
0x10: {  	s14 =	sadd.s32 s5, s30;
	s25 =	sadd.s32 s19, s4;
	[dreg:$0x5] =	wrdreg s12  }
0x11: {  	s30 =	smax.u32 s3, $0x1;
	s12 =	sshrl.u32 s15, $0x3;
	[dreg:$0xb] =	wrdreg s26  }
0x12: {  	s15 =	sadd.s32 s8, s10;
	s8 =	sshrl.u32 s8, $0x3;
	[dreg:$0xc] =	wrdreg s14  }
0x13: {  	s14 =	sadd.s32 $0x15200, s0;
	s26 =	sadd.s32 s20, s4;
	s10 =	simm.s32 $0x50  }
0x14: {  	s12 =	sadd.s32 s5, s12;
	s17 =	sshrl.u32 s15, $0x3;
	s15 =	sadd.s32 $0x1A200, s0  }
0x15: {  	[dreg:$0x6] =	wrdreg s12;
	s12 =	sadd.s32 s5, s16;
	s18 =	sadd.s32 s5, s17  }
0x16: {  	s16 =	sadd.s32 $0xB400, s0;
	[dreg:$0x7] =	wrdreg s12;
	s12 =	sshrl.u32 s21, $0x3  }
0x17: {  	s17 =	sadd.s32 $0x1600, s0;
	[dreg:$0x8] =	wrdreg s18;
	s12 =	sadd.s32 s5, s12  }
0x18: {  	s18 =	smul.u32 $0x2710, s2;
	[dreg:$0x9] =	wrdreg s12;
	s12 =	sadd.s32 s5, s24  }
0x19: {  	s21 =	sadd.s32 s9, s4;
	[dreg:$0xa] =	wrdreg s12;
	s12 =	simm.s32 $0x0  }
0x1a: {  	s5 =	sadd.s32 s5, s8;
	s8 =	sadd.s32 s6, s4;
	[smem:$0x7FF] =	sst s12  }
0x1b: {  	s11 =	sshrl.u32 s18, $0x3;
	_ =	strace $0x80000047;
	[dreg:$0xd] =	wrdreg s7  }
0x1c: {  	s24 =	sadd.s32 s13, s4;
	s13 =	sadd.s32 s16, s11;
	[dreg:$0xe] =	wrdreg s8  }
0x1d: {  	s19 =	sadd.s32 s17, s11;
	s0 =	sadd.s32 $0xA, s11;
	[dreg:$0xf] =	wrdreg s13  }
0x1e: {  	s2 =	sadd.s32 $0x138000, s4;
	s20 =	sadd.s32 s16, s0;
	[dreg:$0x10] =	wrdreg s19  }
0x1f: {  	v0 =	vlaneseq.u32;
	s9 =	simm.s32 $0x1;
	s0 =	sadd.s32 s17, s0;
	[dreg:$0x11] =	wrdreg s20  }
0x20: {  	v12 =	vmul.u32 $0x10, v0;
	s6 =	simm.s32 $0x480;
	s29 =	sadd.s32 $0x27000, s5;
	[dreg:$0x12] =	wrdreg s0  }
0x21: {  	v17 =	vimm.s32 $0x0;
	s5 =	simm.s32 $0x6;
	s11 =	simm.s32 $0x7C80;
	[dreg:$0x13] =	wrdreg s29  }
0x22: {  	v13 =	vimm.s32 $0x1;
	v14 =	vimm.s32 $0x2;
	v0 =	vimm.f32 $0.0e+00;
	[dreg:$0x14] =	wrdreg s30;
	s13 =	simm.s32 $0x8B80;
	s8 =	simm.s32 $0x3;
	[tilespmem:$0x1FFF0] =	vst v12  }
.LBB2_1:
0x23: {  	s0 =	rddreg [dreg:$0x2]  }
0x24: {  	[tilespmem:s12], [sflag:$0x6] =	stream.linear.gather [hbm4b:s0+s12], $0x200, $0x38;
	[tilespmem:$0x1D800] =	vst v63  }
0x25: {  	_ =	swait.ge [sflag:s5], $0x200  }
0x26: {  	[sflag:s5] =	ssyncset.done $0x0  }
0x27: {  	[sflag:s5] =	ssyncadd.s32 $0xFFFFFE00  }
0x28: {  	v36 =	vld [tilespmem:$0x0]  }
0x29: {  	v18 =	vld [tilespmem:$0x10]  }
0x2a: {  	v19 =	vld [tilespmem:$0x20]  }
0x2b: {  	v20 =	vld [tilespmem:$0x30]  }
0x2c: {  	v25 =	vld [tilespmem:$0x40]  }
0x2d: {  	v22 =	vld [tilespmem:$0x50]  }
0x2e: {  	v23 =	vld [tilespmem:$0x60]  }
0x2f: {  	v16 =	vld [tilespmem:$0x70]  }
0x30: {  	v24 =	vld [tilespmem:$0x80]  }
0x31: {  	v26 =	vld [tilespmem:$0x90]  }
0x32: {  	v27 =	vld [tilespmem:$0xA0]  }
0x33: {  	v28 =	vld [tilespmem:$0xB0]  }
0x34: {  	v30 =	vld [tilespmem:$0xC0]  }
0x35: {  	v29 =	vld [tilespmem:$0xD0]  }
0x36: {  	v31 =	vld [tilespmem:$0xE0]  }
0x37: {  	v32 =	vld [tilespmem:$0xF0]  }
0x38: {  	v33 =	vld [tilespmem:$0x100]  }
0x39: {  	v34 =	vld [tilespmem:$0x110]  }
0x3a: {  	v35 =	vld [tilespmem:$0x120]  }
0x3b: {  	v15 =	vld [tilespmem:$0x130]  }
0x3c: {  	v1 =	vld [tilespmem:$0x140]  }
0x3d: {  	v60 =	vld [tilespmem:$0x160]  }
0x3e: {  	v62 =	vld [tilespmem:$0x180]  }
0x3f: {  	v63 =	vld [tilespmem:$0x190]  }
0x40: {  	v2 =	vld [tilespmem:$0x1A0]  }
0x41: {  	v3 =	vld [tilespmem:$0x1B0]  }
0x42: {  	[tilespmem:$0x1FFD0] =	vst v1;
	v1 =	vld [tilespmem:$0x150]  }
0x43: {  	v4 =	vld [tilespmem:$0x1C0]  }
0x44: {  	v61 =	vld [tilespmem:$0x1D0]  }
0x45: {  	v5 =	vld [tilespmem:$0x1E0]  }
0x46: {  	v6 =	vld [tilespmem:$0x1F0]  }
0x47: {  	s3 =	simm.s32 $0x200;
	s0 =	simm.s32 $0x0;
	[tilespmem:$0x1FFE0] =	vst v1;
	v1 =	vld [tilespmem:$0x170]  }
.LBB2_2:
0x48: {  	p1 =	sne.s32 s3, $0x9E00;
	[tilespmem:s0+$0x4F0] =	vst v0  }
0x49: {  	[tilespmem:s0+$0x480] =	vst v0  }
0x4a: {  	[tilespmem:s0+$0x490] =	vst v0  }
.Ltmp0:
0x4b: {  	[tilespmem:s0+$0x4A0] =	vst v0;
	(pc) =	sbr.rel @p1 .LBB2_2-.Ltmp0, $4  }
0x4c: {  	[tilespmem:s0+$0x4B0] =	vst v0  }
0x4d: {  	[tilespmem:s0+$0x4C0] =	vst v0  }
0x4e: {  	[tilespmem:s0+$0x4D0] =	vst v0  }
0x4f: {  	[tilespmem:s0+$0x4E0] =	vst v0;
	s0 =	sshra.s32 s3, $0x2;
	s3 =	sadd.s32 $0x200, s3  }
0x50: {  	[tilespmem:s0+$0x4F0] =	vst v0  }
0x51: {  	[tilespmem:s0+$0x480] =	vst v0  }
0x52: {  	[tilespmem:s0+$0x490] =	vst v0  }
0x53: {  	[tilespmem:s0+$0x4A0] =	vst v0  }
0x54: {  	[tilespmem:s0+$0x4B0] =	vst v0  }
0x55: {  	[tilespmem:s0+$0x4C0] =	vst v0  }
0x56: {  	[tilespmem:s0+$0x4D0] =	vst v0  }
0x57: {  	[tilespmem:s0+$0x4E0] =	vst v0;
	s19 =	rddreg [dreg:$0xd]  }
0x58: {  	[spmem:s19] =	stream.linear.scatter [tilespmem:s6], [sflag:$0x6], $0x2800, $0x38;
	[tilespmem:$0x1D800] =	vst v63  }
0x59: {  	_ =	swait.ge [sflag:s5], $0x2800  }
0x5a: {  	[sflag:s5] =	ssyncset.done $0x0  }
0x5b: {  	s20 =	rddreg [dreg:$0xe];
	[sflag:s5] =	ssyncadd.s32 $0xFFFFD800  }
0x5c: {  	[spmem:s20] =	stream.linear.scatter [tilespmem:s6], [sflag:$0x6], $0x2800, $0x38;
	[tilespmem:$0x1D800] =	vst v63  }
0x5d: {  	_ =	swait.ge [sflag:s5], $0x2800  }
0x5e: {  	[sflag:s5] =	ssyncset.done $0x0  }
0x5f: {  	[sflag:s5] =	ssyncadd.s32 $0xFFFFD800  }
0x60: {  	[spmem:s21] =	stream.linear.scatter [tilespmem:s6], [sflag:$0x6], $0x2800, $0x38;
	[tilespmem:$0x1D800] =	vst v63  }
0x61: {  	_ =	swait.ge [sflag:s5], $0x2800  }
0x62: {  	[sflag:s5] =	ssyncset.done $0x0  }
0x63: {  	[sflag:s5] =	ssyncadd.s32 $0xFFFFD800  }
0x64: {  	[spmem:s22] =	stream.linear.scatter [tilespmem:s6], [sflag:$0x6], $0x2800, $0x38;
	[tilespmem:$0x1D800] =	vst v63  }
0x65: {  	_ =	swait.ge [sflag:s5], $0x2800  }
0x66: {  	[sflag:s5] =	ssyncset.done $0x0  }
0x67: {  	[sflag:s5] =	ssyncadd.s32 $0xFFFFD800  }
0x68: {  	[spmem:s23] =	stream.linear.scatter [tilespmem:s6], [sflag:$0x6], $0x2800, $0x38;
	[tilespmem:$0x1D800] =	vst v63  }
0x69: {  	_ =	swait.ge [sflag:s5], $0x2800  }
0x6a: {  	[sflag:s5] =	ssyncset.done $0x0  }
0x6b: {  	[sflag:s5] =	ssyncadd.s32 $0xFFFFD800  }
0x6c: {  	[spmem:s24] =	stream.linear.scatter [tilespmem:s6], [sflag:$0x6], $0x2800, $0x38;
	[tilespmem:$0x1D800] =	vst v63  }
0x6d: {  	_ =	swait.ge [sflag:s5], $0x2800  }
0x6e: {  	[sflag:s5] =	ssyncset.done $0x0  }
0x6f: {  	[sflag:s5] =	ssyncadd.s32 $0xFFFFD800  }
0x70: {  	[spmem:s25] =	stream.linear.scatter [tilespmem:s6], [sflag:$0x6], $0x2800, $0x38;
	[tilespmem:$0x1D800] =	vst v63  }
0x71: {  	_ =	swait.ge [sflag:s5], $0x2800  }
0x72: {  	[sflag:s5] =	ssyncset.done $0x0  }
0x73: {  	[sflag:s5] =	ssyncadd.s32 $0xFFFFD800  }
0x74: {  	[spmem:s26] =	stream.linear.scatter [tilespmem:s6], [sflag:$0x6], $0x2000, $0x38;
	[tilespmem:$0x1D800] =	vst v63  }
0x75: {  	_ =	swait.ge [sflag:s5], $0x2000  }
0x76: {  	[sflag:s5] =	ssyncset.done $0x0  }
0x77: {  	s0 =	simm.s32 @!p0 $0x480;
	[sflag:s5] =	ssyncadd.s32 $0xFFFFE000  }
0x78: {  	[spmem:s2] =	stream.linear.scatter @!p0 [tilespmem:s0], [sflag:$0x6], $0x800, $0x38;
	[tilespmem:$0x1D800] =	vst v63  }
0x79: {  	s0 =	simm.s32 @!p0 $0x6  }
0x7a: {  	_ =	swait.ge @!p0 [sflag:s0], $0x800  }
0x7b: {  	[sflag:s0] =	ssyncset.done @!p0 $0x0  }
0x7c: {  	[sflag:s0] =	ssyncadd.s32 @!p0 $0xFFFFF800  }
0x7d: {  	[bflag:$0x0] =	sbarrier.arrive $0xFFFF  }
0x7e: {  	s7 =	simm.s32 $0x200;
	s0 =	simm.s32 $0x0;
	s3 =	rddreg [dreg:$0xf]  }
0x7f: {  	[tilespmem:s7], [sflag:$0x1] =	stream.linear.gather [hbm4b:s3+s0], $0x50, $0x38;
	[tilespmem:$0x1D800] =	vst v63  }
0x80: {  	s19 =	simm.s32 $0x340;
	s29 =	rddreg [dreg:$0x10]  }
0x81: {  	[tilespmem:s19], [sflag:$0x1] =	stream.linear.gather [hbm4b:s29+s0], $0x50, $0x38;
	[tilespmem:$0x1D800] =	vst v63  }
0x82: {  	s20 =	simm.s32 $0x250;
	s30 =	rddreg [dreg:$0x11]  }
0x83: {  	[tilespmem:s20], [sflag:$0x2] =	stream.linear.gather [hbm4b:s30+s0], $0x50, $0x38;
	[tilespmem:$0x1D800] =	vst v63  }
0x84: {  	s29 =	rddreg [dreg:$0x12];
	s30 =	simm.s32 $0x390  }
0x85: {  	[tilespmem:s30], [sflag:$0x2] =	stream.linear.gather [hbm4b:s29+s0], $0x50, $0x38;
	[tilespmem:$0x1D800] =	vst v63  }
0x86: {  	_ =	swait.ge [sflag:s9], $0x50  }
0x87: {  	[sflag:s9] =	ssyncset.done $0x0  }
0x88: {  	[sflag:s9] =	ssyncadd.s32 $0xFFFFFFB0  }
0x89: {  	_ =	swait.ge [sflag:s9], $0x50  }
0x8a: {  	[tilespmem:$0x1FEC0] =	vst v5  }
0x8b: {  	[tilespmem:$0x1FED0] =	vst v1  }
0x8c: {  	[tilespmem:$0x1FEE0] =	vst v2  }
0x8d: {  	[tilespmem:$0x1FEF0] =	vst v3  }
0x8e: {  	[tilespmem:$0x1FF00] =	vst v4  }
0x8f: {  	[tilespmem:$0x1FF10] =	vst v6  }
0x90: {  	[tilespmem:$0x1FF20] =	vst v61  }
0x91: {  	[tilespmem:$0x1FF30] =	vst v63  }
0x92: {  	[tilespmem:$0x1FF40] =	vst v62  }
0x93: {  	[tilespmem:$0x1FF50] =	vst v60  }
0x94: {  	[tilespmem:$0x1FF60] =	vst v15  }
0x95: {  	[tilespmem:$0x1FF70] =	vst v32  }
0x96: {  	[tilespmem:$0x1FF80] =	vst v34  }
0x97: {  	[sflag:s9] =	ssyncset.done $0x0;
	[tilespmem:$0x1FF90] =	vst v29  }
0x98: {  	[tilespmem:$0x1FFA0] =	vst v28;
	[sflag:s9] =	ssyncadd.s32 $0xFFFFFFB0  }
0x99: {  	[tilespmem:s6], [sflag:$0x3] =	stream.indirect.gather [hbm4b:s1+s10], $0x80, s7, s10, $0xb8;
	[tilespmem:$0x1D800] =	vst v63  }
0x9a: {  	[tilespmem:$0x1FFB0] =	vst v16  }
0x9b: {  	[tilespmem:s11], [sflag:$0x3] =	stream.indirect.gather [hbm4b:s14+s10], $0x10, s7, s10, $0xb8;
	[tilespmem:$0x1D800] =	vst v63  }
0x9c: {  	[tilespmem:$0x1FFC0] =	vst v24  }
0x9d: {  	[tilespmem:s13], [sflag:$0x3] =	stream.indirect.gather [hbm4b:s15+s10], $0x10, s19, s10, $0xb8;
	[tilespmem:$0x1D800] =	vst v63  }
.LBB2_4:
0x9e: {  	p1 =	slt.u32 s0, $0x2  }
0x9f: {  	p2 =	sgt.u32 @!p1 s0, $0x7A  }
0xa0: {  	p2 =	por p1, !p2  }
.Ltmp1:
0xa1: {  	s3 =	sand.u32 @!p1 $0x1, s0;
	(pc) =	sbr.rel @!p2 .LBB2_6-.Ltmp1, $4  }
0xa2: {  	s7 =	sor.u32 @!p1 $0x4, s3  }
0xa3: {  	_ =	swait.ge @!p1 [sflag:s7], $0x2800  }
0xa4: {  	[sflag:s7] =	ssyncset.done @!p1 $0x0  }
0xa5: {  	[sflag:s7] =	ssyncadd.s32 @!p1 $0xFFFFD800  }
0xa6: {  	s7 =	sadd.s32 $0x2, s0  }
0xa7: {  	s19 =	smul.u32 $0x50, s7  }
0xa8: {  	s7 =	sand.u32 $0x3, s7  }
0xa9: {  	s3 =	smov.u32 @p1 s0;
	s7 =	smul.u32 $0x50, s7;
	s19 =	sadd.s32 s18, s19  }
0xaa: {  	s3 =	sadd.s32 $0x1, s3;
	s19 =	sshrl.u32 s19, $0x3  }
.Ltmp2:
0xab: {  	s20 =	sor.u32 $0x200, s7;
	s29 =	sadd.s32 s16, s19;
	(pc) =	sbr.rel .LBB2_7-.Ltmp2, $4  }
0xac: {  	[tilespmem:s20], [sflag:s3] =	stream.linear.gather [hbm4b:s29+s12], $0x50, $0x38;
	[tilespmem:$0x1D800] =	vst v63  }
0xad: {  	v37 =	vld [tilespmem:$0x1FFE0];
	s7 =	sadd.s32 $0x340, s7;
	s19 =	sadd.s32 s17, s19  }
0xae: {  	[tilespmem:s7], [sflag:s3] =	stream.linear.gather [hbm4b:s19+s12], $0x50, $0x38;
	[tilespmem:$0x1D800] =	vst v63  }
0xaf: {  	s7 =	sadd.s32 $0x1, s0  }
.LBB2_6:
0xb0: {  	p1 =	seq.s32 s0, $0x7C  }
.Ltmp3:
0xb1: {  	_ = 	snop;
	(pc) =	sbr.rel @p1 .LBB2_8-.Ltmp3, $3  }
0xb2: {  	_ = 	snop  }
0xb3: {  	v37 =	vld [tilespmem:$0x1FFE0];
	_ =	sdelay $0x1  }
0xb4: {  	s7 =	simm.s32 $0x7C;
	s3 =	simm.s32 $0x7D  }
.LBB2_7:
0xb5: {  	s3 =	smul.u32 $0xAB, s7;
	_ =	sdelay $0x1  }
0xb6: {  	s3 =	sshrl.u32 s3, $0x9  }
0xb7: {  	s19 =	sand.u32 $0x1, s7;
	s3 =	sand.u32 $0x7F, s3  }
0xb8: {  	s19 =	sadd.s32 $0x1, s19;
	s3 =	smul.u32 $0x3, s3  }
0xb9: {  	_ =	swait.ge [sflag:s19], $0x50  }
0xba: {  	[sflag:s19] =	ssyncset.done $0x0;
	s3 =	ssub.s32 s7, s3  }
0xbb: {  	[sflag:s19] =	ssyncadd.s32 $0xFFFFFFB0;
	s3 =	sand.u32 $0xFF, s3  }
0xbc: {  	s20 =	sand.u32 $0x3, s7;
	_ =	swait.ge [sflag:s19], $0x50;
	s29 =	smul.u32 $0xA000, s3  }
0xbd: {  	s20 =	smul.u32 $0x50, s20;
	[sflag:s19] =	ssyncset.done $0x0  }
0xbe: {  	[sflag:s19] =	ssyncadd.s32 $0xFFFFFFB0;
	s30 =	sshrl.u32 s29, $0x2  }
0xbf: {  	s3 =	smul.u32 $0x500, s3;
	s29 =	sor.u32 $0x200, s20;
	s19 =	sor.u32 $0x480, s30  }
0xc0: {  	[tilespmem:s19], [sflag:$0x3] =	stream.indirect.gather [hbm4b:s1+s10], $0x80, s29, s10, $0xb8;
	[tilespmem:$0x1D800] =	vst v63  }
0xc1: {  	s30 =	sadd.s32 $0x7C80, s3  }
0xc2: {  	[tilespmem:s30], [sflag:$0x3] =	stream.indirect.gather [hbm4b:s14+s10], $0x10, s29, s10, $0xb8;
	[tilespmem:$0x1D800] =	vst v63  }
0xc3: {  	s3 =	sadd.s32 $0x8B80, s3;
	s30 =	sadd.s32 $0x340, s20  }
0xc4: {  	[tilespmem:s3], [sflag:$0x3] =	stream.indirect.gather [hbm4b:s15+s10], $0x10, s30, s10, $0xb8;
	[tilespmem:$0x1D800] =	vst v63  }
0xc5: {  	s3 =	smov.u32 s7  }
.LBB2_8:
0xc6: {  	s7 =	sand.u32 $0xFF, s0  }
0xc7: {  	s7 =	smul.u32 $0xAB, s7;
	_ =	sdelay $0x1  }
0xc8: {  	s7 =	sshrl.u32 s7, $0x9  }
0xc9: {  	s7 =	smul.u32 $0x3, s7;
	_ =	sdelay $0x1  }
0xca: {  	s7 =	ssub.s32 s0, s7  }
0xcb: {  	s7 =	sand.u32 $0xFF, s7  }
0xcc: {  	v0 =	vmov s7  }
0xcd: {  	v0 =	vmul.u32 $0x500, v0  }
0xce: {  	_ =	swait.ge [sflag:s8], $0x2800;
	s19 =	simm.s32 $0x0  }
0xcf: {  	[sflag:s8] =	ssyncset.done $0x0;
	v5 =	vbroadcast v0, $0x0;
	v0 =	vmov s19  }
0xd0: {  	[sflag:s8] =	ssyncadd.s32 $0xFFFFD800;
	v0 =	vshll.u32 v0, $0x4  }
0xd1: {  	_ =	swait.ge [sflag:s8], $0x500;
	v39 =	vor.u32 v12, v0  }
0xd2: {  	[sflag:s8] =	ssyncset.done $0x0;
	v0 =	vadd.s32 v5, v39  }
0xd3: {  	[sflag:s8] =	ssyncadd.s32 $0xFFFFFB00  }
0xd4: {  	_ =	swait.ge [sflag:s8], $0x500;
	v1 =	vor.u32 $0x1, v0  }
0xd5: {  	[sflag:s8] =	ssyncset.done $0x0  }
0xd6: {  	[sflag:s8] =	ssyncadd.s32 $0xFFFFFB00;
	v2 =	vor.u32 $0x2, v0  }
0xd7: {  	v3 =	vld.idx.msk [tilespmem:v0+s11+$0x0], $0xffff  }
0xd8: {  	v4 =	vld.idx.msk [tilespmem:v0+s13+$0x0], $0xffff;
	v0 =	vor.u32 $0x3, v0  }
0xd9: {  	s29 =	simm.s32 $0x10;
	v6 =	vld.idx.msk [tilespmem:v1+s11+$0x0], $0xffff  }
0xda: {  	v7 =	vmov s29;
	v1 =	vld.idx.msk [tilespmem:v1+s13+$0x0], $0xffff  }
0xdb: {  	v7 =	vshll.u32 v7, $0x4;
	v8 =	vld.idx.msk [tilespmem:v2+s11+$0x0], $0xffff  }
0xdc: {  	v38 =	vor.u32 v12, v7;
	v9 =	vld.idx.msk [tilespmem:v2+s13+$0x0], $0xffff  }
0xdd: {  	v10 =	vadd.s32 v5, v38;
	v7 =	vld.idx.msk [tilespmem:v0+s11+$0x0], $0xffff  }
0xde: {  	v41 =	vor.u32 $0x2, v10;
	v0 =	vld.idx.msk [tilespmem:v0+s13+$0x0], $0xffff;
	_ =	sdelay $0x3  }
0xdf: {  	v11 =	vor.u32 $0x1, v10;
	v3 =	vmul.f32 v4, v3;
	v2 =	vmul.f32 v1, v6  }
0xe0: {  	v43 =	vld.idx.msk [tilespmem:v41+s11+$0x0], $0xffff;
	v4 =	vmul.f32 v9, v8;
	v0 =	vmul.f32 v0, v7  }
0xe1: {  	s30 =	simm.s32 $0x20;
	v41 =	vld.idx.msk [tilespmem:v41+s13+$0x0], $0xffff;
	v8 =	vor.u32 $0x3, v10  }
0xe2: {  	v40 =	vmov s30;
	v6 =	vld.idx.msk [tilespmem:v10+s11+$0x0], $0xffff;
	v1 =	vadd.f32 v2, v3;
	v9 =	vadd.f32 v0, v4  }
0xe3: {  	v42 =	vshll.u32 v40, $0x4;
	v7 =	vld.idx.msk [tilespmem:v10+s13+$0x0], $0xffff  }
0xe4: {  	v10 =	vld.idx.msk [tilespmem:v11+s11+$0x0], $0xffff;
	v40 =	vadd.f32 v9, v1;
	v1 =	vor.u32 v12, v42  }
0xe5: {  	v11 =	vld.idx.msk [tilespmem:v11+s13+$0x0], $0xffff;
	v46 =	vadd.s32 v5, v1  }
0xe6: {  	v47 =	vld.idx.msk [tilespmem:v8+s11+$0x0], $0xffff;
	v59 =	vsub.s32 $0x7EF477D5, v40  }
0xe7: {  	v48 =	vld.idx.msk [tilespmem:v8+s13+$0x0], $0xffff;
	v8 =	vmul.f32 v59, v40  }
0xe8: {  	v45 =	vor.u32 $0x1, v46  }
0xe9: {  	v44 =	vsub.f32 $2.000000000e+00, v8  }
0xea: {  	v43 =	vmul.f32 v41, v43;
	v9 =	vor.u32 $0x2, v46;
	v8 =	vld.idx.msk [tilespmem:v46+s11+$0x0], $0xffff  }
0xeb: {  	v6 =	vmul.f32 v7, v6;
	v44 =	vmul.f32 v59, v44  }
0xec: {  	s19 =	simm.s32 $0x30;
	v7 =	vmul.f32 v11, v10;
	v41 =	vmul.f32 v48, v47;
	v42 =	vld.idx.msk [tilespmem:v46+s13+$0x0], $0xffff;
	v46 =	vor.u32 $0x3, v46  }
.LBB2_9:
0xed: {  	v10 =	vmov s19;
	p1 =	seq.s32 s19, $0x40;
	v11 =	vld.idx.msk [tilespmem:v45+s11+$0x0], $0xffff;
	v40 =	vmul.f32 v44, v40;
	v47 =	vmovc v38;
	v38 =	vmovc v1;
	v48 =	vmov v4  }
0xee: {  	v1 =	vshll.u32 v10, $0x4;
	v10 =	vld.idx.msk [tilespmem:v45+s13+$0x0], $0xffff;
	v45 =	vadd.f32 v7, v6;
	v49 =	vadd.f32 v41, v43;
	v4 =	vmovc v43  }
0xef: {  	v52 =	vmovc v0;
	v51 =	vmovc v8;
	v0 =	vmov v41;
	v1 =	vor.u32 v12, v1;
	v43 =	vld.idx.msk [tilespmem:v9+s11+$0x0], $0xffff;
	v50 =	vsub.f32 $2.000000000e+00, v40  }
0xf0: {  	v41 =	vadd.s32 v5, v1;
	v53 =	vld.idx.msk [tilespmem:v9+s13+$0x0], $0xffff;
	v40 =	vadd.f32 v49, v45  }
0xf1: {  	v49 =	vld.idx.msk [tilespmem:v46+s11+$0x0], $0xffff;
	v44 =	vmul.f32 v50, v44;
	v50 =	vor.u32 $0x1, v39  }
0xf2: {  	v55 =	vor.u32 $0x2, v39;
	v54 =	vld.idx.msk [tilespmem:v46+s13+$0x0], $0xffff;
	v46 =	vsub.s32 $0x7EF477D5, v40  }
0xf3: {  	v57 =	vor.u32 $0x3, v39;
	v9 =	vmul.f32 v46, v40;
	v56 =	vmul.f32 v44, v3;
	v3 =	vmovc v6  }
.Ltmp4:
0xf4: {  	v45 =	vor.u32 $0x1, v41;
	v58 =	vmul.f32 v44, v2;
	v2 =	vmov v7;
	(pc) =	sbr.rel @!p1 .LBB2_9-.Ltmp4, $4  }
0xf5: {  	v48 =	vmul.f32 v44, v48;
	v8 =	vld.idx.msk [tilespmem:v41+s11+$0x0], $0xffff;
	v59 =	vsub.f32 $2.000000000e+00, v9;
	[tilespmem:v39+s28+$0x0] =	vst.idx.msk $0xffff, v56;
	v39 =	vmov v47  }
0xf6: {  	v6 =	vmul.f32 v42, v51;
	v9 =	vor.u32 $0x2, v41;
	v47 =	vmul.f32 v44, v52;
	[tilespmem:v50+s28+$0x0] =	vst.idx.msk $0xffff, v58  }
0xf7: {  	v7 =	vmul.f32 v10, v11;
	v42 =	vld.idx.msk [tilespmem:v41+s13+$0x0], $0xffff;
	v44 =	vmul.f32 v46, v59;
	[tilespmem:v55+s28+$0x0] =	vst.idx.msk $0xffff, v48  }
0xf8: {  	s19 =	sadd.s32 $0x10, s19;
	v43 =	vmul.f32 v53, v43;
	v46 =	vor.u32 $0x3, v41;
	v41 =	vmul.f32 v54, v49;
	[tilespmem:v57+s28+$0x0] =	vst.idx.msk $0xffff, v47  }
0xf9: {  	_ =	sdelay $0x3  }
0xfa: {  	v5 =	vld.idx.msk [tilespmem:v45+s11+$0x0], $0xffff  }
0xfb: {  	v10 =	vld.idx.msk [tilespmem:v45+s13+$0x0], $0xffff  }
0xfc: {  	v11 =	vld.idx.msk [tilespmem:v9+s11+$0x0], $0xffff  }
0xfd: {  	v9 =	vld.idx.msk [tilespmem:v9+s13+$0x0], $0xffff  }
0xfe: {  	v58 =	vld.idx.msk [tilespmem:v46+s11+$0x0], $0xffff  }
0xff: {  	v59 =	vld.idx.msk [tilespmem:v46+s13+$0x0], $0xffff;
	_ =	sdelay $0x2  }
0x100: {  	v47 =	vadd.f32 v7, v6;
	v48 =	vadd.f32 v41, v43  }
0x101: {  	v8 =	vmul.f32 v42, v8;
	v5 =	vmul.f32 v10, v5  }
0x102: {  	v10 =	vadd.f32 v48, v47;
	v9 =	vmul.f32 v9, v11;
	v11 =	vmul.f32 v59, v58;
	_ =	sdelay $0x1  }
0x103: {  	v49 =	vsub.s32 $0x7EF477D5, v10;
	v50 =	vadd.f32 v5, v8;
	v46 =	vadd.f32 v11, v9  }
0x104: {  	v47 =	vmul.f32 v49, v10  }
0x105: {  	v40 =	vmul.f32 v44, v40;
	v45 =	vadd.f32 v46, v50  }
0x106: {  	v51 =	vsub.f32 $2.000000000e+00, v47  }
0x107: {  	v40 =	vsub.f32 $2.000000000e+00, v40;
	v52 =	vsub.s32 $0x7EF477D5, v45  }
0x108: {  	v42 =	vmul.f32 v49, v51;
	v53 =	vmul.f32 v52, v45  }
0x109: {  	v40 =	vmul.f32 v40, v44  }
0x10a: {  	v54 =	vor.u32 $0x1, v39;
	v10 =	vmul.f32 v42, v10;
	v46 =	vsub.f32 $2.000000000e+00, v53  }
0x10b: {  	v55 =	vor.u32 $0x2, v39;
	v3 =	vmul.f32 v40, v3  }
0x10c: {  	v49 =	vor.u32 $0x3, v39;
	v10 =	vsub.f32 $2.000000000e+00, v10;
	v46 =	vmul.f32 v52, v46  }
0x10d: {  	v2 =	vmul.f32 v40, v2;
	v4 =	vmul.f32 v40, v4  }
0x10e: {  	[tilespmem:v39+s28+$0x0] =	vst.idx.msk $0xffff, v3;
	v3 =	vmul.f32 v10, v42;
	v10 =	vor.u32 $0x1, v38;
	v56 =	vmul.f32 v46, v45  }
0x10f: {  	v0 =	vmul.f32 v40, v0;
	[tilespmem:v54+s28+$0x0] =	vst.idx.msk $0xffff, v2;
	v2 =	vor.u32 $0x2, v38  }
0x110: {  	[tilespmem:v55+s28+$0x0] =	vst.idx.msk $0xffff, v4;
	v4 =	vmul.f32 v3, v6;
	v6 =	vor.u32 $0x3, v38;
	v39 =	vsub.f32 $2.000000000e+00, v56  }
0x111: {  	[tilespmem:v49+s28+$0x0] =	vst.idx.msk $0xffff, v0;
	v0 =	vmul.f32 v3, v7  }
0x112: {  	v57 =	vor.u32 $0x1, v1;
	[tilespmem:v38+s28+$0x0] =	vst.idx.msk $0xffff, v4;
	v4 =	vmul.f32 v3, v43;
	v7 =	vmul.f32 v39, v46  }
0x113: {  	[tilespmem:v10+s28+$0x0] =	vst.idx.msk $0xffff, v0;
	v0 =	vmul.f32 v3, v41;
	v3 =	vor.u32 $0x2, v1  }
0x114: {  	[tilespmem:v2+s28+$0x0] =	vst.idx.msk $0xffff, v4;
	v2 =	vmul.f32 v7, v8;
	v4 =	vor.u32 $0x3, v1  }
0x115: {  	[tilespmem:v6+s28+$0x0] =	vst.idx.msk $0xffff, v0;
	v0 =	vmul.f32 v7, v5  }
0x116: {  	[tilespmem:v1+s28+$0x0] =	vst.idx.msk $0xffff, v2;
	v1 =	vmul.f32 v7, v9  }
0x117: {  	[tilespmem:v57+s28+$0x0] =	vst.idx.msk $0xffff, v0;
	v0 =	vmul.f32 v7, v11  }
0x118: {  	[tilespmem:v3+s28+$0x0] =	vst.idx.msk $0xffff, v1  }
0x119: {  	s20 =	simm.s32 $0x9A90;
	[tilespmem:v4+s28+$0x0] =	vst.idx.msk $0xffff, v0  }
0x11a: {  	v0 =	vld [tilespmem:s20+$0xFFFFFFF0]  }
0x11b: {  	v1 =	vld [tilespmem:s20+$0x0];
	_ =	sdelay $0x4  }
0x11c: {  	v2 =	vperm.xlane v0, v17;
	v3 =	vperm.xlane v1, v17  }
0x11d: {  	v41 =	vperm.xlane v0, v13;
	v46 =	vperm.xlane v1, v13  }
0x11e: {  	v56 =	vperm.xlane v1, v14;
	v4 =	vmul.f32 v2, v36  }
0x11f: {  	v39 =	vmul.f32 v2, v18;
	v40 =	vmul.f32 v2, v19  }
0x120: {  	v5 =	vmul.f32 v2, v22;
	v8 =	vmul.f32 v2, v16  }
0x121: {  	v21 =	vmovc v36;
	v36 =	vimm.s32 $0x3;
	v10 =	vmul.f32 v2, v25;
	v11 =	vmul.f32 v2, v23  }
0x122: {  	v2 =	vmul.f32 v2, v20;
	v7 =	vperm.xlane v1, v36  }
0x123: {  	v58 =	vmul.f32 v3, v21;
	v51 =	vmul.f32 v41, v28  }
0x124: {  	v45 =	vmul.f32 v7, v62;
	v62 =	vmul.f32 v46, v24;
	_ =	sdelay $0x1  }
0x125: {  	v44 =	vadd.f32 v51, v2;
	v2 =	vmul.f32 v56, v33;
	v47 =	vadd.f32 v62, v58  }
0x126: {  	v42 =	vmul.f32 v3, v18;
	v52 =	vmul.f32 v41, v29  }
0x127: {  	v59 =	vmul.f32 v41, v24;
	v54 =	vmul.f32 v46, v26;
	v2 =	vadd.f32 v2, v47  }
0x128: {  	v49 =	vmul.f32 v3, v22;
	v53 =	vadd.f32 v52, v5;
	v5 =	vmul.f32 v46, v29  }
0x129: {  	v50 =	vmul.f32 v7, v63;
	v63 =	vadd.f32 v54, v42;
	v54 =	vadd.f32 v45, v2;
	v2 =	vld [tilespmem:$0x1FED0]  }
0x12a: {  	v43 =	vmul.f32 v7, v61;
	v61 =	vperm.xlane v0, v14  }
0x12b: {  	v6 =	vmul.f32 v3, v20;
	v48 =	vmul.f32 v41, v32  }
0x12c: {  	v4 =	vadd.f32 v59, v4;
	v62 =	vadd.f32 v5, v49;
	v5 =	vmul.f32 v61, v33  }
0x12d: {  	v12 =	vld [tilespmem:$0x1FEF0];
	v9 =	vmul.f32 v3, v19;
	v1 =	vmul.f32 v41, v30;
	v8 =	vadd.f32 v48, v8  }
0x12e: {  	v42 =	vperm.xlane v0, v36;
	v5 =	vadd.f32 v5, v4;
	v4 =	vmul.f32 v61, v2  }
0x12f: {  	v0 =	vmul.f32 v41, v31;
	v36 =	vmul.f32 v3, v23  }
0x130: {  	s7 =	smul.u32 $0xA000, s7;
	v24 =	vadd.f32 v1, v10;
	v10 =	vmul.f32 v46, v32;
	v4 =	vadd.f32 v4, v8;
	v8 =	vld [tilespmem:$0x1FF10]  }
0x131: {  	v58 =	vmul.f32 v3, v25;
	v3 =	vmul.f32 v3, v16  }
0x132: {  	s19 =	sshrl.u32 s7, $0x2;
	v13 =	vld [tilespmem:$0x1FEE0];
	v38 =	vmul.f32 v7, v12;
	v51 =	vadd.f32 v0, v11  }
0x133: {  	s30 =	sor.u32 $0x500, s19;
	v12 =	vld [tilespmem:$0x1FF00];
	v0 =	vmul.f32 v46, v31;
	v1 =	vmovc v60;
	v3 =	vadd.f32 v10, v3;
	v32 =	vmul.f32 v56, v2  }
0x134: {  	v11 =	vmul.f32 v46, v27;
	v10 =	vmul.f32 v56, v1;
	v1 =	vld [tilespmem:s30+$0x70]  }
0x135: {  	v0 =	vadd.f32 v0, v36;
	v36 =	vld [tilespmem:$0x1FEC0];
	v3 =	vadd.f32 v32, v3;
	[tilespmem:$0x1FEA0] =	vst v4;
	v4 =	vmul.f32 v7, v8;
	_ =	sdelay $0x1  }
0x136: {  	v49 =	vadd.f32 v11, v9;
	v9 =	vld [tilespmem:s30+$0x60];
	v3 =	vadd.f32 v4, v3;
	_ =	sdelay $0x1  }
0x137: {  	v59 =	vmul.f32 v7, v12;
	v4 =	vmul.f32 v1, v3;
	v1 =	vld [tilespmem:$0x1FEA0]  }
0x138: {  	v45 =	vmul.f32 v7, v13;
	v0 =	vadd.f32 v10, v0;
	v7 =	vmul.f32 v7, v36  }
0x139: {  	v52 =	vmul.f32 v46, v28  }
0x13a: {  	v14 =	vld [tilespmem:$0x1FFD0];
	[tilespmem:$0x1FEB0] =	vst v9;
	v9 =	vadd.f32 v7, v0;
	v7 =	vmul.f32 v42, v8  }
0x13b: {  	v55 =	vmul.f32 v41, v27;
	v6 =	vadd.f32 v52, v6;
	v57 =	vmul.f32 v61, v60  }
0x13c: {  	v48 =	vmul.f32 v61, v15;
	v52 =	vmul.f32 v42, v13;
	v7 =	vadd.f32 v7, v1;
	v1 =	vld [tilespmem:$0x1FEB0]  }
0x13d: {  	v47 =	vmul.f32 v61, v34;
	v11 =	vmul.f32 v56, v35  }
0x13e: {  	v10 =	vmul.f32 v56, v34;
	v60 =	vmul.f32 v42, v36  }
0x13f: {  	v2 =	vmul.f32 v56, v15;
	v32 =	vmul.f32 v61, v14  }
0x140: {  	s7 =	sor.u32 $0x480, s19;
	v49 =	vadd.f32 v11, v49;
	v0 =	vmul.f32 v42, v12;
	v8 =	vmul.f32 v61, v37  }
0x141: {  	s19 =	simm.s32 $0x0;
	s29 =	smov.u32 s30;
	s20 =	simm.s32 $0x9AB0;
	v61 =	vmul.f32 v61, v35;
	v3 =	vadd.f32 v32, v24;
	v11 =	vmul.f32 v1, v9;
	v9 =	vld [tilespmem:s30+$0x10]  }
.LBB2_11:
0x142: {  	v34 =	vld [tilespmem:$0x1FF40]  }
0x143: {  	v12 =	vmul.f32 v41, v26;
	v6 =	vadd.f32 v2, v6;
	v15 =	vld [tilespmem:$0x1FF20];
	v44 =	vadd.f32 v48, v44  }
0x144: {  	v41 =	vmul.f32 v56, v37;
	v16 =	vld [tilespmem:$0x1FF30];
	v10 =	vadd.f32 v10, v63;
	v55 =	vadd.f32 v55, v40  }
0x145: {  	v1 =	vld [tilespmem:s20+$0xFFFFFFF0];
	v8 =	vadd.f32 v8, v53;
	v40 =	vmul.f32 v46, v30;
	v13 =	vadd.f32 v0, v3  }
0x146: {  	v48 =	vld [tilespmem:s29+$0x20];
	v45 =	vadd.f32 v45, v49;
	v41 =	vadd.f32 v41, v62  }
0x147: {  	v32 =	vld [tilespmem:s29+$0x50];
	v29 =	vimm.s32 $0x2;
	v12 =	vadd.f32 v12, v39;
	v40 =	vadd.f32 v40, v58  }
0x148: {  	v63 =	vld [tilespmem:s20+$0x0];
	[tilespmem:s29+$0x60] =	vst v11;
	v10 =	vadd.f32 v50, v10;
	v46 =	vmul.f32 v56, v14;
	v11 =	vmul.f32 v42, v34  }
0x149: {  	v41 =	vadd.f32 v43, v41;
	v2 =	vmul.f32 v42, v15;
	v56 =	vmul.f32 v42, v16  }
0x14a: {  	v12 =	vadd.f32 v47, v12;
	v50 =	vperm.xlane v1, v17;
	v9 =	vmul.f32 v9, v10  }
0x14b: {  	v24 =	vld [tilespmem:$0x1FFB0];
	[tilespmem:s29+$0x70] =	vst v4;
	v4 =	vperm.xlane v1, v29;
	v48 =	vmul.f32 v48, v45;
	v10 =	vadd.f32 v46, v40  }
0x14c: {  	v3 =	vmul.f32 v32, v41;
	v32 =	vimm.s32 $0x1;
	v5 =	vadd.f32 v11, v5;
	v11 =	vld [tilespmem:s29+$0xFFFFFF80]  }
0x14d: {  	v58 =	vld [tilespmem:s29+$0x0];
	v8 =	vadd.f32 v2, v8;
	v2 =	vperm.xlane v63, v17;
	v62 =	vmul.f32 v50, v21  }
0x14e: {  	v28 =	vld [tilespmem:$0x1FFC0];
	v41 =	vperm.xlane v1, v32;
	v40 =	vmul.f32 v50, v19;
	v17 =	vimm.s32 $0x3  }
0x14f: {  	v46 =	vld [tilespmem:s29+$0xFFFFFFF0];
	v47 =	vmul.f32 v50, v20;
	v12 =	vadd.f32 v56, v12;
	[tilespmem:s29+$0x50] =	vst v3;
	v3 =	vperm.xlane v63, v17  }
0x150: {  	v53 =	vld [tilespmem:s29+$0x40];
	[tilespmem:s29+$0x10] =	vst v9;
	v56 =	vperm.xlane v63, v29;
	v9 =	vadd.f32 v59, v10;
	v10 =	vmul.f32 v50, v18  }
0x151: {  	v59 =	vadd.f32 v57, v51;
	v43 =	vmul.f32 v3, v15;
	v15 =	vld [tilespmem:$0x1FEF0];
	v5 =	vmul.f32 v5, v11  }
0x152: {  	v51 =	vmul.f32 v54, v58;
	v54 =	vmul.f32 v50, v22;
	v11 =	vld [tilespmem:s29+$0xFFFFFFD0]  }
0x153: {  	v57 =	vmul.f32 v50, v24;
	v0 =	vmul.f32 v2, v20;
	[tilespmem:s29+$0xFFFFFF80] =	vst v5;
	v5 =	vadd.f32 v60, v59;
	v60 =	vld [tilespmem:s29+$0xFFFFFFE0]  }
0x154: {  	v7 =	vmul.f32 v46, v7;
	v46 =	vperm.xlane v63, v32;
	v59 =	vld [tilespmem:s29+$0xFFFFFF90]  }
0x155: {  	v39 =	vmov v10;
	v10 =	vmul.f32 v50, v25;
	v9 =	vmul.f32 v53, v9  }
0x156: {  	[tilespmem:s29+$0xFFFFFFF0] =	vst v7;
	v7 =	vmul.f32 v2, v21;
	v32 =	vmul.f32 v46, v28  }
0x157: {  	v8 =	vmul.f32 v11, v8;
	v11 =	vmul.f32 v50, v23  }
0x158: {  	v50 =	vld [tilespmem:s29+$0xFFFFFFB0];
	v5 =	vmul.f32 v60, v5;
	v60 =	vmul.f32 v42, v15  }
0x159: {  	v6 =	vadd.f32 v38, v6;
	[tilespmem:s29+$0x40] =	vst v9;
	v12 =	vmul.f32 v59, v12;
	v59 =	vmul.f32 v3, v34;
	v34 =	vld [tilespmem:$0x1FF70]  }
0x15a: {  	v55 =	vadd.f32 v61, v55;
	v9 =	vmul.f32 v2, v18;
	[tilespmem:s29+$0xFFFFFFD0] =	vst v8;
	v8 =	vmul.f32 v41, v28;
	v28 =	vld [tilespmem:$0x1FFA0]  }
0x15b: {  	v7 =	vadd.f32 v32, v7;
	v32 =	vmul.f32 v46, v26;
	v42 =	vadd.f32 v60, v44;
	[tilespmem:s29+$0xFFFFFFE0] =	vst v5;
	v5 =	vld [tilespmem:s29+$0x30]  }
0x15c: {  	v14 =	vmul.f32 v2, v19;
	v38 =	vmul.f32 v3, v15;
	[tilespmem:s29+$0xFFFFFF90] =	vst v12;
	v12 =	vadd.f32 v52, v55;
	v55 =	vld [tilespmem:s29+$0xFFFFFFA0]  }
0x15d: {  	v63 =	vadd.f32 v32, v9;
	v32 =	vld [tilespmem:$0x1FF80];
	v52 =	vmul.f32 v2, v22;
	v42 =	vmul.f32 v50, v42  }
0x15e: {  	[tilespmem:s29+$0x0] =	vst v51;
	v50 =	vmul.f32 v3, v16;
	v16 =	vld [tilespmem:$0x1FF90];
	v60 =	vmul.f32 v41, v34  }
0x15f: {  	v51 =	vld [tilespmem:s29+$0xFFFFFFC0];
	v61 =	vmul.f32 v41, v28;
	[tilespmem:s29+$0xFFFFFFB0] =	vst v42;
	v42 =	vperm.xlane v1, v17  }
0x160: {  	v1 =	vmul.f32 v41, v31;
	v5 =	vmul.f32 v5, v6  }
0x161: {  	v9 =	vmul.f32 v55, v12;
	v55 =	vmul.f32 v41, v27  }
0x162: {  	v44 =	vadd.f32 v61, v47;
	v47 =	vmul.f32 v4, v32;
	v12 =	vmul.f32 v2, v23  }
0x163: {  	v58 =	vmul.f32 v41, v16;
	v6 =	vmul.f32 v46, v16;
	[tilespmem:s29+$0x30] =	vst v5  }
0x164: {  	v8 =	vadd.f32 v8, v62;
	v5 =	vmul.f32 v51, v13;
	[tilespmem:s29+$0xFFFFFFA0] =	vst v9;
	v9 =	vmul.f32 v56, v33  }
0x165: {  	v15 =	vld [tilespmem:$0x1FED0];
	v51 =	vadd.f32 v1, v11;
	v1 =	vmul.f32 v46, v31;
	v11 =	vadd.f32 v60, v57  }
0x166: {  	v17 =	vld [tilespmem:$0x1FF00];
	v60 =	vmul.f32 v42, v36;
	v53 =	vadd.f32 v58, v54;
	v58 =	vmul.f32 v2, v25  }
0x167: {  	v61 =	vld [tilespmem:$0x1FEE0];
	v62 =	vadd.f32 v6, v52;
	v6 =	vmul.f32 v41, v30;
	v7 =	vadd.f32 v9, v7  }
0x168: {  	[tilespmem:s29+$0xFFFFFFC0] =	vst v5;
	v5 =	vmul.f32 v4, v33;
	v9 =	vmul.f32 v46, v27  }
0x169: {  	v16 =	vld [tilespmem:$0x1FF50];
	v1 =	vadd.f32 v1, v12;
	v12 =	vmul.f32 v2, v24;
	v54 =	vadd.f32 v59, v7  }
0x16a: {  	v7 =	vmul.f32 v4, v15;
	v13 =	vadd.f32 v6, v10;
	v10 =	vmul.f32 v56, v15;
	v15 =	vld [tilespmem:$0x1FF60]  }
0x16b: {  	v5 =	vadd.f32 v5, v8;
	v8 =	vmul.f32 v46, v28;
	v6 =	vmul.f32 v46, v34;
	v34 =	vld [tilespmem:$0x1FF10]  }
0x16c: {  	v45 =	vmul.f32 v3, v61;
	v59 =	vmul.f32 v3, v17;
	v9 =	vadd.f32 v9, v14  }
0x16d: {  	v14 =	vmul.f32 v56, v35;
	v12 =	vadd.f32 v6, v12;
	v6 =	vadd.f32 v8, v0;
	v0 =	vld [tilespmem:$0x1FFD0]  }
0x16e: {  	s30 =	sadd.s32 $0x100, s30;
	v57 =	vmul.f32 v4, v16;
	v49 =	vmul.f32 v56, v16;
	v7 =	vadd.f32 v7, v11  }
0x16f: {  	s19 =	sadd.s32 $0x2, s19;
	v11 =	vld [tilespmem:s30+$0x70];
	v8 =	vmul.f32 v4, v37;
	v12 =	vadd.f32 v10, v12;
	v10 =	vmul.f32 v56, v32  }
0x170: {  	p1 =	slt.u32 s19, $0x4E;
	[tilespmem:s29+$0x20] =	vst v48;
	v16 =	vld [tilespmem:s30+$0x60];
	v1 =	vadd.f32 v49, v1;
	v48 =	vmul.f32 v4, v15;
	v52 =	vmul.f32 v3, v34  }
.Ltmp5:
0x171: {  	v49 =	vadd.f32 v14, v9;
	v2 =	vmul.f32 v56, v15;
	v3 =	vmul.f32 v3, v36;
	(pc) =	sbr.rel @p1 .LBB2_11-.Ltmp5, $4  }
0x172: {  	v15 =	vmul.f32 v4, v0;
	v0 =	vmul.f32 v42, v17;
	v12 =	vadd.f32 v52, v12  }
0x173: {  	v52 =	vmul.f32 v42, v61;
	v17 =	vmul.f32 v42, v34;
	v1 =	vadd.f32 v3, v1  }
0x174: {  	v14 =	vld [tilespmem:$0x1FFD0];
	v61 =	vmul.f32 v4, v35;
	v4 =	vmul.f32 v11, v12;
	v3 =	vadd.f32 v15, v13  }
0x175: {  	s20 =	sadd.s32 $0x20, s20;
	s29 =	smov.u32 s30;
	v9 =	vld [tilespmem:s30+$0x10];
	v7 =	vadd.f32 v17, v7;
	v17 =	vimm.s32 $0x0;
	v11 =	vmul.f32 v16, v1  }
0x176: {  	v1 =	vmul.f32 v56, v37  }
0x177: {  	[tilespmem:s29+$0x60] =	vst v11  }
0x178: {  	v1 =	vadd.f32 v1, v62;
	v62 =	vld [tilespmem:$0x1FF40];
	_ =	sdelay $0x2  }
0x179: {  	v10 =	vadd.f32 v10, v63;
	v37 =	vld [tilespmem:s29+$0x50]  }
0x17a: {  	v12 =	vld [tilespmem:s29+$0xFFFFFF80]  }
0x17b: {  	v10 =	vadd.f32 v50, v10;
	v13 =	vmul.f32 v42, v62  }
0x17c: {  	v1 =	vadd.f32 v43, v1  }
0x17d: {  	v9 =	vmul.f32 v9, v10;
	v5 =	vadd.f32 v13, v5  }
0x17e: {  	v1 =	vmul.f32 v37, v1  }
0x17f: {  	[tilespmem:s29+$0x10] =	vst v9;
	v5 =	vmul.f32 v5, v12  }
0x180: {  	[tilespmem:s29+$0x50] =	vst v1  }
0x181: {  	v46 =	vmul.f32 v46, v30;
	[tilespmem:s29+$0xFFFFFF80] =	vst v5  }
0x182: {  	v37 =	vld [tilespmem:$0x1FF20]  }
0x183: {  	v50 =	vld [tilespmem:s29+$0xFFFFFFF0];
	v63 =	vmul.f32 v56, v14;
	v10 =	vadd.f32 v46, v58  }
0x184: {  	v14 =	vld [tilespmem:s29+$0x40]  }
0x185: {  	v9 =	vadd.f32 v63, v10;
	v13 =	vld [tilespmem:s29+$0x0]  }
0x186: {  	v12 =	vld [tilespmem:s29+$0xFFFFFFD0]  }
0x187: {  	v8 =	vadd.f32 v8, v53;
	v9 =	vadd.f32 v59, v9;
	v34 =	vmul.f32 v42, v37  }
0x188: {  	v7 =	vmul.f32 v50, v7  }
0x189: {  	v9 =	vmul.f32 v14, v9;
	v63 =	vld [tilespmem:$0x1FF30];
	[tilespmem:s29+$0x70] =	vst v4;
	v5 =	vadd.f32 v34, v8  }
0x18a: {  	v32 =	vmul.f32 v41, v26;
	v41 =	vmul.f32 v54, v13;
	[tilespmem:s29+$0xFFFFFFF0] =	vst v7  }
0x18b: {  	v15 =	vld [tilespmem:s29+$0xFFFFFFE0];
	[tilespmem:s29+$0x40] =	vst v9;
	v5 =	vmul.f32 v12, v5  }
0x18c: {  	v1 =	vadd.f32 v32, v39;
	v39 =	vld [tilespmem:s29+$0xFFFFFF90];
	[tilespmem:s29+$0x0] =	vst v41  }
0x18d: {  	v16 =	vadd.f32 v57, v51;
	v54 =	vld [tilespmem:s29+$0x30];
	[tilespmem:s29+$0xFFFFFFD0] =	vst v5  }
0x18e: {  	v56 =	vadd.f32 v55, v40;
	v1 =	vadd.f32 v47, v1;
	v36 =	vmul.f32 v42, v63;
	v51 =	vld [tilespmem:$0x1FEF0]  }
0x18f: {  	v2 =	vadd.f32 v2, v6;
	v43 =	vadd.f32 v60, v16;
	v58 =	vld [tilespmem:s29+$0xFFFFFFA0]  }
0x190: {  	v59 =	vadd.f32 v61, v56;
	v47 =	vld [tilespmem:s29+$0xFFFFFFC0];
	v1 =	vadd.f32 v36, v1  }
0x191: {  	v57 =	vld [tilespmem:s29+$0x20];
	v2 =	vadd.f32 v38, v2;
	v4 =	vmul.f32 v15, v43  }
0x192: {  	v0 =	vadd.f32 v0, v3;
	v46 =	vld [tilespmem:s29+$0xFFFFFFB0];
	v9 =	vadd.f32 v52, v59;
	v1 =	vmul.f32 v39, v1  }
0x193: {  	v50 =	vadd.f32 v48, v44;
	v2 =	vmul.f32 v54, v2;
	[tilespmem:s29+$0xFFFFFFE0] =	vst v4;
	v53 =	vmul.f32 v42, v51  }
0x194: {  	v60 =	vadd.f32 v45, v49;
	v61 =	vmul.f32 v58, v9;
	[tilespmem:s29+$0xFFFFFF90] =	vst v1  }
0x195: {  	v0 =	vmul.f32 v47, v0;
	[tilespmem:s29+$0x30] =	vst v2;
	v5 =	vadd.f32 v53, v50  }
0x196: {  	v1 =	vmul.f32 v57, v60;
	[tilespmem:s29+$0xFFFFFFA0] =	vst v61  }
0x197: {  	[tilespmem:s29+$0xFFFFFFC0] =	vst v0;
	v5 =	vmul.f32 v46, v5  }
0x198: {  	[tilespmem:s29+$0x20] =	vst v1  }
0x199: {  	[tilespmem:s29+$0xFFFFFFB0] =	vst v5  }
0x19a: {  	v12 =	vld [tilespmem:$0x1FFF0]  }
0x19b: {  	v16 =	vld [tilespmem:$0x1FFB0]  }
0x19c: {  	s19 =	sand.u32 $0x3, s0;
	v24 =	vld [tilespmem:$0x1FFC0]  }
0x19d: {  	p1 =	slt.u32 s3, $0x7D;
	s19 =	smul.u32 $0x140, s19;
	v28 =	vld [tilespmem:$0x1FFA0]  }
.Ltmp6:
0x19e: {  	v29 =	vld [tilespmem:$0x1FF90];
	(pc) =	sbr.rel @p1 .LBB2_4-.Ltmp6, $4  }
0x19f: {  	s30 =	sand.u32 $0x1, s0;
	s19 =	sshrl.u32 s19, $0x2;
	v32 =	vld [tilespmem:$0x1FF70]  }
0x1a0: {  	s0 =	sor.u32 $0x4, s30;
	s19 =	sadd.s32 $0x340, s19;
	v34 =	vld [tilespmem:$0x1FF80]  }
0x1a1: {  	[spmem:s4] =	stream.indirect.scatter.add.f32 [tilespmem:s7], [sflag:s0], $0x80, s19, s10, $0xb8;
	v15 =	vld [tilespmem:$0x1FF60]  }
0x1a2: {  	v14 =	vimm.s32 $0x2;
	v13 =	vimm.s32 $0x1;
	v36 =	vmovc v21;
	v61 =	vmov v37;
	s0 =	smov.u32 s3;
	v60 =	vld [tilespmem:$0x1FF50]  }
0x1a3: {  	s0 =	simm.s32 $0x5  }
0x1a4: {  	_ =	swait.ge [sflag:s0], $0x2800  }
0x1a5: {  	[sflag:s0] =	ssyncset.done $0x0  }
0x1a6: {  	s3 =	simm.s32 $0x4;
	[sflag:s0] =	ssyncadd.s32 $0xFFFFD800  }
0x1a7: {  	_ =	swait.ge [sflag:s3], $0x2800  }
0x1a8: {  	[sflag:s3] =	ssyncset.done $0x0  }
0x1a9: {  	[sflag:s3] =	ssyncadd.s32 $0xFFFFD800  }
0x1aa: {  	[bflag:$0x0] =	sbarrier.arrive $0xFFFF  }
0x1ab: {  	s7 =	rddreg [dreg:$0xd]  }
0x1ac: {  	[tilespmem:s6], [sflag:$0x6] =	stream.linear.gather [spmem:s7], $0x2800, $0x38;
	[tilespmem:$0x1D800] =	vst v63  }
0x1ad: {  	_ =	swait.ge [sflag:s5], $0x2800  }
0x1ae: {  	[sflag:s5] =	ssyncset.done $0x0  }
0x1af: {  	s19 =	rddreg [dreg:$0x5];
	[sflag:s5] =	ssyncadd.s32 $0xFFFFD800  }
0x1b0: {  	[hbm4b:s19+s12] =	stream.linear.scatter [tilespmem:s6], [sflag:$0x6], $0x2800, $0x38;
	[tilespmem:$0x1D800] =	vst v63  }
0x1b1: {  	_ =	swait.ge [sflag:s5], $0x2800  }
0x1b2: {  	[sflag:s5] =	ssyncset.done $0x0  }
0x1b3: {  	s20 =	rddreg [dreg:$0xe];
	[sflag:s5] =	ssyncadd.s32 $0xFFFFD800  }
0x1b4: {  	[tilespmem:s6], [sflag:$0x6] =	stream.linear.gather [spmem:s20], $0x2800, $0x38;
	[tilespmem:$0x1D800] =	vst v63  }
0x1b5: {  	_ =	swait.ge [sflag:s5], $0x2800  }
0x1b6: {  	[sflag:s5] =	ssyncset.done $0x0  }
0x1b7: {  	s29 =	rddreg [dreg:$0x6];
	[sflag:s5] =	ssyncadd.s32 $0xFFFFD800  }
0x1b8: {  	[hbm4b:s29+s12] =	stream.linear.scatter [tilespmem:s6], [sflag:$0x6], $0x2800, $0x38;
	[tilespmem:$0x1D800] =	vst v63  }
0x1b9: {  	_ =	swait.ge [sflag:s5], $0x2800  }
0x1ba: {  	[sflag:s5] =	ssyncset.done $0x0  }
0x1bb: {  	[sflag:s5] =	ssyncadd.s32 $0xFFFFD800  }
0x1bc: {  	[tilespmem:s6], [sflag:$0x6] =	stream.linear.gather [spmem:s21], $0x2800, $0x38;
	[tilespmem:$0x1D800] =	vst v63  }
0x1bd: {  	_ =	swait.ge [sflag:s5], $0x2800  }
0x1be: {  	[sflag:s5] =	ssyncset.done $0x0  }
0x1bf: {  	s30 =	rddreg [dreg:$0x7];
	[sflag:s5] =	ssyncadd.s32 $0xFFFFD800  }
0x1c0: {  	[hbm4b:s30+s12] =	stream.linear.scatter [tilespmem:s6], [sflag:$0x6], $0x2800, $0x38;
	[tilespmem:$0x1D800] =	vst v63  }
0x1c1: {  	_ =	swait.ge [sflag:s5], $0x2800  }
0x1c2: {  	[sflag:s5] =	ssyncset.done $0x0  }
0x1c3: {  	[sflag:s5] =	ssyncadd.s32 $0xFFFFD800  }
0x1c4: {  	[tilespmem:s6], [sflag:$0x6] =	stream.linear.gather [spmem:s22], $0x2800, $0x38;
	[tilespmem:$0x1D800] =	vst v63  }
0x1c5: {  	_ =	swait.ge [sflag:s5], $0x2800  }
0x1c6: {  	[sflag:s5] =	ssyncset.done $0x0  }
0x1c7: {  	s3 =	rddreg [dreg:$0x8];
	[sflag:s5] =	ssyncadd.s32 $0xFFFFD800  }
0x1c8: {  	[hbm4b:s3+s12] =	stream.linear.scatter [tilespmem:s6], [sflag:$0x6], $0x2800, $0x38;
	[tilespmem:$0x1D800] =	vst v63  }
0x1c9: {  	_ =	swait.ge [sflag:s5], $0x2800  }
0x1ca: {  	[sflag:s5] =	ssyncset.done $0x0  }
0x1cb: {  	[sflag:s5] =	ssyncadd.s32 $0xFFFFD800  }
0x1cc: {  	[tilespmem:s6], [sflag:$0x6] =	stream.linear.gather [spmem:s23], $0x2800, $0x38;
	[tilespmem:$0x1D800] =	vst v63  }
0x1cd: {  	_ =	swait.ge [sflag:s5], $0x2800  }
0x1ce: {  	[sflag:s5] =	ssyncset.done $0x0  }
0x1cf: {  	s7 =	rddreg [dreg:$0x9];
	[sflag:s5] =	ssyncadd.s32 $0xFFFFD800  }
0x1d0: {  	[hbm4b:s7+s12] =	stream.linear.scatter [tilespmem:s6], [sflag:$0x6], $0x2800, $0x38;
	[tilespmem:$0x1D800] =	vst v63  }
0x1d1: {  	_ =	swait.ge [sflag:s5], $0x2800  }
0x1d2: {  	[sflag:s5] =	ssyncset.done $0x0  }
0x1d3: {  	[sflag:s5] =	ssyncadd.s32 $0xFFFFD800  }
0x1d4: {  	[tilespmem:s6], [sflag:$0x6] =	stream.linear.gather [spmem:s24], $0x2800, $0x38;
	[tilespmem:$0x1D800] =	vst v63  }
0x1d5: {  	_ =	swait.ge [sflag:s5], $0x2800  }
0x1d6: {  	[sflag:s5] =	ssyncset.done $0x0  }
0x1d7: {  	s19 =	rddreg [dreg:$0xa];
	[sflag:s5] =	ssyncadd.s32 $0xFFFFD800  }
0x1d8: {  	[hbm4b:s19+s12] =	stream.linear.scatter [tilespmem:s6], [sflag:$0x6], $0x2800, $0x38;
	[tilespmem:$0x1D800] =	vst v63  }
0x1d9: {  	_ =	swait.ge [sflag:s5], $0x2800  }
0x1da: {  	[sflag:s5] =	ssyncset.done $0x0  }
0x1db: {  	[sflag:s5] =	ssyncadd.s32 $0xFFFFD800  }
0x1dc: {  	[tilespmem:s6], [sflag:$0x6] =	stream.linear.gather [spmem:s25], $0x2800, $0x38;
	[tilespmem:$0x1D800] =	vst v63  }
0x1dd: {  	_ =	swait.ge [sflag:s5], $0x2800  }
0x1de: {  	[sflag:s5] =	ssyncset.done $0x0  }
0x1df: {  	s20 =	rddreg [dreg:$0xb];
	[sflag:s5] =	ssyncadd.s32 $0xFFFFD800  }
0x1e0: {  	[hbm4b:s20+s12] =	stream.linear.scatter [tilespmem:s6], [sflag:$0x6], $0x2800, $0x38;
	[tilespmem:$0x1D800] =	vst v63  }
0x1e1: {  	_ =	swait.ge [sflag:s5], $0x2800  }
0x1e2: {  	[sflag:s5] =	ssyncset.done $0x0  }
0x1e3: {  	[sflag:s5] =	ssyncadd.s32 $0xFFFFD800  }
0x1e4: {  	[tilespmem:s6], [sflag:$0x6] =	stream.linear.gather [spmem:s26], $0x2000, $0x38;
	[tilespmem:$0x1D800] =	vst v63  }
0x1e5: {  	_ =	swait.ge [sflag:s5], $0x2000  }
0x1e6: {  	[sflag:s5] =	ssyncset.done $0x0  }
0x1e7: {  	s29 =	rddreg [dreg:$0xc];
	[sflag:s5] =	ssyncadd.s32 $0xFFFFE000  }
0x1e8: {  	[hbm4b:s29+s12] =	stream.linear.scatter [tilespmem:s6], [sflag:$0x6], $0x2000, $0x38;
	[tilespmem:$0x1D800] =	vst v63  }
0x1e9: {  	_ =	swait.ge [sflag:s5], $0x2000  }
0x1ea: {  	[sflag:s5] =	ssyncset.done $0x0  }
0x1eb: {  	s0 =	simm.s32 @!p0 $0x2C80;
	s3 =	simm.s32 @!p0 $0x6;
	[sflag:s5] =	ssyncadd.s32 $0xFFFFE000  }
0x1ec: {  	[tilespmem:s0], [sflag:$0x6] =	stream.linear.gather @!p0 [spmem:s2], $0x800, $0x38;
	[tilespmem:$0x1D800] =	vst v63  }
0x1ed: {  	_ =	swait.ge @!p0 [sflag:s3], $0x800  }
0x1ee: {  	[sflag:s3] =	ssyncset.done @!p0 $0x0  }
0x1ef: {  	s7 =	simm.s32 @!p0 $0x0;
	s19 =	rddreg [dreg:$0x13];
	[sflag:s3] =	ssyncadd.s32 @!p0 $0xFFFFF800  }
0x1f0: {  	[hbm4b:s19+s7] =	stream.linear.scatter @!p0 [tilespmem:s0], [sflag:$0x6], $0x800, $0x38;
	[tilespmem:$0x1D800] =	vst v63  }
0x1f1: {  	_ =	swait.ge @!p0 [sflag:s3], $0x800  }
0x1f2: {  	s31 =	sadd.s32 $0x1, s31;
	s30 =	rddreg [dreg:$0x14]  }
0x1f3: {  	p1 =	sne.s32 s31, s30  }
.Ltmp7:
0x1f4: {  	_ = 	snop;
	(pc) =	sbr.rel @p1 .LBB2_1-.Ltmp7, $3  }
0x1f5: {  	_ =	sdelay $0x1  }
0x1f6: {  	[sflag:s3] =	ssyncset.done @!p0 $0x0  }
0x1f7: {  	v0 =	vimm.f32 $0.0e+00;
	[sflag:s3] =	ssyncadd.s32 @!p0 $0xFFFFF800  }
0x1f8: {  	_ =	sfence.sel $0x180000  }
0x1f9: {  	[bflag:$0x0] =	sbarrier.arrive $0xFFFF  }
0x1fa: {  	_ =	strace $0x90000047  }
0x1fb: {  	s0 =	stileid.u32;
	[bflag:$0x2] =	sbarrier.arrive $0xFFFF  }
0x1fc: {  	p0 =	sne.s32 s0, $0x0;
	s0 =	rddreg [dreg:$0x4]  }
0x1fd: {  	s0 =	sadd.s32 @!p0 $0x100000, s0  }
0x1fe: {  	[sflag:s0] =	ssyncadd.tile.s32 @!p0 $0x1;
	_ =	shalt  }
.Lfunc_end2:
_tile_overlayer_lowered:
.L_overlay_start_2:
0x1ff: {  	(tag) =	ssettag $0x2  }
0x200: {  	s0 =	rddreg [dreg:$0x0];
	s2 =	stileid.u32  }
0x201: {  	s1 =	rddreg [dreg:$0x1];
	p0 =	sne.s32 s2, $0x0  }
0x202: {  	s3 =	rddreg [dreg:$0x2];
	[bflag:$0x3] =	sbarrier.arrive $0xFFFF;
	s2 =	simm.s32 @!p0 $0x1C06  }
0x203: {  	[timem:s3], [sflag:s2] =	dma.local @!p0 [hbm:s0], s1  }
0x204: {  	s0 =	simm.s32 @!p0 $0x6  }
0x205: {  	_ =	swait.ge @!p0 [sflag:s0], s1  }
0x206: {  	s1 =	ssub.s32 @!p0 $0x0, s1;
	[sflag:s0] =	ssyncset.done @!p0 $0x0  }
0x207: {  	[sflag:s0] =	ssyncadd.s32 @!p0 s1  }
0x208: {  	[bflag:$0x3] =	sbarrier.arrive $0xFFFF  }
0x209: {  	_ =	shalt  }

</sc_bundles>
